<compile_context>
chip_gen: v7x
topology: tpu7x:2x2x1
jax: 0.10.2.dev20260603
libtpu: 0.0.44.dev20260713+nightly
codegen_flags: <defaults>
</compile_context>

<pallas_src>
import functools

import jax
import jax.numpy as jnp
from jax import lax
from jax.experimental import pallas as pl
from jax.experimental.pallas import tpu as pltpu
from jax.experimental.pallas import tpu_sc as plsc

N = 10000
E = 320000
DF = 128
DE = 16
UN = 128
L = 3
HALF = 64
NSUB = 16
CH = 128
NCHUNK = E // CH
NSTRIPE = 10
ROWS_PER_SUB = N // NSTRIPE
PREC = lax.Precision.HIGHEST

BMN = 2000
BME = 2000



def _mm_bias_body(x_ref, w_ref, b_ref, o_ref):
    o_ref[...] = jnp.dot(x_ref[...], w_ref[...], precision=PREC) + b_ref[...]


def _h0(node_features, W1, b1):
    return pl.pallas_call(
        _mm_bias_body,
        grid=(N // BMN,),
        in_specs=[pl.BlockSpec((BMN, DF), lambda i: (i, 0)),
                  pl.BlockSpec((DF, UN), lambda i: (0, 0)),
                  pl.BlockSpec((1, UN), lambda i: (0, 0))],
        out_specs=pl.BlockSpec((BMN, UN), lambda i: (i, 0)),
        out_shape=jax.ShapeDtypeStruct((N, UN), jnp.float32),
    )(node_features, W1, b1.reshape(1, UN))


def _e0_body(ef_ref, w2_ref, b2_ref, c_ref, bc_ref, e_ref, ec_ref):
    e0 = jnp.dot(ef_ref[...], w2_ref[...], precision=PREC) + b2_ref[...]
    e_ref[...] = e0
    r = jnp.dot(e0, c_ref[...], precision=PREC) + bc_ref[...]
    ec_ref[0] = r[:, :HALF]
    ec_ref[1] = r[:, HALF:]


def _e0(edge_features, W2, b2, C0, bC0):
    return pl.pallas_call(
        _e0_body,
        grid=(E // BME,),
        in_specs=[pl.BlockSpec((BME, DE), lambda i: (i, 0)),
                  pl.BlockSpec((DE, UN), lambda i: (0, 0)),
                  pl.BlockSpec((1, UN), lambda i: (0, 0)),
                  pl.BlockSpec((UN, UN), lambda i: (0, 0)),
                  pl.BlockSpec((1, UN), lambda i: (0, 0))],
        out_specs=[pl.BlockSpec((BME, UN), lambda i: (i, 0)),
                   pl.BlockSpec((2, BME, HALF), lambda i: (0, i, 0))],
        out_shape=[jax.ShapeDtypeStruct((E, UN), jnp.float32),
                   jax.ShapeDtypeStruct((2, E, HALF), jnp.float32)],
    )(edge_features, W2, b2.reshape(1, UN), C0, bC0.reshape(1, UN))


def _nodemats_body(h_ref, w_ref, b_ref, o_ref):
    o_ref[0, 0] = jnp.dot(h_ref[...], w_ref[0, 0], precision=PREC) + b_ref[0, 0]


def _nodemats(h, W3, b3):
    return pl.pallas_call(
        _nodemats_body,
        grid=(3, 2),
        in_specs=[pl.BlockSpec((N, UN), lambda w, c: (0, 0)),
                  pl.BlockSpec((1, 1, UN, HALF), lambda w, c: (w, c, 0, 0)),
                  pl.BlockSpec((1, 1, 1, HALF), lambda w, c: (w, c, 0, 0))],
        out_specs=pl.BlockSpec((1, 1, N, HALF), lambda w, c: (w, c, 0, 0)),
        out_shape=jax.ShapeDtypeStruct((3, 2, N, HALF), jnp.float32),
    )(h, W3, b3)


def _edge_body_enew(e_ref, rh_ref, c_ref, bc_ref, ec_ref, enew_ref):
    en = e_ref[...] + jnp.concatenate([rh_ref[0], rh_ref[1]], axis=1)
    enew_ref[...] = en
    r = jnp.dot(en, c_ref[...], precision=PREC) + bc_ref[...]
    ec_ref[0] = r[:, :HALF]
    ec_ref[1] = r[:, HALF:]


def _edge_body(e_ref, rh_ref, c_ref, bc_ref, ec_ref):
    en = e_ref[...] + jnp.concatenate([rh_ref[0], rh_ref[1]], axis=1)
    r = jnp.dot(en, c_ref[...], precision=PREC) + bc_ref[...]
    ec_ref[0] = r[:, :HALF]
    ec_ref[1] = r[:, HALF:]


def _edge_tc(e, rhat, Cl, bCl, want_enew):
    in_specs = [pl.BlockSpec((BME, UN), lambda i: (i, 0)),
                pl.BlockSpec((2, BME, HALF), lambda i: (0, i, 0)),
                pl.BlockSpec((UN, UN), lambda i: (0, 0)),
                pl.BlockSpec((1, UN), lambda i: (0, 0))]
    ec_spec = pl.BlockSpec((2, BME, HALF), lambda i: (0, i, 0))
    ec_shape = jax.ShapeDtypeStruct((2, E, HALF), jnp.float32)
    if want_enew:
        return pl.pallas_call(
            _edge_body_enew,
            grid=(E // BME,),
            in_specs=in_specs,
            out_specs=[ec_spec, pl.BlockSpec((BME, UN), lambda i: (i, 0))],
            out_shape=[ec_shape, jax.ShapeDtypeStruct((E, UN), jnp.float32)],
        )(e, rhat, Cl, bCl.reshape(1, UN))
    return pl.pallas_call(
        _edge_body,
        grid=(E // BME,),
        in_specs=in_specs,
        out_specs=[ec_spec],
        out_shape=[ec_shape],
    )(e, rhat, Cl, bCl.reshape(1, UN))[0]


def _nodeupd_body(h_ref, u_ref, bu_ref, agg_ref, den_ref, al_ref, o_ref):
    hu = jnp.dot(h_ref[...], u_ref[...], precision=PREC) + bu_ref[...]
    a = jnp.concatenate([agg_ref[0], agg_ref[1]], axis=1)
    d = jnp.concatenate([den_ref[0], den_ref[1]], axis=1) + 1e-6
    upd = jnp.maximum(hu + a / d, 0.0)
    o_ref[...] = h_ref[...] + al_ref[...] * upd


def _nodeupd(h, Ul, bUl, aggc, denc, alpha):
    return pl.pallas_call(
        _nodeupd_body,
        grid=(N // BMN,),
        in_specs=[pl.BlockSpec((BMN, UN), lambda i: (i, 0)),
                  pl.BlockSpec((UN, UN), lambda i: (0, 0)),
                  pl.BlockSpec((1, UN), lambda i: (0, 0)),
                  pl.BlockSpec((2, BMN, HALF), lambda i: (0, i, 0)),
                  pl.BlockSpec((2, BMN, HALF), lambda i: (0, i, 0)),
                  pl.BlockSpec((BMN, 1), lambda i: (i, 0))],
        out_specs=pl.BlockSpec((BMN, UN), lambda i: (i, 0)),
        out_shape=jax.ShapeDtypeStruct((N, UN), jnp.float32),
    )(h, Ul, bUl.reshape(1, UN), aggc, denc, alpha)



_SC_MESH = plsc.VectorSubcoreMesh(core_axis_name="c", subcore_axis_name="s")


def _make_sc_edge(write_rhat):
    out_type = []
    if write_rhat:
        out_type.append(jax.ShapeDtypeStruct((2, E, HALF), jnp.float32))
    out_type += [jax.ShapeDtypeStruct((2, N, HALF), jnp.float32),
                 jax.ShapeDtypeStruct((2, N, HALF), jnp.float32)]
    scratch = [
        pltpu.VMEM((1, 128), jnp.int32),
        pltpu.VMEM((1, 128), jnp.int32),
        pltpu.VMEM((1, 128), jnp.int32),
        pltpu.VMEM((CH, HALF), jnp.float32),
        pltpu.VMEM((CH, HALF), jnp.float32),
        pltpu.VMEM((CH, HALF), jnp.float32),
        pltpu.VMEM((CH, HALF), jnp.float32),
        pltpu.VMEM_SHARED((N, HALF), jnp.float32),
        pltpu.VMEM_SHARED((N, HALF), jnp.float32),
        pltpu.SemaphoreType.DMA,
    ]

    @functools.partial(
        pl.kernel, mesh=_SC_MESH, out_type=out_type, scratch_types=scratch,
        compiler_params=pltpu.CompilerParams(use_tc_tiling_on_sc=False))
    def sc_edge(eC_hbm, src2_hbm, dst2_hbm, tabA, tabB, tabV, zrows_hbm, *rest):
        if write_rhat:
            rhat_hbm, agg_hbm, den_hbm = rest[0], rest[1], rest[2]
            rest = rest[3:]
        else:
            rhat_hbm = None
            agg_hbm, den_hbm = rest[0], rest[1]
            rest = rest[2:]
        sidx, didx, dadj, gA, gB, gV, eCb, agg_sh, den_sh, sem = rest

        c = lax.axis_index("c")
        s = lax.axis_index("s")
        cN = c * N

        stripe = pl.ds(s * ROWS_PER_SUB, ROWS_PER_SUB)

        @pl.when(s < NSTRIPE)
        def _():
            pltpu.sync_copy(zrows_hbm, agg_sh.at[stripe])
            pltpu.sync_copy(zrows_hbm, den_sh.at[stripe])
        plsc.subcore_barrier()

        nk = (NCHUNK + NSUB - 1) // NSUB

        def chunk(k, carry):
            t = s + NSUB * k

            @pl.when(t < NCHUNK)
            def _():
                pltpu.sync_copy(src2_hbm.at[pl.ds(t, 1)], sidx)
                pltpu.sync_copy(dst2_hbm.at[pl.ds(t, 1)], didx)

                def adj(i, cy):
                    sl = pl.ds(i * 16, 16)
                    sidx[0, sl] = sidx[0, sl] + cN
                    dadj[0, sl] = didx[0, sl] + cN
                    return cy
                lax.fori_loop(0, 8, adj, 0)

                cps = [
                    pltpu.async_copy(tabA.at[sidx.at[0]], gA, sem),
                    pltpu.async_copy(tabB.at[dadj.at[0]], gB, sem),
                    pltpu.async_copy(tabV.at[sidx.at[0]], gV, sem),
                ]
                pltpu.sync_copy(eC_hbm.at[c, pl.ds(t * CH, CH)], eCb)
                for cp in cps:
                    cp.wait()

                def comp(r, cy):
                    for j in range(4):
                        sl = pl.ds(j * 16, 16)
                        ehat = gA[r, sl] + gB[r, sl] + eCb[r, sl]
                        gA[r, sl] = jnp.maximum(ehat, 0.0)
                        eta = 1.0 / (1.0 + jnp.exp(-ehat))
                        gB[r, sl] = eta
                        gV[r, sl] = eta * gV[r, sl]
                    return cy
                lax.fori_loop(0, CH, comp, 0)

                if write_rhat:
                    pltpu.sync_copy(gA, rhat_hbm.at[c, pl.ds(t * CH, CH)])
                pltpu.sync_copy(gV, agg_sh.at[didx.at[0]], add=True)
                pltpu.sync_copy(gB, den_sh.at[didx.at[0]], add=True)
            return carry

        lax.fori_loop(0, nk, chunk, 0)
        plsc.subcore_barrier()

        @pl.when(s < NSTRIPE)
        def _():
            pltpu.sync_copy(agg_sh.at[stripe], agg_hbm.at[c, stripe])
            pltpu.sync_copy(den_sh.at[stripe], den_hbm.at[c, stripe])

    return sc_edge


_SC_EDGE_RH = _make_sc_edge(True)
_SC_EDGE_LAST = _make_sc_edge(False)



def kernel(node_features, edge_features, edge_index, alpha,
           W1, b1, W2, b2, U, bU, V, bV, A, bA, B, bB, C, bC):
    src2 = edge_index[0].reshape(E // 128, 128)
    dst2 = edge_index[1].reshape(E // 128, 128)
    zrows = jnp.zeros((ROWS_PER_SUB, HALF), jnp.float32)

    h = _h0(node_features, W1, b1)
    e, eCcat = _e0(edge_features, W2, b2, C[0], bC[0])

    for l in range(L):
        W3 = (jnp.stack([A[l], B[l], V[l]])
              .reshape(3, UN, 2, HALF).transpose(0, 2, 1, 3))
        b3 = jnp.stack([bA[l], bB[l], bV[l]]).reshape(3, 2, 1, HALF)
        tabs = _nodemats(h, W3, b3)
        tabA = tabs[0].reshape(2 * N, HALF)
        tabB = tabs[1].reshape(2 * N, HALF)
        tabV = tabs[2].reshape(2 * N, HALF)

        if l < L - 1:
            rhat, aggc, denc = _SC_EDGE_RH(
                eCcat, src2, dst2, tabA, tabB, tabV, zrows)
        else:
            aggc, denc = _SC_EDGE_LAST(
                eCcat, src2, dst2, tabA, tabB, tabV, zrows)

        h = _nodeupd(h, U[l], bU[l], aggc, denc, alpha)

        if l == 0:
            eCcat, e = _edge_tc(e, rhat, C[1], bC[1], want_enew=True)
        elif l == 1:
            eCcat = _edge_tc(e, rhat, C[2], bC[2], want_enew=False)

    return h

# --- scband reference (transcript-rebuilt; emitter-appended) ---
"""Pipeline reference for scband-ggcnencoder-40510131536309 (READ-ONLY COPY).

The authoritative reference and input builder live on the scoring server;
editing this copy changes nothing except your own understanding.
"""

import jax, jax.numpy as jnp
import numpy as np

N = 10000
E = 320000
DF = 128
DE = 16
UNITS = 128
L = 3


def setup_inputs(seed: int = 0) -> dict:
    key = jax.random.key(seed)
    ks = jax.random.split(key, 16)
    node_features = jax.random.normal(ks[0], (N, DF), dtype=jnp.float32)
    edge_features = jax.random.normal(ks[1], (E, DE), dtype=jnp.float32)
    edge_index = jax.random.randint(ks[2], (2, E), 0, N, dtype=jnp.int32)
    alpha = jax.random.uniform(ks[3], (N, 1), dtype=jnp.float32)

    def w(k, shape):
        return jax.random.normal(k, shape, dtype=jnp.float32) * 0.05

    W1 = w(ks[4], (DF, UNITS)); b1 = jnp.zeros((UNITS,), jnp.float32)
    W2 = w(ks[5], (DE, UNITS)); b2 = jnp.zeros((UNITS,), jnp.float32)
    U = w(ks[6], (L, UNITS, UNITS)); bU = jnp.zeros((L, UNITS), jnp.float32)
    V = w(ks[7], (L, UNITS, UNITS)); bV = jnp.zeros((L, UNITS), jnp.float32)
    A = w(ks[8], (L, UNITS, UNITS)); bA = jnp.zeros((L, UNITS), jnp.float32)
    B = w(ks[9], (L, UNITS, UNITS)); bB = jnp.zeros((L, UNITS), jnp.float32)
    C = w(ks[10], (L, UNITS, UNITS)); bC = jnp.zeros((L, UNITS), jnp.float32)
    return {
        "node_features": node_features,
        "edge_features": edge_features,
        "edge_index": edge_index,
        "alpha": alpha,
        "W1": W1, "b1": b1, "W2": W2, "b2": b2,
        "U": U, "bU": bU, "V": V, "bV": bV,
        "A": A, "bA": bA, "B": B, "bB": bB, "C": C, "bC": bC,
    }


def reference(node_features, edge_features, edge_index, alpha,
              W1, b1, W2, b2, U, bU, V, bV, A, bA, B, bB, C, bC):
    # Initial dense projections (initial_layer_1 / initial_layer_2)
    h = node_features @ W1 + b1
    e = edge_features @ W2 + b2
    src = edge_index[0]
    dst = edge_index[1]
    # Stack of GGCN (gated graph conv) layers over the sparse graph
    for l in range(L):
        h_src = jnp.take(h, src, axis=0)
        h_dst = jnp.take(h, dst, axis=0)
        e_hat = (h_src @ A[l] + bA[l]) + (h_dst @ B[l] + bB[l]) + (e @ C[l] + bC[l])
        eta = jax.nn.sigmoid(e_hat)
        msg = eta * (h_src @ V[l] + bV[l])
        agg = jax.ops.segment_sum(msg, dst, num_segments=N)
        den = jax.ops.segment_sum(eta, dst, num_segments=N) + 1e-6
        upd = jax.nn.relu(h @ U[l] + bU[l] + agg / den)
        h = h + alpha * upd
        e = e + jax.nn.relu(e_hat)
    return h

if __name__ == "__main__":
    import jax
    _d = setup_inputs()
    print(jax.jit(kernel)(*tuple(_d.values())))

</pallas_src>

<mosaic_0001>
#map = affine_map<(d0, d1) -> (0, 0, 0)>
#map1 = affine_map<(d0, d1) -> (0, 0)>
module attributes {stable_mosaic.version = 14 : i64} {
  func.func @sc_edge(%arg0: i32, %arg1: i32, %arg2: memref<2x320000x64xf32, #tpu.memory_space<hbm>>, %arg3: memref<2500x128xi32, #tpu.memory_space<hbm>>, %arg4: memref<2500x128xi32, #tpu.memory_space<hbm>>, %arg5: memref<20000x64xf32, #tpu.memory_space<hbm>>, %arg6: memref<20000x64xf32, #tpu.memory_space<hbm>>, %arg7: memref<20000x64xf32, #tpu.memory_space<hbm>>, %arg8: memref<1000x64xf32, #tpu.memory_space<hbm>>, %arg9: memref<2x320000x64xf32, #tpu.memory_space<hbm>>, %arg10: memref<2x10000x64xf32, #tpu.memory_space<hbm>>, %arg11: memref<2x10000x64xf32, #tpu.memory_space<hbm>>, %arg12: memref<1x128xi32, #tpu.memory_space<vmem>>, %arg13: memref<1x128xi32, #tpu.memory_space<vmem>>, %arg14: memref<1x128xi32, #tpu.memory_space<vmem>>, %arg15: memref<128x64xf32, #tpu.memory_space<vmem>>, %arg16: memref<128x64xf32, #tpu.memory_space<vmem>>, %arg17: memref<128x64xf32, #tpu.memory_space<vmem>>, %arg18: memref<128x64xf32, #tpu.memory_space<vmem>>, %arg19: memref<10000x64xf32, #tpu.memory_space<vmem_shared>>, %arg20: memref<10000x64xf32, #tpu.memory_space<vmem_shared>>, %arg21: memref<!tpu.dma_semaphore, #tpu.memory_space<semaphore_mem>>) attributes {dimension_semantics = [#tpu.dimension_semantics<core_parallel>, #tpu.dimension_semantics<subcore_parallel>], iteration_bounds = array<i64: 2, 16>, scalar_prefetch = 0 : i64, scratch_operands = 10 : i64, tpu.core_type = #tpu.core_type<sc_vector_subcore>, window_params = [{transform_indices = #map}, {transform_indices = #map1}, {transform_indices = #map1}, {transform_indices = #map1}, {transform_indices = #map1}, {transform_indices = #map1}, {transform_indices = #map1}, {transform_indices = #map}, {transform_indices = #map}, {transform_indices = #map}]} {
    %mul3A = arith.constant 10000 : i32
    %mul3A_0 = arith.muli %arg0, %mul3A : i32
    %mul3A_1 = arith.constant 1000 : i32
    %mul3A_2 = arith.muli %arg1, %mul3A_1 : i32
    %lt3A = arith.constant 10 : i32
    %lt3A_3 = arith.cmpi slt, %arg1, %lt3A : i32
    %convert_element_type3A = arith.extui %lt3A_3 : i1 to i32
    %cond3A = arith.constant 0 : i32
    %cond3A_4 = arith.cmpi ne, %convert_element_type3A, %cond3A : i32
    scf.if %cond3A_4 {
      "tpu.region"() ({
        %run_scoped3A = tpu.sem_alloc : memref<!tpu.dma_semaphore, #tpu.memory_space<semaphore_mem>>
        %dma_start3A = arith.constant 0 : i32
        %dma_start3A_16 = tpu.memref_slice %arg19[%mul3A_2, %dma_start3A] : memref<10000x64xf32, #tpu.memory_space<vmem_shared>> -> memref<1000x64xf32, #tpu.memory_space<vmem_shared>>
        tpu.enqueue_dma source(%arg8 : memref<1000x64xf32, #tpu.memory_space<hbm>>) target(%dma_start3A_16 : memref<1000x64xf32, #tpu.memory_space<vmem_shared>>) target_semaphore(%run_scoped3A : memref<!tpu.dma_semaphore, #tpu.memory_space<semaphore_mem>>)
        %dma_wait3A = arith.constant 0 : i32
        %dma_wait3A_17 = tpu.memref_slice %arg19[%mul3A_2, %dma_wait3A] : memref<10000x64xf32, #tpu.memory_space<vmem_shared>> -> memref<1000x64xf32, #tpu.memory_space<vmem_shared>>
        tpu.wait_dma2 semaphore(%run_scoped3A : memref<!tpu.dma_semaphore, #tpu.memory_space<semaphore_mem>>) src(%arg8 : memref<1000x64xf32, #tpu.memory_space<hbm>>) dst(%dma_wait3A_17 : memref<1000x64xf32, #tpu.memory_space<vmem_shared>>)
        tpu.yield
      }) : () -> ()
      "tpu.region"() ({
        %run_scoped3A = tpu.sem_alloc : memref<!tpu.dma_semaphore, #tpu.memory_space<semaphore_mem>>
        %dma_start3A = arith.constant 0 : i32
        %dma_start3A_16 = tpu.memref_slice %arg20[%mul3A_2, %dma_start3A] : memref<10000x64xf32, #tpu.memory_space<vmem_shared>> -> memref<1000x64xf32, #tpu.memory_space<vmem_shared>>
        tpu.enqueue_dma source(%arg8 : memref<1000x64xf32, #tpu.memory_space<hbm>>) target(%dma_start3A_16 : memref<1000x64xf32, #tpu.memory_space<vmem_shared>>) target_semaphore(%run_scoped3A : memref<!tpu.dma_semaphore, #tpu.memory_space<semaphore_mem>>)
        %dma_wait3A = arith.constant 0 : i32
        %dma_wait3A_17 = tpu.memref_slice %arg20[%mul3A_2, %dma_wait3A] : memref<10000x64xf32, #tpu.memory_space<vmem_shared>> -> memref<1000x64xf32, #tpu.memory_space<vmem_shared>>
        tpu.wait_dma2 semaphore(%run_scoped3A : memref<!tpu.dma_semaphore, #tpu.memory_space<semaphore_mem>>) src(%arg8 : memref<1000x64xf32, #tpu.memory_space<hbm>>) dst(%dma_wait3A_17 : memref<1000x64xf32, #tpu.memory_space<vmem_shared>>)
        tpu.yield
      }) : () -> ()
    } else {
    }
    %barrier3A = arith.constant 0 : index
    tpu.barrier barrier_id(%barrier3A)
    %scan3A = arith.constant 0 : i32
    %scan3A_5 = arith.constant 0 : i32
    %scan3A_6 = arith.constant 157 : i32
    %scan3A_7 = arith.addi %scan3A_5, %scan3A_6 : i32
    %scan3A_8 = arith.constant 1 : i32
    scf.for %scan3A_16 = %scan3A_5 to %scan3A_7 step %scan3A_8  : i32 {
      %mul3A_17 = arith.constant 16 : i32
      %mul3A_18 = arith.muli %mul3A_17, %scan3A_16 : i32
      %add3A = arith.addi %arg1, %mul3A_18 : i32
      %lt3A_19 = arith.constant 2500 : i32
      %lt3A_20 = arith.cmpi slt, %add3A, %lt3A_19 : i32
      %convert_element_type3A_21 = arith.extui %lt3A_20 : i1 to i32
      %cond3A_22 = arith.constant 0 : i32
      %cond3A_23 = arith.cmpi ne, %convert_element_type3A_21, %cond3A_22 : i32
      scf.if %cond3A_23 {
        "tpu.region"() ({
          %run_scoped3A_81 = tpu.sem_alloc : memref<!tpu.dma_semaphore, #tpu.memory_space<semaphore_mem>>
          %dma_start3A_82 = arith.constant 0 : i32
          %dma_start3A_83 = tpu.memref_slice %arg3[%add3A, %dma_start3A_82] : memref<2500x128xi32, #tpu.memory_space<hbm>> -> memref<1x128xi32, #tpu.memory_space<hbm>>
          %dma_start3A_84 = arith.constant 0 : i32
          %dma_start3A_85 = tpu.memref_slice %arg3[%add3A, %dma_start3A_84] : memref<2500x128xi32, #tpu.memory_space<hbm>> -> memref<1x128xi32, #tpu.memory_space<hbm>>
          tpu.enqueue_dma source(%dma_start3A_85 : memref<1x128xi32, #tpu.memory_space<hbm>>) target(%arg12 : memref<1x128xi32, #tpu.memory_space<vmem>>) target_semaphore(%run_scoped3A_81 : memref<!tpu.dma_semaphore, #tpu.memory_space<semaphore_mem>>)
          %dma_wait3A_86 = arith.constant 0 : i32
          %dma_wait3A_87 = tpu.memref_slice %arg3[%add3A, %dma_wait3A_86] : memref<2500x128xi32, #tpu.memory_space<hbm>> -> memref<1x128xi32, #tpu.memory_space<hbm>>
          %dma_wait3A_88 = arith.constant 0 : i32
          %dma_wait3A_89 = tpu.memref_slice %arg3[%add3A, %dma_wait3A_88] : memref<2500x128xi32, #tpu.memory_space<hbm>> -> memref<1x128xi32, #tpu.memory_space<hbm>>
          tpu.wait_dma2 semaphore(%run_scoped3A_81 : memref<!tpu.dma_semaphore, #tpu.memory_space<semaphore_mem>>) src(%dma_wait3A_89 : memref<1x128xi32, #tpu.memory_space<hbm>>) dst(%arg12 : memref<1x128xi32, #tpu.memory_space<vmem>>)
          tpu.yield
        }) : () -> ()
        "tpu.region"() ({
          %run_scoped3A_81 = tpu.sem_alloc : memref<!tpu.dma_semaphore, #tpu.memory_space<semaphore_mem>>
          %dma_start3A_82 = arith.constant 0 : i32
          %dma_start3A_83 = tpu.memref_slice %arg4[%add3A, %dma_start3A_82] : memref<2500x128xi32, #tpu.memory_space<hbm>> -> memref<1x128xi32, #tpu.memory_space<hbm>>
          %dma_start3A_84 = arith.constant 0 : i32
          %dma_start3A_85 = tpu.memref_slice %arg4[%add3A, %dma_start3A_84] : memref<2500x128xi32, #tpu.memory_space<hbm>> -> memref<1x128xi32, #tpu.memory_space<hbm>>
          tpu.enqueue_dma source(%dma_start3A_85 : memref<1x128xi32, #tpu.memory_space<hbm>>) target(%arg13 : memref<1x128xi32, #tpu.memory_space<vmem>>) target_semaphore(%run_scoped3A_81 : memref<!tpu.dma_semaphore, #tpu.memory_space<semaphore_mem>>)
          %dma_wait3A_86 = arith.constant 0 : i32
          %dma_wait3A_87 = tpu.memref_slice %arg4[%add3A, %dma_wait3A_86] : memref<2500x128xi32, #tpu.memory_space<hbm>> -> memref<1x128xi32, #tpu.memory_space<hbm>>
          %dma_wait3A_88 = arith.constant 0 : i32
          %dma_wait3A_89 = tpu.memref_slice %arg4[%add3A, %dma_wait3A_88] : memref<2500x128xi32, #tpu.memory_space<hbm>> -> memref<1x128xi32, #tpu.memory_space<hbm>>
          tpu.wait_dma2 semaphore(%run_scoped3A_81 : memref<!tpu.dma_semaphore, #tpu.memory_space<semaphore_mem>>) src(%dma_wait3A_89 : memref<1x128xi32, #tpu.memory_space<hbm>>) dst(%arg13 : memref<1x128xi32, #tpu.memory_space<vmem>>)
          tpu.yield
        }) : () -> ()
        %scan3A_24 = arith.constant 0 : i32
        %scan3A_25 = arith.constant 0 : i32
        %scan3A_26 = arith.constant 8 : i32
        %scan3A_27 = arith.addi %scan3A_25, %scan3A_26 : i32
        %scan3A_28 = arith.constant 1 : i32
        scf.for %scan3A_81 = %scan3A_25 to %scan3A_27 step %scan3A_28  : i32 {
          %mul3A_82 = arith.constant 16 : i32
          %mul3A_83 = arith.muli %scan3A_81, %mul3A_82 : i32
          %get3A = arith.constant 0 : i32
          %get3A_84 = arith.index_cast %get3A : i32 to index
          %get3A_85 = arith.index_cast %mul3A_83 : i32 to index
          %get3A_86 = tpu.vector_load %arg12[%get3A_84, %get3A_85] {strides = array<i32>} : memref<1x128xi32, #tpu.memory_space<vmem>>, vector<1x16xi32>,
          %get3A_87 = vector.shape_cast %get3A_86 : vector<1x16xi32> to vector<16xi32>
          %add3A_88 = vector.broadcast %mul3A_0 : i32 to vector<16xi32>
          %add3A_89 = arith.addi %get3A_87, %add3A_88 : vector<16xi32>
          %swap3A = arith.constant 0 : i32
          %swap3A_90 = arith.index_cast %swap3A : i32 to index
          %swap3A_91 = arith.index_cast %mul3A_83 : i32 to index
          %swap3A_92 = tpu.vector_load %arg12[%swap3A_90, %swap3A_91] {strides = array<i32>} : memref<1x128xi32, #tpu.memory_space<vmem>>, vector<1x16xi32>,
          %swap3A_93 = vector.shape_cast %swap3A_92 : vector<1x16xi32> to vector<16xi32>
          %swap3A_94 = vector.shape_cast %add3A_89 : vector<16xi32> to vector<1x16xi32>
          tpu.vector_store %arg12[%swap3A_90, %swap3A_91], %swap3A_94 {strides = array<i32>} : memref<1x128xi32, #tpu.memory_space<vmem>>, vector<1x16xi32>,
          %get3A_95 = arith.constant 0 : i32
          %get3A_96 = arith.index_cast %get3A_95 : i32 to index
          %get3A_97 = arith.index_cast %mul3A_83 : i32 to index
          %get3A_98 = tpu.vector_load %arg13[%get3A_96, %get3A_97] {strides = array<i32>} : memref<1x128xi32, #tpu.memory_space<vmem>>, vector<1x16xi32>,
          %get3A_99 = vector.shape_cast %get3A_98 : vector<1x16xi32> to vector<16xi32>
          %add3A_100 = vector.broadcast %mul3A_0 : i32 to vector<16xi32>
          %add3A_101 = arith.addi %get3A_99, %add3A_100 : vector<16xi32>
          %swap3A_102 = arith.constant 0 : i32
          %swap3A_103 = arith.index_cast %swap3A_102 : i32 to index
          %swap3A_104 = arith.index_cast %mul3A_83 : i32 to index
          %swap3A_105 = tpu.vector_load %arg14[%swap3A_103, %swap3A_104] {strides = array<i32>} : memref<1x128xi32, #tpu.memory_space<vmem>>, vector<1x16xi32>,
          %swap3A_106 = vector.shape_cast %swap3A_105 : vector<1x16xi32> to vector<16xi32>
          %swap3A_107 = vector.shape_cast %add3A_101 : vector<16xi32> to vector<1x16xi32>
          tpu.vector_store %arg14[%swap3A_103, %swap3A_104], %swap3A_107 {strides = array<i32>} : memref<1x128xi32, #tpu.memory_space<vmem>>, vector<1x16xi32>,
        }
        %scan3A_29 = arith.constant 8 : i32
        %dma_start3A = arith.constant 0 : i32
        %dma_start3A_30 = arith.constant 0 : i32
        %dma_start3A_31 = tpu.memref_slice %arg12[%dma_start3A, %dma_start3A_30] : memref<1x128xi32, #tpu.memory_space<vmem>> -> memref<1x128xi32, #tpu.memory_space<vmem>>
        %dma_start3A_32 = tpu.memref_squeeze %dma_start3A_31 : memref<1x128xi32, #tpu.memory_space<vmem>> -> memref<128xi32, #tpu.memory_space<vmem>>
        %dma_start3A_33 = arith.constant 0 : i32
        %dma_start3A_34 = arith.constant 0 : i32
        %dma_start3A_35 = tpu.memref_slice %arg5[%dma_start3A_33, %dma_start3A_34] : memref<20000x64xf32, #tpu.memory_space<hbm>> -> memref<20000x64xf32, #tpu.memory_space<hbm>>
        tpu.enqueue_indirect_dma source(%dma_start3A_35 : memref<20000x64xf32, #tpu.memory_space<hbm>>) target(%arg15 : memref<128x64xf32, #tpu.memory_space<vmem>>) offsets(%dma_start3A_32 : memref<128xi32, #tpu.memory_space<vmem>>) semaphore(%arg21 : memref<!tpu.dma_semaphore, #tpu.memory_space<semaphore_mem>>)
        %dma_start3A_36 = arith.constant 0 : i32
        %dma_start3A_37 = arith.constant 0 : i32
        %dma_start3A_38 = tpu.memref_slice %arg14[%dma_start3A_36, %dma_start3A_37] : memref<1x128xi32, #tpu.memory_space<vmem>> -> memref<1x128xi32, #tpu.memory_space<vmem>>
        %dma_start3A_39 = tpu.memref_squeeze %dma_start3A_38 : memref<1x128xi32, #tpu.memory_space<vmem>> -> memref<128xi32, #tpu.memory_space<vmem>>
        %dma_start3A_40 = arith.constant 0 : i32
        %dma_start3A_41 = arith.constant 0 : i32
        %dma_start3A_42 = tpu.memref_slice %arg6[%dma_start3A_40, %dma_start3A_41] : memref<20000x64xf32, #tpu.memory_space<hbm>> -> memref<20000x64xf32, #tpu.memory_space<hbm>>
        tpu.enqueue_indirect_dma source(%dma_start3A_42 : memref<20000x64xf32, #tpu.memory_space<hbm>>) target(%arg16 : memref<128x64xf32, #tpu.memory_space<vmem>>) offsets(%dma_start3A_39 : memref<128xi32, #tpu.memory_space<vmem>>) semaphore(%arg21 : memref<!tpu.dma_semaphore, #tpu.memory_space<semaphore_mem>>)
        %dma_start3A_43 = arith.constant 0 : i32
        %dma_start3A_44 = arith.constant 0 : i32
        %dma_start3A_45 = tpu.memref_slice %arg12[%dma_start3A_43, %dma_start3A_44] : memref<1x128xi32, #tpu.memory_space<vmem>> -> memref<1x128xi32, #tpu.memory_space<vmem>>
        %dma_start3A_46 = tpu.memref_squeeze %dma_start3A_45 : memref<1x128xi32, #tpu.memory_space<vmem>> -> memref<128xi32, #tpu.memory_space<vmem>>
        %dma_start3A_47 = arith.constant 0 : i32
        %dma_start3A_48 = arith.constant 0 : i32
        %dma_start3A_49 = tpu.memref_slice %arg7[%dma_start3A_47, %dma_start3A_48] : memref<20000x64xf32, #tpu.memory_space<hbm>> -> memref<20000x64xf32, #tpu.memory_space<hbm>>
        tpu.enqueue_indirect_dma source(%dma_start3A_49 : memref<20000x64xf32, #tpu.memory_space<hbm>>) target(%arg17 : memref<128x64xf32, #tpu.memory_space<vmem>>) offsets(%dma_start3A_46 : memref<128xi32, #tpu.memory_space<vmem>>) semaphore(%arg21 : memref<!tpu.dma_semaphore, #tpu.memory_space<semaphore_mem>>)
        %mul3A_50 = arith.constant 128 : i32
        %mul3A_51 = arith.muli %add3A, %mul3A_50 : i32
        "tpu.region"() ({
          %run_scoped3A_81 = tpu.sem_alloc : memref<!tpu.dma_semaphore, #tpu.memory_space<semaphore_mem>>
          %dma_start3A_82 = arith.constant 0 : i32
          %dma_start3A_83 = tpu.memref_slice %arg2[%arg0, %mul3A_51, %dma_start3A_82] : memref<2x320000x64xf32, #tpu.memory_space<hbm>> -> memref<1x128x64xf32, #tpu.memory_space<hbm>>
          %dma_start3A_84 = tpu.memref_squeeze %dma_start3A_83 : memref<1x128x64xf32, #tpu.memory_space<hbm>> -> memref<128x64xf32, #tpu.memory_space<hbm>>
          %dma_start3A_85 = arith.constant 0 : i32
          %dma_start3A_86 = tpu.memref_slice %arg2[%arg0, %mul3A_51, %dma_start3A_85] : memref<2x320000x64xf32, #tpu.memory_space<hbm>> -> memref<1x128x64xf32, #tpu.memory_space<hbm>>
          %dma_start3A_87 = tpu.memref_squeeze %dma_start3A_86 : memref<1x128x64xf32, #tpu.memory_space<hbm>> -> memref<128x64xf32, #tpu.memory_space<hbm>>
          tpu.enqueue_dma source(%dma_start3A_87 : memref<128x64xf32, #tpu.memory_space<hbm>>) target(%arg18 : memref<128x64xf32, #tpu.memory_space<vmem>>) target_semaphore(%run_scoped3A_81 : memref<!tpu.dma_semaphore, #tpu.memory_space<semaphore_mem>>)
          %dma_wait3A_88 = arith.constant 0 : i32
          %dma_wait3A_89 = tpu.memref_slice %arg2[%arg0, %mul3A_51, %dma_wait3A_88] : memref<2x320000x64xf32, #tpu.memory_space<hbm>> -> memref<1x128x64xf32, #tpu.memory_space<hbm>>
          %dma_wait3A_90 = tpu.memref_squeeze %dma_wait3A_89 : memref<1x128x64xf32, #tpu.memory_space<hbm>> -> memref<128x64xf32, #tpu.memory_space<hbm>>
          %dma_wait3A_91 = arith.constant 0 : i32
          %dma_wait3A_92 = tpu.memref_slice %arg2[%arg0, %mul3A_51, %dma_wait3A_91] : memref<2x320000x64xf32, #tpu.memory_space<hbm>> -> memref<1x128x64xf32, #tpu.memory_space<hbm>>
          %dma_wait3A_93 = tpu.memref_squeeze %dma_wait3A_92 : memref<1x128x64xf32, #tpu.memory_space<hbm>> -> memref<128x64xf32, #tpu.memory_space<hbm>>
          tpu.wait_dma2 semaphore(%run_scoped3A_81 : memref<!tpu.dma_semaphore, #tpu.memory_space<semaphore_mem>>) src(%dma_wait3A_93 : memref<128x64xf32, #tpu.memory_space<hbm>>) dst(%arg18 : memref<128x64xf32, #tpu.memory_space<vmem>>)
          tpu.yield
        }) : () -> ()
        %dma_wait3A = arith.constant 0 : i32
        %dma_wait3A_52 = arith.constant 0 : i32
        %dma_wait3A_53 = tpu.memref_slice %arg12[%dma_wait3A, %dma_wait3A_52] : memref<1x128xi32, #tpu.memory_space<vmem>> -> memref<1x128xi32, #tpu.memory_space<vmem>>
        %dma_wait3A_54 = tpu.memref_squeeze %dma_wait3A_53 : memref<1x128xi32, #tpu.memory_space<vmem>> -> memref<128xi32, #tpu.memory_space<vmem>>
        %dma_wait3A_55 = arith.constant 0 : i32
        %dma_wait3A_56 = arith.constant 0 : i32
        %dma_wait3A_57 = tpu.memref_slice %arg5[%dma_wait3A_55, %dma_wait3A_56] : memref<20000x64xf32, #tpu.memory_space<hbm>> -> memref<20000x64xf32, #tpu.memory_space<hbm>>
        tpu.wait_indirect_dma semaphore(%arg21 : memref<!tpu.dma_semaphore, #tpu.memory_space<semaphore_mem>>) src(%dma_wait3A_57 : memref<20000x64xf32, #tpu.memory_space<hbm>>) dst(%arg15 : memref<128x64xf32, #tpu.memory_space<vmem>>)
        %dma_wait3A_58 = arith.constant 0 : i32
        %dma_wait3A_59 = arith.constant 0 : i32
        %dma_wait3A_60 = tpu.memref_slice %arg14[%dma_wait3A_58, %dma_wait3A_59] : memref<1x128xi32, #tpu.memory_space<vmem>> -> memref<1x128xi32, #tpu.memory_space<vmem>>
        %dma_wait3A_61 = tpu.memref_squeeze %dma_wait3A_60 : memref<1x128xi32, #tpu.memory_space<vmem>> -> memref<128xi32, #tpu.memory_space<vmem>>
        %dma_wait3A_62 = arith.constant 0 : i32
        %dma_wait3A_63 = arith.constant 0 : i32
        %dma_wait3A_64 = tpu.memref_slice %arg6[%dma_wait3A_62, %dma_wait3A_63] : memref<20000x64xf32, #tpu.memory_space<hbm>> -> memref<20000x64xf32, #tpu.memory_space<hbm>>
        tpu.wait_indirect_dma semaphore(%arg21 : memref<!tpu.dma_semaphore, #tpu.memory_space<semaphore_mem>>) src(%dma_wait3A_64 : memref<20000x64xf32, #tpu.memory_space<hbm>>) dst(%arg16 : memref<128x64xf32, #tpu.memory_space<vmem>>)
        %dma_wait3A_65 = arith.constant 0 : i32
        %dma_wait3A_66 = arith.constant 0 : i32
        %dma_wait3A_67 = tpu.memref_slice %arg12[%dma_wait3A_65, %dma_wait3A_66] : memref<1x128xi32, #tpu.memory_space<vmem>> -> memref<1x128xi32, #tpu.memory_space<vmem>>
        %dma_wait3A_68 = tpu.memref_squeeze %dma_wait3A_67 : memref<1x128xi32, #tpu.memory_space<vmem>> -> memref<128xi32, #tpu.memory_space<vmem>>
        %dma_wait3A_69 = arith.constant 0 : i32
        %dma_wait3A_70 = arith.constant 0 : i32
        %dma_wait3A_71 = tpu.memref_slice %arg7[%dma_wait3A_69, %dma_wait3A_70] : memref<20000x64xf32, #tpu.memory_space<hbm>> -> memref<20000x64xf32, #tpu.memory_space<hbm>>
        tpu.wait_indirect_dma semaphore(%arg21 : memref<!tpu.dma_semaphore, #tpu.memory_space<semaphore_mem>>) src(%dma_wait3A_71 : memref<20000x64xf32, #tpu.memory_space<hbm>>) dst(%arg17 : memref<128x64xf32, #tpu.memory_space<vmem>>)
        %scan3A_72 = arith.constant 0 : i32
        %scan3A_73 = arith.constant 0 : i32
        %scan3A_74 = arith.constant 128 : i32
        %scan3A_75 = arith.addi %scan3A_73, %scan3A_74 : i32
        %scan3A_76 = arith.constant 1 : i32
        scf.for %scan3A_81 = %scan3A_73 to %scan3A_75 step %scan3A_76  : i32 {
          %get3A = arith.index_cast %scan3A_81 : i32 to index
          %get3A_82 = arith.constant 0 : index
          %get3A_83 = tpu.vector_load %arg15[%get3A, %get3A_82] {strides = array<i32>} : memref<128x64xf32, #tpu.memory_space<vmem>>, vector<1x16xf32>,
          %get3A_84 = vector.shape_cast %get3A_83 : vector<1x16xf32> to vector<16xf32>
          %get3A_85 = arith.index_cast %scan3A_81 : i32 to index
          %get3A_86 = arith.constant 0 : index
          %get3A_87 = tpu.vector_load %arg16[%get3A_85, %get3A_86] {strides = array<i32>} : memref<128x64xf32, #tpu.memory_space<vmem>>, vector<1x16xf32>,
          %get3A_88 = vector.shape_cast %get3A_87 : vector<1x16xf32> to vector<16xf32>
          %add3A_89 = arith.addf %get3A_84, %get3A_88 : vector<16xf32>
          %get3A_90 = arith.index_cast %scan3A_81 : i32 to index
          %get3A_91 = arith.constant 0 : index
          %get3A_92 = tpu.vector_load %arg18[%get3A_90, %get3A_91] {strides = array<i32>} : memref<128x64xf32, #tpu.memory_space<vmem>>, vector<1x16xf32>,
          %get3A_93 = vector.shape_cast %get3A_92 : vector<1x16xf32> to vector<16xf32>
          %add3A_94 = arith.addf %add3A_89, %get3A_93 : vector<16xf32>
          %max3A = arith.constant 0.000000e+00 : f32
          %max3A_95 = vector.broadcast %max3A : f32 to vector<16xf32>
          %max3A_96 = arith.maximumf %add3A_94, %max3A_95 : vector<16xf32>
          %swap3A = arith.index_cast %scan3A_81 : i32 to index
          %swap3A_97 = arith.constant 0 : index
          %swap3A_98 = tpu.vector_load %arg15[%swap3A, %swap3A_97] {strides = array<i32>} : memref<128x64xf32, #tpu.memory_space<vmem>>, vector<1x16xf32>,
          %swap3A_99 = vector.shape_cast %swap3A_98 : vector<1x16xf32> to vector<16xf32>
          %swap3A_100 = vector.shape_cast %max3A_96 : vector<16xf32> to vector<1x16xf32>
          tpu.vector_store %arg15[%swap3A, %swap3A_97], %swap3A_100 {strides = array<i32>} : memref<128x64xf32, #tpu.memory_space<vmem>>, vector<1x16xf32>,
          %neg3A = arith.constant 0.000000e+00 : f32
          %neg3A_101 = vector.broadcast %neg3A : f32 to vector<16xf32>
          %neg3A_102 = arith.subf %neg3A_101, %add3A_94 : vector<16xf32>
          %exp3A = math.exp %neg3A_102 : vector<16xf32>
          %add3A_103 = arith.constant 1.000000e+00 : f32
          %add3A_104 = vector.broadcast %add3A_103 : f32 to vector<16xf32>
          %add3A_105 = arith.addf %add3A_104, %exp3A : vector<16xf32>
          %div3A = arith.constant 1.000000e+00 : f32
          %div3A_106 = vector.broadcast %div3A : f32 to vector<16xf32>
          %div3A_107 = arith.divf %div3A_106, %add3A_105 : vector<16xf32>
          %swap3A_108 = arith.index_cast %scan3A_81 : i32 to index
          %swap3A_109 = arith.constant 0 : index
          %swap3A_110 = tpu.vector_load %arg16[%swap3A_108, %swap3A_109] {strides = array<i32>} : memref<128x64xf32, #tpu.memory_space<vmem>>, vector<1x16xf32>,
          %swap3A_111 = vector.shape_cast %swap3A_110 : vector<1x16xf32> to vector<16xf32>
          %swap3A_112 = vector.shape_cast %div3A_107 : vector<16xf32> to vector<1x16xf32>
          tpu.vector_store %arg16[%swap3A_108, %swap3A_109], %swap3A_112 {strides = array<i32>} : memref<128x64xf32, #tpu.memory_space<vmem>>, vector<1x16xf32>,
          %get3A_113 = arith.index_cast %scan3A_81 : i32 to index
          %get3A_114 = arith.constant 0 : index
          %get3A_115 = tpu.vector_load %arg17[%get3A_113, %get3A_114] {strides = array<i32>} : memref<128x64xf32, #tpu.memory_space<vmem>>, vector<1x16xf32>,
          %get3A_116 = vector.shape_cast %get3A_115 : vector<1x16xf32> to vector<16xf32>
          %mul3A_117 = arith.mulf %div3A_107, %get3A_116 : vector<16xf32>
          %swap3A_118 = arith.index_cast %scan3A_81 : i32 to index
          %swap3A_119 = arith.constant 0 : index
          %swap3A_120 = tpu.vector_load %arg17[%swap3A_118, %swap3A_119] {strides = array<i32>} : memref<128x64xf32, #tpu.memory_space<vmem>>, vector<1x16xf32>,
          %swap3A_121 = vector.shape_cast %swap3A_120 : vector<1x16xf32> to vector<16xf32>
          %swap3A_122 = vector.shape_cast %mul3A_117 : vector<16xf32> to vector<1x16xf32>
          tpu.vector_store %arg17[%swap3A_118, %swap3A_119], %swap3A_122 {strides = array<i32>} : memref<128x64xf32, #tpu.memory_space<vmem>>, vector<1x16xf32>,
          %get3A_123 = arith.index_cast %scan3A_81 : i32 to index
          %get3A_124 = arith.constant 16 : index
          %get3A_125 = tpu.vector_load %arg15[%get3A_123, %get3A_124] {strides = array<i32>} : memref<128x64xf32, #tpu.memory_space<vmem>>, vector<1x16xf32>,
          %get3A_126 = vector.shape_cast %get3A_125 : vector<1x16xf32> to vector<16xf32>
          %get3A_127 = arith.index_cast %scan3A_81 : i32 to index
          %get3A_128 = arith.constant 16 : index
          %get3A_129 = tpu.vector_load %arg16[%get3A_127, %get3A_128] {strides = array<i32>} : memref<128x64xf32, #tpu.memory_space<vmem>>, vector<1x16xf32>,
          %get3A_130 = vector.shape_cast %get3A_129 : vector<1x16xf32> to vector<16xf32>
          %add3A_131 = arith.addf %get3A_126, %get3A_130 : vector<16xf32>
          %get3A_132 = arith.index_cast %scan3A_81 : i32 to index
          %get3A_133 = arith.constant 16 : index
          %get3A_134 = tpu.vector_load %arg18[%get3A_132, %get3A_133] {strides = array<i32>} : memref<128x64xf32, #tpu.memory_space<vmem>>, vector<1x16xf32>,
          %get3A_135 = vector.shape_cast %get3A_134 : vector<1x16xf32> to vector<16xf32>
          %add3A_136 = arith.addf %add3A_131, %get3A_135 : vector<16xf32>
          %max3A_137 = arith.constant 0.000000e+00 : f32
          %max3A_138 = vector.broadcast %max3A_137 : f32 to vector<16xf32>
          %max3A_139 = arith.maximumf %add3A_136, %max3A_138 : vector<16xf32>
          %swap3A_140 = arith.index_cast %scan3A_81 : i32 to index
          %swap3A_141 = arith.constant 16 : index
          %swap3A_142 = tpu.vector_load %arg15[%swap3A_140, %swap3A_141] {strides = array<i32>} : memref<128x64xf32, #tpu.memory_space<vmem>>, vector<1x16xf32>,
          %swap3A_143 = vector.shape_cast %swap3A_142 : vector<1x16xf32> to vector<16xf32>
          %swap3A_144 = vector.shape_cast %max3A_139 : vector<16xf32> to vector<1x16xf32>
          tpu.vector_store %arg15[%swap3A_140, %swap3A_141], %swap3A_144 {strides = array<i32>} : memref<128x64xf32, #tpu.memory_space<vmem>>, vector<1x16xf32>,
          %neg3A_145 = arith.constant 0.000000e+00 : f32
          %neg3A_146 = vector.broadcast %neg3A_145 : f32 to vector<16xf32>
          %neg3A_147 = arith.subf %neg3A_146, %add3A_136 : vector<16xf32>
          %exp3A_148 = math.exp %neg3A_147 : vector<16xf32>
          %add3A_149 = arith.constant 1.000000e+00 : f32
          %add3A_150 = vector.broadcast %add3A_149 : f32 to vector<16xf32>
          %add3A_151 = arith.addf %add3A_150, %exp3A_148 : vector<16xf32>
          %div3A_152 = arith.constant 1.000000e+00 : f32
          %div3A_153 = vector.broadcast %div3A_152 : f32 to vector<16xf32>
          %div3A_154 = arith.divf %div3A_153, %add3A_151 : vector<16xf32>
          %swap3A_155 = arith.index_cast %scan3A_81 : i32 to index
          %swap3A_156 = arith.constant 16 : index
          %swap3A_157 = tpu.vector_load %arg16[%swap3A_155, %swap3A_156] {strides = array<i32>} : memref<128x64xf32, #tpu.memory_space<vmem>>, vector<1x16xf32>,
          %swap3A_158 = vector.shape_cast %swap3A_157 : vector<1x16xf32> to vector<16xf32>
          %swap3A_159 = vector.shape_cast %div3A_154 : vector<16xf32> to vector<1x16xf32>
          tpu.vector_store %arg16[%swap3A_155, %swap3A_156], %swap3A_159 {strides = array<i32>} : memref<128x64xf32, #tpu.memory_space<vmem>>, vector<1x16xf32>,
          %get3A_160 = arith.index_cast %scan3A_81 : i32 to index
          %get3A_161 = arith.constant 16 : index
          %get3A_162 = tpu.vector_load %arg17[%get3A_160, %get3A_161] {strides = array<i32>} : memref<128x64xf32, #tpu.memory_space<vmem>>, vector<1x16xf32>,
          %get3A_163 = vector.shape_cast %get3A_162 : vector<1x16xf32> to vector<16xf32>
          %mul3A_164 = arith.mulf %div3A_154, %get3A_163 : vector<16xf32>
          %swap3A_165 = arith.index_cast %scan3A_81 : i32 to index
          %swap3A_166 = arith.constant 16 : index
          %swap3A_167 = tpu.vector_load %arg17[%swap3A_165, %swap3A_166] {strides = array<i32>} : memref<128x64xf32, #tpu.memory_space<vmem>>, vector<1x16xf32>,
          %swap3A_168 = vector.shape_cast %swap3A_167 : vector<1x16xf32> to vector<16xf32>
          %swap3A_169 = vector.shape_cast %mul3A_164 : vector<16xf32> to vector<1x16xf32>
          tpu.vector_store %arg17[%swap3A_165, %swap3A_166], %swap3A_169 {strides = array<i32>} : memref<128x64xf32, #tpu.memory_space<vmem>>, vector<1x16xf32>,
          %get3A_170 = arith.index_cast %scan3A_81 : i32 to index
          %get3A_171 = arith.constant 32 : index
          %get3A_172 = tpu.vector_load %arg15[%get3A_170, %get3A_171] {strides = array<i32>} : memref<128x64xf32, #tpu.memory_space<vmem>>, vector<1x16xf32>,
          %get3A_173 = vector.shape_cast %get3A_172 : vector<1x16xf32> to vector<16xf32>
          %get3A_174 = arith.index_cast %scan3A_81 : i32 to index
          %get3A_175 = arith.constant 32 : index
          %get3A_176 = tpu.vector_load %arg16[%get3A_174, %get3A_175] {strides = array<i32>} : memref<128x64xf32, #tpu.memory_space<vmem>>, vector<1x16xf32>,
          %get3A_177 = vector.shape_cast %get3A_176 : vector<1x16xf32> to vector<16xf32>
          %add3A_178 = arith.addf %get3A_173, %get3A_177 : vector<16xf32>
          %get3A_179 = arith.index_cast %scan3A_81 : i32 to index
          %get3A_180 = arith.constant 32 : index
          %get3A_181 = tpu.vector_load %arg18[%get3A_179, %get3A_180] {strides = array<i32>} : memref<128x64xf32, #tpu.memory_space<vmem>>, vector<1x16xf32>,
          %get3A_182 = vector.shape_cast %get3A_181 : vector<1x16xf32> to vector<16xf32>
          %add3A_183 = arith.addf %add3A_178, %get3A_182 : vector<16xf32>
          %max3A_184 = arith.constant 0.000000e+00 : f32
          %max3A_185 = vector.broadcast %max3A_184 : f32 to vector<16xf32>
          %max3A_186 = arith.maximumf %add3A_183, %max3A_185 : vector<16xf32>
          %swap3A_187 = arith.index_cast %scan3A_81 : i32 to index
          %swap3A_188 = arith.constant 32 : index
          %swap3A_189 = tpu.vector_load %arg15[%swap3A_187, %swap3A_188] {strides = array<i32>} : memref<128x64xf32, #tpu.memory_space<vmem>>, vector<1x16xf32>,
          %swap3A_190 = vector.shape_cast %swap3A_189 : vector<1x16xf32> to vector<16xf32>
          %swap3A_191 = vector.shape_cast %max3A_186 : vector<16xf32> to vector<1x16xf32>
          tpu.vector_store %arg15[%swap3A_187, %swap3A_188], %swap3A_191 {strides = array<i32>} : memref<128x64xf32, #tpu.memory_space<vmem>>, vector<1x16xf32>,
          %neg3A_192 = arith.constant 0.000000e+00 : f32
          %neg3A_193 = vector.broadcast %neg3A_192 : f32 to vector<16xf32>
          %neg3A_194 = arith.subf %neg3A_193, %add3A_183 : vector<16xf32>
          %exp3A_195 = math.exp %neg3A_194 : vector<16xf32>
          %add3A_196 = arith.constant 1.000000e+00 : f32
          %add3A_197 = vector.broadcast %add3A_196 : f32 to vector<16xf32>
          %add3A_198 = arith.addf %add3A_197, %exp3A_195 : vector<16xf32>
          %div3A_199 = arith.constant 1.000000e+00 : f32
          %div3A_200 = vector.broadcast %div3A_199 : f32 to vector<16xf32>
          %div3A_201 = arith.divf %div3A_200, %add3A_198 : vector<16xf32>
          %swap3A_202 = arith.index_cast %scan3A_81 : i32 to index
          %swap3A_203 = arith.constant 32 : index
          %swap3A_204 = tpu.vector_load %arg16[%swap3A_202, %swap3A_203] {strides = array<i32>} : memref<128x64xf32, #tpu.memory_space<vmem>>, vector<1x16xf32>,
          %swap3A_205 = vector.shape_cast %swap3A_204 : vector<1x16xf32> to vector<16xf32>
          %swap3A_206 = vector.shape_cast %div3A_201 : vector<16xf32> to vector<1x16xf32>
          tpu.vector_store %arg16[%swap3A_202, %swap3A_203], %swap3A_206 {strides = array<i32>} : memref<128x64xf32, #tpu.memory_space<vmem>>, vector<1x16xf32>,
          %get3A_207 = arith.index_cast %scan3A_81 : i32 to index
          %get3A_208 = arith.constant 32 : index
          %get3A_209 = tpu.vector_load %arg17[%get3A_207, %get3A_208] {strides = array<i32>} : memref<128x64xf32, #tpu.memory_space<vmem>>, vector<1x16xf32>,
          %get3A_210 = vector.shape_cast %get3A_209 : vector<1x16xf32> to vector<16xf32>
          %mul3A_211 = arith.mulf %div3A_201, %get3A_210 : vector<16xf32>
          %swap3A_212 = arith.index_cast %scan3A_81 : i32 to index
          %swap3A_213 = arith.constant 32 : index
          %swap3A_214 = tpu.vector_load %arg17[%swap3A_212, %swap3A_213] {strides = array<i32>} : memref<128x64xf32, #tpu.memory_space<vmem>>, vector<1x16xf32>,
          %swap3A_215 = vector.shape_cast %swap3A_214 : vector<1x16xf32> to vector<16xf32>
          %swap3A_216 = vector.shape_cast %mul3A_211 : vector<16xf32> to vector<1x16xf32>
          tpu.vector_store %arg17[%swap3A_212, %swap3A_213], %swap3A_216 {strides = array<i32>} : memref<128x64xf32, #tpu.memory_space<vmem>>, vector<1x16xf32>,
          %get3A_217 = arith.index_cast %scan3A_81 : i32 to index
          %get3A_218 = arith.constant 48 : index
          %get3A_219 = tpu.vector_load %arg15[%get3A_217, %get3A_218] {strides = array<i32>} : memref<128x64xf32, #tpu.memory_space<vmem>>, vector<1x16xf32>,
          %get3A_220 = vector.shape_cast %get3A_219 : vector<1x16xf32> to vector<16xf32>
          %get3A_221 = arith.index_cast %scan3A_81 : i32 to index
          %get3A_222 = arith.constant 48 : index
          %get3A_223 = tpu.vector_load %arg16[%get3A_221, %get3A_222] {strides = array<i32>} : memref<128x64xf32, #tpu.memory_space<vmem>>, vector<1x16xf32>,
          %get3A_224 = vector.shape_cast %get3A_223 : vector<1x16xf32> to vector<16xf32>
          %add3A_225 = arith.addf %get3A_220, %get3A_224 : vector<16xf32>
          %get3A_226 = arith.index_cast %scan3A_81 : i32 to index
          %get3A_227 = arith.constant 48 : index
          %get3A_228 = tpu.vector_load %arg18[%get3A_226, %get3A_227] {strides = array<i32>} : memref<128x64xf32, #tpu.memory_space<vmem>>, vector<1x16xf32>,
          %get3A_229 = vector.shape_cast %get3A_228 : vector<1x16xf32> to vector<16xf32>
          %add3A_230 = arith.addf %add3A_225, %get3A_229 : vector<16xf32>
          %max3A_231 = arith.constant 0.000000e+00 : f32
          %max3A_232 = vector.broadcast %max3A_231 : f32 to vector<16xf32>
          %max3A_233 = arith.maximumf %add3A_230, %max3A_232 : vector<16xf32>
          %swap3A_234 = arith.index_cast %scan3A_81 : i32 to index
          %swap3A_235 = arith.constant 48 : index
          %swap3A_236 = tpu.vector_load %arg15[%swap3A_234, %swap3A_235] {strides = array<i32>} : memref<128x64xf32, #tpu.memory_space<vmem>>, vector<1x16xf32>,
          %swap3A_237 = vector.shape_cast %swap3A_236 : vector<1x16xf32> to vector<16xf32>
          %swap3A_238 = vector.shape_cast %max3A_233 : vector<16xf32> to vector<1x16xf32>
          tpu.vector_store %arg15[%swap3A_234, %swap3A_235], %swap3A_238 {strides = array<i32>} : memref<128x64xf32, #tpu.memory_space<vmem>>, vector<1x16xf32>,
          %neg3A_239 = arith.constant 0.000000e+00 : f32
          %neg3A_240 = vector.broadcast %neg3A_239 : f32 to vector<16xf32>
          %neg3A_241 = arith.subf %neg3A_240, %add3A_230 : vector<16xf32>
          %exp3A_242 = math.exp %neg3A_241 : vector<16xf32>
          %add3A_243 = arith.constant 1.000000e+00 : f32
          %add3A_244 = vector.broadcast %add3A_243 : f32 to vector<16xf32>
          %add3A_245 = arith.addf %add3A_244, %exp3A_242 : vector<16xf32>
          %div3A_246 = arith.constant 1.000000e+00 : f32
          %div3A_247 = vector.broadcast %div3A_246 : f32 to vector<16xf32>
          %div3A_248 = arith.divf %div3A_247, %add3A_245 : vector<16xf32>
          %swap3A_249 = arith.index_cast %scan3A_81 : i32 to index
          %swap3A_250 = arith.constant 48 : index
          %swap3A_251 = tpu.vector_load %arg16[%swap3A_249, %swap3A_250] {strides = array<i32>} : memref<128x64xf32, #tpu.memory_space<vmem>>, vector<1x16xf32>,
          %swap3A_252 = vector.shape_cast %swap3A_251 : vector<1x16xf32> to vector<16xf32>
          %swap3A_253 = vector.shape_cast %div3A_248 : vector<16xf32> to vector<1x16xf32>
          tpu.vector_store %arg16[%swap3A_249, %swap3A_250], %swap3A_253 {strides = array<i32>} : memref<128x64xf32, #tpu.memory_space<vmem>>, vector<1x16xf32>,
          %get3A_254 = arith.index_cast %scan3A_81 : i32 to index
          %get3A_255 = arith.constant 48 : index
          %get3A_256 = tpu.vector_load %arg17[%get3A_254, %get3A_255] {strides = array<i32>} : memref<128x64xf32, #tpu.memory_space<vmem>>, vector<1x16xf32>,
          %get3A_257 = vector.shape_cast %get3A_256 : vector<1x16xf32> to vector<16xf32>
          %mul3A_258 = arith.mulf %div3A_248, %get3A_257 : vector<16xf32>
          %swap3A_259 = arith.index_cast %scan3A_81 : i32 to index
          %swap3A_260 = arith.constant 48 : index
          %swap3A_261 = tpu.vector_load %arg17[%swap3A_259, %swap3A_260] {strides = array<i32>} : memref<128x64xf32, #tpu.memory_space<vmem>>, vector<1x16xf32>,
          %swap3A_262 = vector.shape_cast %swap3A_261 : vector<1x16xf32> to vector<16xf32>
          %swap3A_263 = vector.shape_cast %mul3A_258 : vector<16xf32> to vector<1x16xf32>
          tpu.vector_store %arg17[%swap3A_259, %swap3A_260], %swap3A_263 {strides = array<i32>} : memref<128x64xf32, #tpu.memory_space<vmem>>, vector<1x16xf32>,
        }
        %scan3A_77 = arith.constant 128 : i32
        %mul3A_78 = arith.constant 128 : i32
        %mul3A_79 = arith.muli %add3A, %mul3A_78 : i32
        "tpu.region"() ({
          %run_scoped3A_81 = tpu.sem_alloc : memref<!tpu.dma_semaphore, #tpu.memory_space<semaphore_mem>>
          %dma_start3A_82 = arith.constant 0 : i32
          %dma_start3A_83 = tpu.memref_slice %arg9[%arg0, %mul3A_79, %dma_start3A_82] : memref<2x320000x64xf32, #tpu.memory_space<hbm>> -> memref<1x128x64xf32, #tpu.memory_space<hbm>>
          %dma_start3A_84 = tpu.memref_squeeze %dma_start3A_83 : memref<1x128x64xf32, #tpu.memory_space<hbm>> -> memref<128x64xf32, #tpu.memory_space<hbm>>
          %dma_start3A_85 = arith.constant 0 : i32
          %dma_start3A_86 = tpu.memref_slice %arg9[%arg0, %mul3A_79, %dma_start3A_85] : memref<2x320000x64xf32, #tpu.memory_space<hbm>> -> memref<1x128x64xf32, #tpu.memory_space<hbm>>
          %dma_start3A_87 = tpu.memref_squeeze %dma_start3A_86 : memref<1x128x64xf32, #tpu.memory_space<hbm>> -> memref<128x64xf32, #tpu.memory_space<hbm>>
          tpu.enqueue_dma source(%arg15 : memref<128x64xf32, #tpu.memory_space<vmem>>) target(%dma_start3A_87 : memref<128x64xf32, #tpu.memory_space<hbm>>) target_semaphore(%run_scoped3A_81 : memref<!tpu.dma_semaphore, #tpu.memory_space<semaphore_mem>>)
          %dma_wait3A_88 = arith.constant 0 : i32
          %dma_wait3A_89 = tpu.memref_slice %arg9[%arg0, %mul3A_79, %dma_wait3A_88] : memref<2x320000x64xf32, #tpu.memory_space<hbm>> -> memref<1x128x64xf32, #tpu.memory_space<hbm>>
          %dma_wait3A_90 = tpu.memref_squeeze %dma_wait3A_89 : memref<1x128x64xf32, #tpu.memory_space<hbm>> -> memref<128x64xf32, #tpu.memory_space<hbm>>
          %dma_wait3A_91 = arith.constant 0 : i32
          %dma_wait3A_92 = tpu.memref_slice %arg9[%arg0, %mul3A_79, %dma_wait3A_91] : memref<2x320000x64xf32, #tpu.memory_space<hbm>> -> memref<1x128x64xf32, #tpu.memory_space<hbm>>
          %dma_wait3A_93 = tpu.memref_squeeze %dma_wait3A_92 : memref<1x128x64xf32, #tpu.memory_space<hbm>> -> memref<128x64xf32, #tpu.memory_space<hbm>>
          tpu.wait_dma2 semaphore(%run_scoped3A_81 : memref<!tpu.dma_semaphore, #tpu.memory_space<semaphore_mem>>) src(%arg15 : memref<128x64xf32, #tpu.memory_space<vmem>>) dst(%dma_wait3A_93 : memref<128x64xf32, #tpu.memory_space<hbm>>)
          tpu.yield
        }) : () -> ()
        %run_scoped3A = arith.constant 0 : i32
        "tpu.region"() ({
          %run_scoped3A_81 = tpu.sem_alloc : memref<!tpu.dma_semaphore, #tpu.memory_space<semaphore_mem>>
          %dma_start3A_82 = arith.constant 0 : i32
          %dma_start3A_83 = tpu.memref_slice %arg13[%run_scoped3A, %dma_start3A_82] : memref<1x128xi32, #tpu.memory_space<vmem>> -> memref<1x128xi32, #tpu.memory_space<vmem>>
          %dma_start3A_84 = tpu.memref_squeeze %dma_start3A_83 : memref<1x128xi32, #tpu.memory_space<vmem>> -> memref<128xi32, #tpu.memory_space<vmem>>
          %dma_start3A_85 = arith.constant 0 : i32
          %dma_start3A_86 = arith.constant 0 : i32
          %dma_start3A_87 = tpu.memref_slice %arg19[%dma_start3A_85, %dma_start3A_86] : memref<10000x64xf32, #tpu.memory_space<vmem_shared>> -> memref<10000x64xf32, #tpu.memory_space<vmem_shared>>
          tpu.enqueue_indirect_dma source(%arg17 : memref<128x64xf32, #tpu.memory_space<vmem>>) target(%dma_start3A_87 : memref<10000x64xf32, #tpu.memory_space<vmem_shared>>) offsets(%dma_start3A_84 : memref<128xi32, #tpu.memory_space<vmem>>) semaphore(%run_scoped3A_81 : memref<!tpu.dma_semaphore, #tpu.memory_space<semaphore_mem>>) {add = true}
          %dma_wait3A_88 = arith.constant 0 : i32
          %dma_wait3A_89 = tpu.memref_slice %arg13[%run_scoped3A, %dma_wait3A_88] : memref<1x128xi32, #tpu.memory_space<vmem>> -> memref<1x128xi32, #tpu.memory_space<vmem>>
          %dma_wait3A_90 = tpu.memref_squeeze %dma_wait3A_89 : memref<1x128xi32, #tpu.memory_space<vmem>> -> memref<128xi32, #tpu.memory_space<vmem>>
          %dma_wait3A_91 = arith.constant 0 : i32
          %dma_wait3A_92 = arith.constant 0 : i32
          %dma_wait3A_93 = tpu.memref_slice %arg19[%dma_wait3A_91, %dma_wait3A_92] : memref<10000x64xf32, #tpu.memory_space<vmem_shared>> -> memref<10000x64xf32, #tpu.memory_space<vmem_shared>>
          tpu.wait_indirect_dma semaphore(%run_scoped3A_81 : memref<!tpu.dma_semaphore, #tpu.memory_space<semaphore_mem>>) src(%arg17 : memref<128x64xf32, #tpu.memory_space<vmem>>) dst(%dma_wait3A_93 : memref<10000x64xf32, #tpu.memory_space<vmem_shared>>)
          tpu.yield
        }) : () -> ()
        %run_scoped3A_80 = arith.constant 0 : i32
        "tpu.region"() ({
          %run_scoped3A_81 = tpu.sem_alloc : memref<!tpu.dma_semaphore, #tpu.memory_space<semaphore_mem>>
          %dma_start3A_82 = arith.constant 0 : i32
          %dma_start3A_83 = tpu.memref_slice %arg13[%run_scoped3A_80, %dma_start3A_82] : memref<1x128xi32, #tpu.memory_space<vmem>> -> memref<1x128xi32, #tpu.memory_space<vmem>>
          %dma_start3A_84 = tpu.memref_squeeze %dma_start3A_83 : memref<1x128xi32, #tpu.memory_space<vmem>> -> memref<128xi32, #tpu.memory_space<vmem>>
          %dma_start3A_85 = arith.constant 0 : i32
          %dma_start3A_86 = arith.constant 0 : i32
          %dma_start3A_87 = tpu.memref_slice %arg20[%dma_start3A_85, %dma_start3A_86] : memref<10000x64xf32, #tpu.memory_space<vmem_shared>> -> memref<10000x64xf32, #tpu.memory_space<vmem_shared>>
          tpu.enqueue_indirect_dma source(%arg16 : memref<128x64xf32, #tpu.memory_space<vmem>>) target(%dma_start3A_87 : memref<10000x64xf32, #tpu.memory_space<vmem_shared>>) offsets(%dma_start3A_84 : memref<128xi32, #tpu.memory_space<vmem>>) semaphore(%run_scoped3A_81 : memref<!tpu.dma_semaphore, #tpu.memory_space<semaphore_mem>>) {add = true}
          %dma_wait3A_88 = arith.constant 0 : i32
          %dma_wait3A_89 = tpu.memref_slice %arg13[%run_scoped3A_80, %dma_wait3A_88] : memref<1x128xi32, #tpu.memory_space<vmem>> -> memref<1x128xi32, #tpu.memory_space<vmem>>
          %dma_wait3A_90 = tpu.memref_squeeze %dma_wait3A_89 : memref<1x128xi32, #tpu.memory_space<vmem>> -> memref<128xi32, #tpu.memory_space<vmem>>
          %dma_wait3A_91 = arith.constant 0 : i32
          %dma_wait3A_92 = arith.constant 0 : i32
          %dma_wait3A_93 = tpu.memref_slice %arg20[%dma_wait3A_91, %dma_wait3A_92] : memref<10000x64xf32, #tpu.memory_space<vmem_shared>> -> memref<10000x64xf32, #tpu.memory_space<vmem_shared>>
          tpu.wait_indirect_dma semaphore(%run_scoped3A_81 : memref<!tpu.dma_semaphore, #tpu.memory_space<semaphore_mem>>) src(%arg16 : memref<128x64xf32, #tpu.memory_space<vmem>>) dst(%dma_wait3A_93 : memref<10000x64xf32, #tpu.memory_space<vmem_shared>>)
          tpu.yield
        }) : () -> ()
      } else {
      }
    }
    %scan3A_9 = arith.constant 157 : i32
    %barrier3A_10 = arith.constant 0 : index
    tpu.barrier barrier_id(%barrier3A_10)
    %lt3A_11 = arith.constant 10 : i32
    %lt3A_12 = arith.cmpi slt, %arg1, %lt3A_11 : i32
    %convert_element_type3A_13 = arith.extui %lt3A_12 : i1 to i32
    %cond3A_14 = arith.constant 0 : i32
    %cond3A_15 = arith.cmpi ne, %convert_element_type3A_13, %cond3A_14 : i32
    scf.if %cond3A_15 {
      "tpu.region"() ({
        %run_scoped3A = tpu.sem_alloc : memref<!tpu.dma_semaphore, #tpu.memory_space<semaphore_mem>>
        %dma_start3A = arith.constant 0 : i32
        %dma_start3A_16 = tpu.memref_slice %arg10[%arg0, %mul3A_2, %dma_start3A] : memref<2x10000x64xf32, #tpu.memory_space<hbm>> -> memref<1x1000x64xf32, #tpu.memory_space<hbm>>
        %dma_start3A_17 = tpu.memref_squeeze %dma_start3A_16 : memref<1x1000x64xf32, #tpu.memory_space<hbm>> -> memref<1000x64xf32, #tpu.memory_space<hbm>>
        %dma_start3A_18 = arith.constant 0 : i32
        %dma_start3A_19 = tpu.memref_slice %arg19[%mul3A_2, %dma_start3A_18] : memref<10000x64xf32, #tpu.memory_space<vmem_shared>> -> memref<1000x64xf32, #tpu.memory_space<vmem_shared>>
        tpu.enqueue_dma source(%dma_start3A_19 : memref<1000x64xf32, #tpu.memory_space<vmem_shared>>) target(%dma_start3A_17 : memref<1000x64xf32, #tpu.memory_space<hbm>>) target_semaphore(%run_scoped3A : memref<!tpu.dma_semaphore, #tpu.memory_space<semaphore_mem>>)
        %dma_wait3A = arith.constant 0 : i32
        %dma_wait3A_20 = tpu.memref_slice %arg10[%arg0, %mul3A_2, %dma_wait3A] : memref<2x10000x64xf32, #tpu.memory_space<hbm>> -> memref<1x1000x64xf32, #tpu.memory_space<hbm>>
        %dma_wait3A_21 = tpu.memref_squeeze %dma_wait3A_20 : memref<1x1000x64xf32, #tpu.memory_space<hbm>> -> memref<1000x64xf32, #tpu.memory_space<hbm>>
        %dma_wait3A_22 = arith.constant 0 : i32
        %dma_wait3A_23 = tpu.memref_slice %arg19[%mul3A_2, %dma_wait3A_22] : memref<10000x64xf32, #tpu.memory_space<vmem_shared>> -> memref<1000x64xf32, #tpu.memory_space<vmem_shared>>
        tpu.wait_dma2 semaphore(%run_scoped3A : memref<!tpu.dma_semaphore, #tpu.memory_space<semaphore_mem>>) src(%dma_wait3A_23 : memref<1000x64xf32, #tpu.memory_space<vmem_shared>>) dst(%dma_wait3A_21 : memref<1000x64xf32, #tpu.memory_space<hbm>>)
        tpu.yield
      }) : () -> ()
      "tpu.region"() ({
        %run_scoped3A = tpu.sem_alloc : memref<!tpu.dma_semaphore, #tpu.memory_space<semaphore_mem>>
        %dma_start3A = arith.constant 0 : i32
        %dma_start3A_16 = tpu.memref_slice %arg11[%arg0, %mul3A_2, %dma_start3A] : memref<2x10000x64xf32, #tpu.memory_space<hbm>> -> memref<1x1000x64xf32, #tpu.memory_space<hbm>>
        %dma_start3A_17 = tpu.memref_squeeze %dma_start3A_16 : memref<1x1000x64xf32, #tpu.memory_space<hbm>> -> memref<1000x64xf32, #tpu.memory_space<hbm>>
        %dma_start3A_18 = arith.constant 0 : i32
        %dma_start3A_19 = tpu.memref_slice %arg20[%mul3A_2, %dma_start3A_18] : memref<10000x64xf32, #tpu.memory_space<vmem_shared>> -> memref<1000x64xf32, #tpu.memory_space<vmem_shared>>
        tpu.enqueue_dma source(%dma_start3A_19 : memref<1000x64xf32, #tpu.memory_space<vmem_shared>>) target(%dma_start3A_17 : memref<1000x64xf32, #tpu.memory_space<hbm>>) target_semaphore(%run_scoped3A : memref<!tpu.dma_semaphore, #tpu.memory_space<semaphore_mem>>)
        %dma_wait3A = arith.constant 0 : i32
        %dma_wait3A_20 = tpu.memref_slice %arg11[%arg0, %mul3A_2, %dma_wait3A] : memref<2x10000x64xf32, #tpu.memory_space<hbm>> -> memref<1x1000x64xf32, #tpu.memory_space<hbm>>
        %dma_wait3A_21 = tpu.memref_squeeze %dma_wait3A_20 : memref<1x1000x64xf32, #tpu.memory_space<hbm>> -> memref<1000x64xf32, #tpu.memory_space<hbm>>
        %dma_wait3A_22 = arith.constant 0 : i32
        %dma_wait3A_23 = tpu.memref_slice %arg20[%mul3A_2, %dma_wait3A_22] : memref<10000x64xf32, #tpu.memory_space<vmem_shared>> -> memref<1000x64xf32, #tpu.memory_space<vmem_shared>>
        tpu.wait_dma2 semaphore(%run_scoped3A : memref<!tpu.dma_semaphore, #tpu.memory_space<semaphore_mem>>) src(%dma_wait3A_23 : memref<1000x64xf32, #tpu.memory_space<vmem_shared>>) dst(%dma_wait3A_21 : memref<1000x64xf32, #tpu.memory_space<hbm>>)
        tpu.yield
      }) : () -> ()
    } else {
    }
    return
  }
}

#map = affine_map<(d0, d1) -> (0, 0, 0)>
#map1 = affine_map<(d0, d1) -> (0, 0)>
module attributes {stable_mosaic.version = 14 : i64} {
  func.func @sc_edge(%arg0: i32, %arg1: i32, %arg2: memref<2x320000x64xf32, #tpu.memory_space<hbm>>, %arg3: memref<2500x128xi32, #tpu.memory_space<hbm>>, %arg4: memref<2500x128xi32, #tpu.memory_space<hbm>>, %arg5: memref<20000x64xf32, #tpu.memory_space<hbm>>, %arg6: memref<20000x64xf32, #tpu.memory_space<hbm>>, %arg7: memref<20000x64xf32, #tpu.memory_space<hbm>>, %arg8: memref<1000x64xf32, #tpu.memory_space<hbm>>, %arg9: memref<2x320000x64xf32, #tpu.memory_space<hbm>>, %arg10: memref<2x10000x64xf32, #tpu.memory_space<hbm>>, %arg11: memref<2x10000x64xf32, #tpu.memory_space<hbm>>, %arg12: memref<1x128xi32, #tpu.memory_space<vmem>>, %arg13: memref<1x128xi32, #tpu.memory_space<vmem>>, %arg14: memref<1x128xi32, #tpu.memory_space<vmem>>, %arg15: memref<128x64xf32, #tpu.memory_space<vmem>>, %arg16: memref<128x64xf32, #tpu.memory_space<vmem>>, %arg17: memref<128x64xf32, #tpu.memory_space<vmem>>, %arg18: memref<128x64xf32, #tpu.memory_space<vmem>>, %arg19: memref<10000x64xf32, #tpu.memory_space<vmem_shared>>, %arg20: memref<10000x64xf32, #tpu.memory_space<vmem_shared>>, %arg21: memref<!tpu.dma_semaphore, #tpu.memory_space<semaphore_mem>>) attributes {dimension_semantics = [#tpu.dimension_semantics<core_parallel>, #tpu.dimension_semantics<subcore_parallel>], iteration_bounds = array<i64: 2, 16>, scalar_prefetch = 0 : i64, scratch_operands = 10 : i64, tpu.core_type = #tpu.core_type<sc_vector_subcore>, window_params = [{transform_indices = #map}, {transform_indices = #map1}, {transform_indices = #map1}, {transform_indices = #map1}, {transform_indices = #map1}, {transform_indices = #map1}, {transform_indices = #map1}, {transform_indices = #map}, {transform_indices = #map}, {transform_indices = #map}]} {
    %mul3A = arith.constant 10000 : i32
    %mul3A_0 = arith.muli %arg0, %mul3A : i32
    %mul3A_1 = arith.constant 1000 : i32
    %mul3A_2 = arith.muli %arg1, %mul3A_1 : i32
    %lt3A = arith.constant 10 : i32
    %lt3A_3 = arith.cmpi slt, %arg1, %lt3A : i32
    %convert_element_type3A = arith.extui %lt3A_3 : i1 to i32
    %cond3A = arith.constant 0 : i32
    %cond3A_4 = arith.cmpi ne, %convert_element_type3A, %cond3A : i32
    scf.if %cond3A_4 {
      "tpu.region"() ({
        %run_scoped3A = tpu.sem_alloc : memref<!tpu.dma_semaphore, #tpu.memory_space<semaphore_mem>>
        %dma_start3A = arith.constant 0 : i32
        %dma_start3A_16 = tpu.memref_slice %arg19[%mul3A_2, %dma_start3A] : memref<10000x64xf32, #tpu.memory_space<vmem_shared>> -> memref<1000x64xf32, #tpu.memory_space<vmem_shared>>
        tpu.enqueue_dma source(%arg8 : memref<1000x64xf32, #tpu.memory_space<hbm>>) target(%dma_start3A_16 : memref<1000x64xf32, #tpu.memory_space<vmem_shared>>) target_semaphore(%run_scoped3A : memref<!tpu.dma_semaphore, #tpu.memory_space<semaphore_mem>>)
        %dma_wait3A = arith.constant 0 : i32
        %dma_wait3A_17 = tpu.memref_slice %arg19[%mul3A_2, %dma_wait3A] : memref<10000x64xf32, #tpu.memory_space<vmem_shared>> -> memref<1000x64xf32, #tpu.memory_space<vmem_shared>>
        tpu.wait_dma2 semaphore(%run_scoped3A : memref<!tpu.dma_semaphore, #tpu.memory_space<semaphore_mem>>) src(%arg8 : memref<1000x64xf32, #tpu.memory_space<hbm>>) dst(%dma_wait3A_17 : memref<1000x64xf32, #tpu.memory_space<vmem_shared>>)
        tpu.yield
      }) : () -> ()
      "tpu.region"() ({
        %run_scoped3A = tpu.sem_alloc : memref<!tpu.dma_semaphore, #tpu.memory_space<semaphore_mem>>
        %dma_start3A = arith.constant 0 : i32
        %dma_start3A_16 = tpu.memref_slice %arg20[%mul3A_2, %dma_start3A] : memref<10000x64xf32, #tpu.memory_space<vmem_shared>> -> memref<1000x64xf32, #tpu.memory_space<vmem_shared>>
        tpu.enqueue_dma source(%arg8 : memref<1000x64xf32, #tpu.memory_space<hbm>>) target(%dma_start3A_16 : memref<1000x64xf32, #tpu.memory_space<vmem_shared>>) target_semaphore(%run_scoped3A : memref<!tpu.dma_semaphore, #tpu.memory_space<semaphore_mem>>)
        %dma_wait3A = arith.constant 0 : i32
        %dma_wait3A_17 = tpu.memref_slice %arg20[%mul3A_2, %dma_wait3A] : memref<10000x64xf32, #tpu.memory_space<vmem_shared>> -> memref<1000x64xf32, #tpu.memory_space<vmem_shared>>
        tpu.wait_dma2 semaphore(%run_scoped3A : memref<!tpu.dma_semaphore, #tpu.memory_space<semaphore_mem>>) src(%arg8 : memref<1000x64xf32, #tpu.memory_space<hbm>>) dst(%dma_wait3A_17 : memref<1000x64xf32, #tpu.memory_space<vmem_shared>>)
        tpu.yield
      }) : () -> ()
    } else {
    }
    %barrier3A = arith.constant 0 : index
    tpu.barrier barrier_id(%barrier3A)
    %scan3A = arith.constant 0 : i32
    %scan3A_5 = arith.constant 0 : i32
    %scan3A_6 = arith.constant 157 : i32
    %scan3A_7 = arith.addi %scan3A_5, %scan3A_6 : i32
    %scan3A_8 = arith.constant 1 : i32
    scf.for %scan3A_16 = %scan3A_5 to %scan3A_7 step %scan3A_8  : i32 {
      %mul3A_17 = arith.constant 16 : i32
      %mul3A_18 = arith.muli %mul3A_17, %scan3A_16 : i32
      %add3A = arith.addi %arg1, %mul3A_18 : i32
      %lt3A_19 = arith.constant 2500 : i32
      %lt3A_20 = arith.cmpi slt, %add3A, %lt3A_19 : i32
      %convert_element_type3A_21 = arith.extui %lt3A_20 : i1 to i32
      %cond3A_22 = arith.constant 0 : i32
      %cond3A_23 = arith.cmpi ne, %convert_element_type3A_21, %cond3A_22 : i32
      scf.if %cond3A_23 {
        "tpu.region"() ({
          %run_scoped3A_81 = tpu.sem_alloc : memref<!tpu.dma_semaphore, #tpu.memory_space<semaphore_mem>>
          %dma_start3A_82 = arith.constant 0 : i32
          %dma_start3A_83 = tpu.memref_slice %arg3[%add3A, %dma_start3A_82] : memref<2500x128xi32, #tpu.memory_space<hbm>> -> memref<1x128xi32, #tpu.memory_space<hbm>>
          %dma_start3A_84 = arith.constant 0 : i32
          %dma_start3A_85 = tpu.memref_slice %arg3[%add3A, %dma_start3A_84] : memref<2500x128xi32, #tpu.memory_space<hbm>> -> memref<1x128xi32, #tpu.memory_space<hbm>>
          tpu.enqueue_dma source(%dma_start3A_85 : memref<1x128xi32, #tpu.memory_space<hbm>>) target(%arg12 : memref<1x128xi32, #tpu.memory_space<vmem>>) target_semaphore(%run_scoped3A_81 : memref<!tpu.dma_semaphore, #tpu.memory_space<semaphore_mem>>)
          %dma_wait3A_86 = arith.constant 0 : i32
          %dma_wait3A_87 = tpu.memref_slice %arg3[%add3A, %dma_wait3A_86] : memref<2500x128xi32, #tpu.memory_space<hbm>> -> memref<1x128xi32, #tpu.memory_space<hbm>>
          %dma_wait3A_88 = arith.constant 0 : i32
          %dma_wait3A_89 = tpu.memref_slice %arg3[%add3A, %dma_wait3A_88] : memref<2500x128xi32, #tpu.memory_space<hbm>> -> memref<1x128xi32, #tpu.memory_space<hbm>>
          tpu.wait_dma2 semaphore(%run_scoped3A_81 : memref<!tpu.dma_semaphore, #tpu.memory_space<semaphore_mem>>) src(%dma_wait3A_89 : memref<1x128xi32, #tpu.memory_space<hbm>>) dst(%arg12 : memref<1x128xi32, #tpu.memory_space<vmem>>)
          tpu.yield
        }) : () -> ()
        "tpu.region"() ({
          %run_scoped3A_81 = tpu.sem_alloc : memref<!tpu.dma_semaphore, #tpu.memory_space<semaphore_mem>>
          %dma_start3A_82 = arith.constant 0 : i32
          %dma_start3A_83 = tpu.memref_slice %arg4[%add3A, %dma_start3A_82] : memref<2500x128xi32, #tpu.memory_space<hbm>> -> memref<1x128xi32, #tpu.memory_space<hbm>>
          %dma_start3A_84 = arith.constant 0 : i32
          %dma_start3A_85 = tpu.memref_slice %arg4[%add3A, %dma_start3A_84] : memref<2500x128xi32, #tpu.memory_space<hbm>> -> memref<1x128xi32, #tpu.memory_space<hbm>>
          tpu.enqueue_dma source(%dma_start3A_85 : memref<1x128xi32, #tpu.memory_space<hbm>>) target(%arg13 : memref<1x128xi32, #tpu.memory_space<vmem>>) target_semaphore(%run_scoped3A_81 : memref<!tpu.dma_semaphore, #tpu.memory_space<semaphore_mem>>)
          %dma_wait3A_86 = arith.constant 0 : i32
          %dma_wait3A_87 = tpu.memref_slice %arg4[%add3A, %dma_wait3A_86] : memref<2500x128xi32, #tpu.memory_space<hbm>> -> memref<1x128xi32, #tpu.memory_space<hbm>>
          %dma_wait3A_88 = arith.constant 0 : i32
          %dma_wait3A_89 = tpu.memref_slice %arg4[%add3A, %dma_wait3A_88] : memref<2500x128xi32, #tpu.memory_space<hbm>> -> memref<1x128xi32, #tpu.memory_space<hbm>>
          tpu.wait_dma2 semaphore(%run_scoped3A_81 : memref<!tpu.dma_semaphore, #tpu.memory_space<semaphore_mem>>) src(%dma_wait3A_89 : memref<1x128xi32, #tpu.memory_space<hbm>>) dst(%arg13 : memref<1x128xi32, #tpu.memory_space<vmem>>)
          tpu.yield
        }) : () -> ()
        %scan3A_24 = arith.constant 0 : i32
        %scan3A_25 = arith.constant 0 : i32
        %scan3A_26 = arith.constant 8 : i32
        %scan3A_27 = arith.addi %scan3A_25, %scan3A_26 : i32
        %scan3A_28 = arith.constant 1 : i32
        scf.for %scan3A_81 = %scan3A_25 to %scan3A_27 step %scan3A_28  : i32 {
          %mul3A_82 = arith.constant 16 : i32
          %mul3A_83 = arith.muli %scan3A_81, %mul3A_82 : i32
          %get3A = arith.constant 0 : i32
          %get3A_84 = arith.index_cast %get3A : i32 to index
          %get3A_85 = arith.index_cast %mul3A_83 : i32 to index
          %get3A_86 = tpu.vector_load %arg12[%get3A_84, %get3A_85] {strides = array<i32>} : memref<1x128xi32, #tpu.memory_space<vmem>>, vector<1x16xi32>,
          %get3A_87 = vector.shape_cast %get3A_86 : vector<1x16xi32> to vector<16xi32>
          %add3A_88 = vector.broadcast %mul3A_0 : i32 to vector<16xi32>
          %add3A_89 = arith.addi %get3A_87, %add3A_88 : vector<16xi32>
          %swap3A = arith.constant 0 : i32
          %swap3A_90 = arith.index_cast %swap3A : i32 to index
          %swap3A_91 = arith.index_cast %mul3A_83 : i32 to index
          %swap3A_92 = tpu.vector_load %arg12[%swap3A_90, %swap3A_91] {strides = array<i32>} : memref<1x128xi32, #tpu.memory_space<vmem>>, vector<1x16xi32>,
          %swap3A_93 = vector.shape_cast %swap3A_92 : vector<1x16xi32> to vector<16xi32>
          %swap3A_94 = vector.shape_cast %add3A_89 : vector<16xi32> to vector<1x16xi32>
          tpu.vector_store %arg12[%swap3A_90, %swap3A_91], %swap3A_94 {strides = array<i32>} : memref<1x128xi32, #tpu.memory_space<vmem>>, vector<1x16xi32>,
          %get3A_95 = arith.constant 0 : i32
          %get3A_96 = arith.index_cast %get3A_95 : i32 to index
          %get3A_97 = arith.index_cast %mul3A_83 : i32 to index
          %get3A_98 = tpu.vector_load %arg13[%get3A_96, %get3A_97] {strides = array<i32>} : memref<1x128xi32, #tpu.memory_space<vmem>>, vector<1x16xi32>,
          %get3A_99 = vector.shape_cast %get3A_98 : vector<1x16xi32> to vector<16xi32>
          %add3A_100 = vector.broadcast %mul3A_0 : i32 to vector<16xi32>
          %add3A_101 = arith.addi %get3A_99, %add3A_100 : vector<16xi32>
          %swap3A_102 = arith.constant 0 : i32
          %swap3A_103 = arith.index_cast %swap3A_102 : i32 to index
          %swap3A_104 = arith.index_cast %mul3A_83 : i32 to index
          %swap3A_105 = tpu.vector_load %arg14[%swap3A_103, %swap3A_104] {strides = array<i32>} : memref<1x128xi32, #tpu.memory_space<vmem>>, vector<1x16xi32>,
          %swap3A_106 = vector.shape_cast %swap3A_105 : vector<1x16xi32> to vector<16xi32>
          %swap3A_107 = vector.shape_cast %add3A_101 : vector<16xi32> to vector<1x16xi32>
          tpu.vector_store %arg14[%swap3A_103, %swap3A_104], %swap3A_107 {strides = array<i32>} : memref<1x128xi32, #tpu.memory_space<vmem>>, vector<1x16xi32>,
        }
        %scan3A_29 = arith.constant 8 : i32
        %dma_start3A = arith.constant 0 : i32
        %dma_start3A_30 = arith.constant 0 : i32
        %dma_start3A_31 = tpu.memref_slice %arg12[%dma_start3A, %dma_start3A_30] : memref<1x128xi32, #tpu.memory_space<vmem>> -> memref<1x128xi32, #tpu.memory_space<vmem>>
        %dma_start3A_32 = tpu.memref_squeeze %dma_start3A_31 : memref<1x128xi32, #tpu.memory_space<vmem>> -> memref<128xi32, #tpu.memory_space<vmem>>
        %dma_start3A_33 = arith.constant 0 : i32
        %dma_start3A_34 = arith.constant 0 : i32
        %dma_start3A_35 = tpu.memref_slice %arg5[%dma_start3A_33, %dma_start3A_34] : memref<20000x64xf32, #tpu.memory_space<hbm>> -> memref<20000x64xf32, #tpu.memory_space<hbm>>
        tpu.enqueue_indirect_dma source(%dma_start3A_35 : memref<20000x64xf32, #tpu.memory_space<hbm>>) target(%arg15 : memref<128x64xf32, #tpu.memory_space<vmem>>) offsets(%dma_start3A_32 : memref<128xi32, #tpu.memory_space<vmem>>) semaphore(%arg21 : memref<!tpu.dma_semaphore, #tpu.memory_space<semaphore_mem>>)
        %dma_start3A_36 = arith.constant 0 : i32
        %dma_start3A_37 = arith.constant 0 : i32
        %dma_start3A_38 = tpu.memref_slice %arg14[%dma_start3A_36, %dma_start3A_37] : memref<1x128xi32, #tpu.memory_space<vmem>> -> memref<1x128xi32, #tpu.memory_space<vmem>>
        %dma_start3A_39 = tpu.memref_squeeze %dma_start3A_38 : memref<1x128xi32, #tpu.memory_space<vmem>> -> memref<128xi32, #tpu.memory_space<vmem>>
        %dma_start3A_40 = arith.constant 0 : i32
        %dma_start3A_41 = arith.constant 0 : i32
        %dma_start3A_42 = tpu.memref_slice %arg6[%dma_start3A_40, %dma_start3A_41] : memref<20000x64xf32, #tpu.memory_space<hbm>> -> memref<20000x64xf32, #tpu.memory_space<hbm>>
        tpu.enqueue_indirect_dma source(%dma_start3A_42 : memref<20000x64xf32, #tpu.memory_space<hbm>>) target(%arg16 : memref<128x64xf32, #tpu.memory_space<vmem>>) offsets(%dma_start3A_39 : memref<128xi32, #tpu.memory_space<vmem>>) semaphore(%arg21 : memref<!tpu.dma_semaphore, #tpu.memory_space<semaphore_mem>>)
        %dma_start3A_43 = arith.constant 0 : i32
        %dma_start3A_44 = arith.constant 0 : i32
        %dma_start3A_45 = tpu.memref_slice %arg12[%dma_start3A_43, %dma_start3A_44] : memref<1x128xi32, #tpu.memory_space<vmem>> -> memref<1x128xi32, #tpu.memory_space<vmem>>
        %dma_start3A_46 = tpu.memref_squeeze %dma_start3A_45 : memref<1x128xi32, #tpu.memory_space<vmem>> -> memref<128xi32, #tpu.memory_space<vmem>>
        %dma_start3A_47 = arith.constant 0 : i32
        %dma_start3A_48 = arith.constant 0 : i32
        %dma_start3A_49 = tpu.memref_slice %arg7[%dma_start3A_47, %dma_start3A_48] : memref<20000x64xf32, #tpu.memory_space<hbm>> -> memref<20000x64xf32, #tpu.memory_space<hbm>>
        tpu.enqueue_indirect_dma source(%dma_start3A_49 : memref<20000x64xf32, #tpu.memory_space<hbm>>) target(%arg17 : memref<128x64xf32, #tpu.memory_space<vmem>>) offsets(%dma_start3A_46 : memref<128xi32, #tpu.memory_space<vmem>>) semaphore(%arg21 : memref<!tpu.dma_semaphore, #tpu.memory_space<semaphore_mem>>)
        %mul3A_50 = arith.constant 128 : i32
        %mul3A_51 = arith.muli %add3A, %mul3A_50 : i32
        "tpu.region"() ({
          %run_scoped3A_81 = tpu.sem_alloc : memref<!tpu.dma_semaphore, #tpu.memory_space<semaphore_mem>>
          %dma_start3A_82 = arith.constant 0 : i32
          %dma_start3A_83 = tpu.memref_slice %arg2[%arg0, %mul3A_51, %dma_start3A_82] : memref<2x320000x64xf32, #tpu.memory_space<hbm>> -> memref<1x128x64xf32, #tpu.memory_space<hbm>>
          %dma_start3A_84 = tpu.memref_squeeze %dma_start3A_83 : memref<1x128x64xf32, #tpu.memory_space<hbm>> -> memref<128x64xf32, #tpu.memory_space<hbm>>
          %dma_start3A_85 = arith.constant 0 : i32
          %dma_start3A_86 = tpu.memref_slice %arg2[%arg0, %mul3A_51, %dma_start3A_85] : memref<2x320000x64xf32, #tpu.memory_space<hbm>> -> memref<1x128x64xf32, #tpu.memory_space<hbm>>
          %dma_start3A_87 = tpu.memref_squeeze %dma_start3A_86 : memref<1x128x64xf32, #tpu.memory_space<hbm>> -> memref<128x64xf32, #tpu.memory_space<hbm>>
          tpu.enqueue_dma source(%dma_start3A_87 : memref<128x64xf32, #tpu.memory_space<hbm>>) target(%arg18 : memref<128x64xf32, #tpu.memory_space<vmem>>) target_semaphore(%run_scoped3A_81 : memref<!tpu.dma_semaphore, #tpu.memory_space<semaphore_mem>>)
          %dma_wait3A_88 = arith.constant 0 : i32
          %dma_wait3A_89 = tpu.memref_slice %arg2[%arg0, %mul3A_51, %dma_wait3A_88] : memref<2x320000x64xf32, #tpu.memory_space<hbm>> -> memref<1x128x64xf32, #tpu.memory_space<hbm>>
          %dma_wait3A_90 = tpu.memref_squeeze %dma_wait3A_89 : memref<1x128x64xf32, #tpu.memory_space<hbm>> -> memref<128x64xf32, #tpu.memory_space<hbm>>
          %dma_wait3A_91 = arith.constant 0 : i32
          %dma_wait3A_92 = tpu.memref_slice %arg2[%arg0, %mul3A_51, %dma_wait3A_91] : memref<2x320000x64xf32, #tpu.memory_space<hbm>> -> memref<1x128x64xf32, #tpu.memory_space<hbm>>
          %dma_wait3A_93 = tpu.memref_squeeze %dma_wait3A_92 : memref<1x128x64xf32, #tpu.memory_space<hbm>> -> memref<128x64xf32, #tpu.memory_space<hbm>>
          tpu.wait_dma2 semaphore(%run_scoped3A_81 : memref<!tpu.dma_semaphore, #tpu.memory_space<semaphore_mem>>) src(%dma_wait3A_93 : memref<128x64xf32, #tpu.memory_space<hbm>>) dst(%arg18 : memref<128x64xf32, #tpu.memory_space<vmem>>)
          tpu.yield
        }) : () -> ()
        %dma_wait3A = arith.constant 0 : i32
        %dma_wait3A_52 = arith.constant 0 : i32
        %dma_wait3A_53 = tpu.memref_slice %arg12[%dma_wait3A, %dma_wait3A_52] : memref<1x128xi32, #tpu.memory_space<vmem>> -> memref<1x128xi32, #tpu.memory_space<vmem>>
        %dma_wait3A_54 = tpu.memref_squeeze %dma_wait3A_53 : memref<1x128xi32, #tpu.memory_space<vmem>> -> memref<128xi32, #tpu.memory_space<vmem>>
        %dma_wait3A_55 = arith.constant 0 : i32
        %dma_wait3A_56 = arith.constant 0 : i32
        %dma_wait3A_57 = tpu.memref_slice %arg5[%dma_wait3A_55, %dma_wait3A_56] : memref<20000x64xf32, #tpu.memory_space<hbm>> -> memref<20000x64xf32, #tpu.memory_space<hbm>>
        tpu.wait_indirect_dma semaphore(%arg21 : memref<!tpu.dma_semaphore, #tpu.memory_space<semaphore_mem>>) src(%dma_wait3A_57 : memref<20000x64xf32, #tpu.memory_space<hbm>>) dst(%arg15 : memref<128x64xf32, #tpu.memory_space<vmem>>)
        %dma_wait3A_58 = arith.constant 0 : i32
        %dma_wait3A_59 = arith.constant 0 : i32
        %dma_wait3A_60 = tpu.memref_slice %arg14[%dma_wait3A_58, %dma_wait3A_59] : memref<1x128xi32, #tpu.memory_space<vmem>> -> memref<1x128xi32, #tpu.memory_space<vmem>>
        %dma_wait3A_61 = tpu.memref_squeeze %dma_wait3A_60 : memref<1x128xi32, #tpu.memory_space<vmem>> -> memref<128xi32, #tpu.memory_space<vmem>>
        %dma_wait3A_62 = arith.constant 0 : i32
        %dma_wait3A_63 = arith.constant 0 : i32
        %dma_wait3A_64 = tpu.memref_slice %arg6[%dma_wait3A_62, %dma_wait3A_63] : memref<20000x64xf32, #tpu.memory_space<hbm>> -> memref<20000x64xf32, #tpu.memory_space<hbm>>
        tpu.wait_indirect_dma semaphore(%arg21 : memref<!tpu.dma_semaphore, #tpu.memory_space<semaphore_mem>>) src(%dma_wait3A_64 : memref<20000x64xf32, #tpu.memory_space<hbm>>) dst(%arg16 : memref<128x64xf32, #tpu.memory_space<vmem>>)
        %dma_wait3A_65 = arith.constant 0 : i32
        %dma_wait3A_66 = arith.constant 0 : i32
        %dma_wait3A_67 = tpu.memref_slice %arg12[%dma_wait3A_65, %dma_wait3A_66] : memref<1x128xi32, #tpu.memory_space<vmem>> -> memref<1x128xi32, #tpu.memory_space<vmem>>
        %dma_wait3A_68 = tpu.memref_squeeze %dma_wait3A_67 : memref<1x128xi32, #tpu.memory_space<vmem>> -> memref<128xi32, #tpu.memory_space<vmem>>
        %dma_wait3A_69 = arith.constant 0 : i32
        %dma_wait3A_70 = arith.constant 0 : i32
        %dma_wait3A_71 = tpu.memref_slice %arg7[%dma_wait3A_69, %dma_wait3A_70] : memref<20000x64xf32, #tpu.memory_space<hbm>> -> memref<20000x64xf32, #tpu.memory_space<hbm>>
        tpu.wait_indirect_dma semaphore(%arg21 : memref<!tpu.dma_semaphore, #tpu.memory_space<semaphore_mem>>) src(%dma_wait3A_71 : memref<20000x64xf32, #tpu.memory_space<hbm>>) dst(%arg17 : memref<128x64xf32, #tpu.memory_space<vmem>>)
        %scan3A_72 = arith.constant 0 : i32
        %scan3A_73 = arith.constant 0 : i32
        %scan3A_74 = arith.constant 128 : i32
        %scan3A_75 = arith.addi %scan3A_73, %scan3A_74 : i32
        %scan3A_76 = arith.constant 1 : i32
        scf.for %scan3A_81 = %scan3A_73 to %scan3A_75 step %scan3A_76  : i32 {
          %get3A = arith.index_cast %scan3A_81 : i32 to index
          %get3A_82 = arith.constant 0 : index
          %get3A_83 = tpu.vector_load %arg15[%get3A, %get3A_82] {strides = array<i32>} : memref<128x64xf32, #tpu.memory_space<vmem>>, vector<1x16xf32>,
          %get3A_84 = vector.shape_cast %get3A_83 : vector<1x16xf32> to vector<16xf32>
          %get3A_85 = arith.index_cast %scan3A_81 : i32 to index
          %get3A_86 = arith.constant 0 : index
          %get3A_87 = tpu.vector_load %arg16[%get3A_85, %get3A_86] {strides = array<i32>} : memref<128x64xf32, #tpu.memory_space<vmem>>, vector<1x16xf32>,
          %get3A_88 = vector.shape_cast %get3A_87 : vector<1x16xf32> to vector<16xf32>
          %add3A_89 = arith.addf %get3A_84, %get3A_88 : vector<16xf32>
          %get3A_90 = arith.index_cast %scan3A_81 : i32 to index
          %get3A_91 = arith.constant 0 : index
          %get3A_92 = tpu.vector_load %arg18[%get3A_90, %get3A_91] {strides = array<i32>} : memref<128x64xf32, #tpu.memory_space<vmem>>, vector<1x16xf32>,
          %get3A_93 = vector.shape_cast %get3A_92 : vector<1x16xf32> to vector<16xf32>
          %add3A_94 = arith.addf %add3A_89, %get3A_93 : vector<16xf32>
          %max3A = arith.constant 0.000000e+00 : f32
          %max3A_95 = vector.broadcast %max3A : f32 to vector<16xf32>
          %max3A_96 = arith.maximumf %add3A_94, %max3A_95 : vector<16xf32>
          %swap3A = arith.index_cast %scan3A_81 : i32 to index
          %swap3A_97 = arith.constant 0 : index
          %swap3A_98 = tpu.vector_load %arg15[%swap3A, %swap3A_97] {strides = array<i32>} : memref<128x64xf32, #tpu.memory_space<vmem>>, vector<1x16xf32>,
          %swap3A_99 = vector.shape_cast %swap3A_98 : vector<1x16xf32> to vector<16xf32>
          %swap3A_100 = vector.shape_cast %max3A_96 : vector<16xf32> to vector<1x16xf32>
          tpu.vector_store %arg15[%swap3A, %swap3A_97], %swap3A_100 {strides = array<i32>} : memref<128x64xf32, #tpu.memory_space<vmem>>, vector<1x16xf32>,
          %neg3A = arith.constant 0.000000e+00 : f32
          %neg3A_101 = vector.broadcast %neg3A : f32 to vector<16xf32>
          %neg3A_102 = arith.subf %neg3A_101, %add3A_94 : vector<16xf32>
          %exp3A = math.exp %neg3A_102 : vector<16xf32>
          %add3A_103 = arith.constant 1.000000e+00 : f32
          %add3A_104 = vector.broadcast %add3A_103 : f32 to vector<16xf32>
          %add3A_105 = arith.addf %add3A_104, %exp3A : vector<16xf32>
          %div3A = arith.constant 1.000000e+00 : f32
          %div3A_106 = vector.broadcast %div3A : f32 to vector<16xf32>
          %div3A_107 = arith.divf %div3A_106, %add3A_105 : vector<16xf32>
          %swap3A_108 = arith.index_cast %scan3A_81 : i32 to index
          %swap3A_109 = arith.constant 0 : index
          %swap3A_110 = tpu.vector_load %arg16[%swap3A_108, %swap3A_109] {strides = array<i32>} : memref<128x64xf32, #tpu.memory_space<vmem>>, vector<1x16xf32>,
          %swap3A_111 = vector.shape_cast %swap3A_110 : vector<1x16xf32> to vector<16xf32>
          %swap3A_112 = vector.shape_cast %div3A_107 : vector<16xf32> to vector<1x16xf32>
          tpu.vector_store %arg16[%swap3A_108, %swap3A_109], %swap3A_112 {strides = array<i32>} : memref<128x64xf32, #tpu.memory_space<vmem>>, vector<1x16xf32>,
          %get3A_113 = arith.index_cast %scan3A_81 : i32 to index
          %get3A_114 = arith.constant 0 : index
          %get3A_115 = tpu.vector_load %arg17[%get3A_113, %get3A_114] {strides = array<i32>} : memref<128x64xf32, #tpu.memory_space<vmem>>, vector<1x16xf32>,
          %get3A_116 = vector.shape_cast %get3A_115 : vector<1x16xf32> to vector<16xf32>
          %mul3A_117 = arith.mulf %div3A_107, %get3A_116 : vector<16xf32>
          %swap3A_118 = arith.index_cast %scan3A_81 : i32 to index
          %swap3A_119 = arith.constant 0 : index
          %swap3A_120 = tpu.vector_load %arg17[%swap3A_118, %swap3A_119] {strides = array<i32>} : memref<128x64xf32, #tpu.memory_space<vmem>>, vector<1x16xf32>,
          %swap3A_121 = vector.shape_cast %swap3A_120 : vector<1x16xf32> to vector<16xf32>
          %swap3A_122 = vector.shape_cast %mul3A_117 : vector<16xf32> to vector<1x16xf32>
          tpu.vector_store %arg17[%swap3A_118, %swap3A_119], %swap3A_122 {strides = array<i32>} : memref<128x64xf32, #tpu.memory_space<vmem>>, vector<1x16xf32>,
          %get3A_123 = arith.index_cast %scan3A_81 : i32 to index
          %get3A_124 = arith.constant 16 : index
          %get3A_125 = tpu.vector_load %arg15[%get3A_123, %get3A_124] {strides = array<i32>} : memref<128x64xf32, #tpu.memory_space<vmem>>, vector<1x16xf32>,
          %get3A_126 = vector.shape_cast %get3A_125 : vector<1x16xf32> to vector<16xf32>
          %get3A_127 = arith.index_cast %scan3A_81 : i32 to index
          %get3A_128 = arith.constant 16 : index
          %get3A_129 = tpu.vector_load %arg16[%get3A_127, %get3A_128] {strides = array<i32>} : memref<128x64xf32, #tpu.memory_space<vmem>>, vector<1x16xf32>,
          %get3A_130 = vector.shape_cast %get3A_129 : vector<1x16xf32> to vector<16xf32>
          %add3A_131 = arith.addf %get3A_126, %get3A_130 : vector<16xf32>
          %get3A_132 = arith.index_cast %scan3A_81 : i32 to index
          %get3A_133 = arith.constant 16 : index
          %get3A_134 = tpu.vector_load %arg18[%get3A_132, %get3A_133] {strides = array<i32>} : memref<128x64xf32, #tpu.memory_space<vmem>>, vector<1x16xf32>,
          %get3A_135 = vector.shape_cast %get3A_134 : vector<1x16xf32> to vector<16xf32>
          %add3A_136 = arith.addf %add3A_131, %get3A_135 : vector<16xf32>
          %max3A_137 = arith.constant 0.000000e+00 : f32
          %max3A_138 = vector.broadcast %max3A_137 : f32 to vector<16xf32>
          %max3A_139 = arith.maximumf %add3A_136, %max3A_138 : vector<16xf32>
          %swap3A_140 = arith.index_cast %scan3A_81 : i32 to index
          %swap3A_141 = arith.constant 16 : index
          %swap3A_142 = tpu.vector_load %arg15[%swap3A_140, %swap3A_141] {strides = array<i32>} : memref<128x64xf32, #tpu.memory_space<vmem>>, vector<1x16xf32>,
          %swap3A_143 = vector.shape_cast %swap3A_142 : vector<1x16xf32> to vector<16xf32>
          %swap3A_144 = vector.shape_cast %max3A_139 : vector<16xf32> to vector<1x16xf32>
          tpu.vector_store %arg15[%swap3A_140, %swap3A_141], %swap3A_144 {strides = array<i32>} : memref<128x64xf32, #tpu.memory_space<vmem>>, vector<1x16xf32>,
          %neg3A_145 = arith.constant 0.000000e+00 : f32
          %neg3A_146 = vector.broadcast %neg3A_145 : f32 to vector<16xf32>
          %neg3A_147 = arith.subf %neg3A_146, %add3A_136 : vector<16xf32>
          %exp3A_148 = math.exp %neg3A_147 : vector<16xf32>
          %add3A_149 = arith.constant 1.000000e+00 : f32
          %add3A_150 = vector.broadcast %add3A_149 : f32 to vector<16xf32>
          %add3A_151 = arith.addf %add3A_150, %exp3A_148 : vector<16xf32>
          %div3A_152 = arith.constant 1.000000e+00 : f32
          %div3A_153 = vector.broadcast %div3A_152 : f32 to vector<16xf32>
          %div3A_154 = arith.divf %div3A_153, %add3A_151 : vector<16xf32>
          %swap3A_155 = arith.index_cast %scan3A_81 : i32 to index
          %swap3A_156 = arith.constant 16 : index
          %swap3A_157 = tpu.vector_load %arg16[%swap3A_155, %swap3A_156] {strides = array<i32>} : memref<128x64xf32, #tpu.memory_space<vmem>>, vector<1x16xf32>,
          %swap3A_158 = vector.shape_cast %swap3A_157 : vector<1x16xf32> to vector<16xf32>
          %swap3A_159 = vector.shape_cast %div3A_154 : vector<16xf32> to vector<1x16xf32>
          tpu.vector_store %arg16[%swap3A_155, %swap3A_156], %swap3A_159 {strides = array<i32>} : memref<128x64xf32, #tpu.memory_space<vmem>>, vector<1x16xf32>,
          %get3A_160 = arith.index_cast %scan3A_81 : i32 to index
          %get3A_161 = arith.constant 16 : index
          %get3A_162 = tpu.vector_load %arg17[%get3A_160, %get3A_161] {strides = array<i32>} : memref<128x64xf32, #tpu.memory_space<vmem>>, vector<1x16xf32>,
          %get3A_163 = vector.shape_cast %get3A_162 : vector<1x16xf32> to vector<16xf32>
          %mul3A_164 = arith.mulf %div3A_154, %get3A_163 : vector<16xf32>
          %swap3A_165 = arith.index_cast %scan3A_81 : i32 to index
          %swap3A_166 = arith.constant 16 : index
          %swap3A_167 = tpu.vector_load %arg17[%swap3A_165, %swap3A_166] {strides = array<i32>} : memref<128x64xf32, #tpu.memory_space<vmem>>, vector<1x16xf32>,
          %swap3A_168 = vector.shape_cast %swap3A_167 : vector<1x16xf32> to vector<16xf32>
          %swap3A_169 = vector.shape_cast %mul3A_164 : vector<16xf32> to vector<1x16xf32>
          tpu.vector_store %arg17[%swap3A_165, %swap3A_166], %swap3A_169 {strides = array<i32>} : memref<128x64xf32, #tpu.memory_space<vmem>>, vector<1x16xf32>,
          %get3A_170 = arith.index_cast %scan3A_81 : i32 to index
          %get3A_171 = arith.constant 32 : index
          %get3A_172 = tpu.vector_load %arg15[%get3A_170, %get3A_171] {strides = array<i32>} : memref<128x64xf32, #tpu.memory_space<vmem>>, vector<1x16xf32>,
          %get3A_173 = vector.shape_cast %get3A_172 : vector<1x16xf32> to vector<16xf32>
          %get3A_174 = arith.index_cast %scan3A_81 : i32 to index
          %get3A_175 = arith.constant 32 : index
          %get3A_176 = tpu.vector_load %arg16[%get3A_174, %get3A_175] {strides = array<i32>} : memref<128x64xf32, #tpu.memory_space<vmem>>, vector<1x16xf32>,
          %get3A_177 = vector.shape_cast %get3A_176 : vector<1x16xf32> to vector<16xf32>
          %add3A_178 = arith.addf %get3A_173, %get3A_177 : vector<16xf32>
          %get3A_179 = arith.index_cast %scan3A_81 : i32 to index
          %get3A_180 = arith.constant 32 : index
          %get3A_181 = tpu.vector_load %arg18[%get3A_179, %get3A_180] {strides = array<i32>} : memref<128x64xf32, #tpu.memory_space<vmem>>, vector<1x16xf32>,
          %get3A_182 = vector.shape_cast %get3A_181 : vector<1x16xf32> to vector<16xf32>
          %add3A_183 = arith.addf %add3A_178, %get3A_182 : vector<16xf32>
          %max3A_184 = arith.constant 0.000000e+00 : f32
          %max3A_185 = vector.broadcast %max3A_184 : f32 to vector<16xf32>
          %max3A_186 = arith.maximumf %add3A_183, %max3A_185 : vector<16xf32>
          %swap3A_187 = arith.index_cast %scan3A_81 : i32 to index
          %swap3A_188 = arith.constant 32 : index
          %swap3A_189 = tpu.vector_load %arg15[%swap3A_187, %swap3A_188] {strides = array<i32>} : memref<128x64xf32, #tpu.memory_space<vmem>>, vector<1x16xf32>,
          %swap3A_190 = vector.shape_cast %swap3A_189 : vector<1x16xf32> to vector<16xf32>
          %swap3A_191 = vector.shape_cast %max3A_186 : vector<16xf32> to vector<1x16xf32>
          tpu.vector_store %arg15[%swap3A_187, %swap3A_188], %swap3A_191 {strides = array<i32>} : memref<128x64xf32, #tpu.memory_space<vmem>>, vector<1x16xf32>,
          %neg3A_192 = arith.constant 0.000000e+00 : f32
          %neg3A_193 = vector.broadcast %neg3A_192 : f32 to vector<16xf32>
          %neg3A_194 = arith.subf %neg3A_193, %add3A_183 : vector<16xf32>
          %exp3A_195 = math.exp %neg3A_194 : vector<16xf32>
          %add3A_196 = arith.constant 1.000000e+00 : f32
          %add3A_197 = vector.broadcast %add3A_196 : f32 to vector<16xf32>
          %add3A_198 = arith.addf %add3A_197, %exp3A_195 : vector<16xf32>
          %div3A_199 = arith.constant 1.000000e+00 : f32
          %div3A_200 = vector.broadcast %div3A_199 : f32 to vector<16xf32>
          %div3A_201 = arith.divf %div3A_200, %add3A_198 : vector<16xf32>
          %swap3A_202 = arith.index_cast %scan3A_81 : i32 to index
          %swap3A_203 = arith.constant 32 : index
          %swap3A_204 = tpu.vector_load %arg16[%swap3A_202, %swap3A_203] {strides = array<i32>} : memref<128x64xf32, #tpu.memory_space<vmem>>, vector<1x16xf32>,
          %swap3A_205 = vector.shape_cast %swap3A_204 : vector<1x16xf32> to vector<16xf32>
          %swap3A_206 = vector.shape_cast %div3A_201 : vector<16xf32> to vector<1x16xf32>
          tpu.vector_store %arg16[%swap3A_202, %swap3A_203], %swap3A_206 {strides = array<i32>} : memref<128x64xf32, #tpu.memory_space<vmem>>, vector<1x16xf32>,
          %get3A_207 = arith.index_cast %scan3A_81 : i32 to index
          %get3A_208 = arith.constant 32 : index
          %get3A_209 = tpu.vector_load %arg17[%get3A_207, %get3A_208] {strides = array<i32>} : memref<128x64xf32, #tpu.memory_space<vmem>>, vector<1x16xf32>,
          %get3A_210 = vector.shape_cast %get3A_209 : vector<1x16xf32> to vector<16xf32>
          %mul3A_211 = arith.mulf %div3A_201, %get3A_210 : vector<16xf32>
          %swap3A_212 = arith.index_cast %scan3A_81 : i32 to index
          %swap3A_213 = arith.constant 32 : index
          %swap3A_214 = tpu.vector_load %arg17[%swap3A_212, %swap3A_213] {strides = array<i32>} : memref<128x64xf32, #tpu.memory_space<vmem>>, vector<1x16xf32>,
          %swap3A_215 = vector.shape_cast %swap3A_214 : vector<1x16xf32> to vector<16xf32>
          %swap3A_216 = vector.shape_cast %mul3A_211 : vector<16xf32> to vector<1x16xf32>
          tpu.vector_store %arg17[%swap3A_212, %swap3A_213], %swap3A_216 {strides = array<i32>} : memref<128x64xf32, #tpu.memory_space<vmem>>, vector<1x16xf32>,
          %get3A_217 = arith.index_cast %scan3A_81 : i32 to index
          %get3A_218 = arith.constant 48 : index
          %get3A_219 = tpu.vector_load %arg15[%get3A_217, %get3A_218] {strides = array<i32>} : memref<128x64xf32, #tpu.memory_space<vmem>>, vector<1x16xf32>,
          %get3A_220 = vector.shape_cast %get3A_219 : vector<1x16xf32> to vector<16xf32>
          %get3A_221 = arith.index_cast %scan3A_81 : i32 to index
          %get3A_222 = arith.constant 48 : index
          %get3A_223 = tpu.vector_load %arg16[%get3A_221, %get3A_222] {strides = array<i32>} : memref<128x64xf32, #tpu.memory_space<vmem>>, vector<1x16xf32>,
          %get3A_224 = vector.shape_cast %get3A_223 : vector<1x16xf32> to vector<16xf32>
          %add3A_225 = arith.addf %get3A_220, %get3A_224 : vector<16xf32>
          %get3A_226 = arith.index_cast %scan3A_81 : i32 to index
          %get3A_227 = arith.constant 48 : index
          %get3A_228 = tpu.vector_load %arg18[%get3A_226, %get3A_227] {strides = array<i32>} : memref<128x64xf32, #tpu.memory_space<vmem>>, vector<1x16xf32>,
          %get3A_229 = vector.shape_cast %get3A_228 : vector<1x16xf32> to vector<16xf32>
          %add3A_230 = arith.addf %add3A_225, %get3A_229 : vector<16xf32>
          %max3A_231 = arith.constant 0.000000e+00 : f32
          %max3A_232 = vector.broadcast %max3A_231 : f32 to vector<16xf32>
          %max3A_233 = arith.maximumf %add3A_230, %max3A_232 : vector<16xf32>
          %swap3A_234 = arith.index_cast %scan3A_81 : i32 to index
          %swap3A_235 = arith.constant 48 : index
          %swap3A_236 = tpu.vector_load %arg15[%swap3A_234, %swap3A_235] {strides = array<i32>} : memref<128x64xf32, #tpu.memory_space<vmem>>, vector<1x16xf32>,
          %swap3A_237 = vector.shape_cast %swap3A_236 : vector<1x16xf32> to vector<16xf32>
          %swap3A_238 = vector.shape_cast %max3A_233 : vector<16xf32> to vector<1x16xf32>
          tpu.vector_store %arg15[%swap3A_234, %swap3A_235], %swap3A_238 {strides = array<i32>} : memref<128x64xf32, #tpu.memory_space<vmem>>, vector<1x16xf32>,
          %neg3A_239 = arith.constant 0.000000e+00 : f32
          %neg3A_240 = vector.broadcast %neg3A_239 : f32 to vector<16xf32>
          %neg3A_241 = arith.subf %neg3A_240, %add3A_230 : vector<16xf32>
          %exp3A_242 = math.exp %neg3A_241 : vector<16xf32>
          %add3A_243 = arith.constant 1.000000e+00 : f32
          %add3A_244 = vector.broadcast %add3A_243 : f32 to vector<16xf32>
          %add3A_245 = arith.addf %add3A_244, %exp3A_242 : vector<16xf32>
          %div3A_246 = arith.constant 1.000000e+00 : f32
          %div3A_247 = vector.broadcast %div3A_246 : f32 to vector<16xf32>
          %div3A_248 = arith.divf %div3A_247, %add3A_245 : vector<16xf32>
          %swap3A_249 = arith.index_cast %scan3A_81 : i32 to index
          %swap3A_250 = arith.constant 48 : index
          %swap3A_251 = tpu.vector_load %arg16[%swap3A_249, %swap3A_250] {strides = array<i32>} : memref<128x64xf32, #tpu.memory_space<vmem>>, vector<1x16xf32>,
          %swap3A_252 = vector.shape_cast %swap3A_251 : vector<1x16xf32> to vector<16xf32>
          %swap3A_253 = vector.shape_cast %div3A_248 : vector<16xf32> to vector<1x16xf32>
          tpu.vector_store %arg16[%swap3A_249, %swap3A_250], %swap3A_253 {strides = array<i32>} : memref<128x64xf32, #tpu.memory_space<vmem>>, vector<1x16xf32>,
          %get3A_254 = arith.index_cast %scan3A_81 : i32 to index
          %get3A_255 = arith.constant 48 : index
          %get3A_256 = tpu.vector_load %arg17[%get3A_254, %get3A_255] {strides = array<i32>} : memref<128x64xf32, #tpu.memory_space<vmem>>, vector<1x16xf32>,
          %get3A_257 = vector.shape_cast %get3A_256 : vector<1x16xf32> to vector<16xf32>
          %mul3A_258 = arith.mulf %div3A_248, %get3A_257 : vector<16xf32>
          %swap3A_259 = arith.index_cast %scan3A_81 : i32 to index
          %swap3A_260 = arith.constant 48 : index
          %swap3A_261 = tpu.vector_load %arg17[%swap3A_259, %swap3A_260] {strides = array<i32>} : memref<128x64xf32, #tpu.memory_space<vmem>>, vector<1x16xf32>,
          %swap3A_262 = vector.shape_cast %swap3A_261 : vector<1x16xf32> to vector<16xf32>
          %swap3A_263 = vector.shape_cast %mul3A_258 : vector<16xf32> to vector<1x16xf32>
          tpu.vector_store %arg17[%swap3A_259, %swap3A_260], %swap3A_263 {strides = array<i32>} : memref<128x64xf32, #tpu.memory_space<vmem>>, vector<1x16xf32>,
        }
        %scan3A_77 = arith.constant 128 : i32
        %mul3A_78 = arith.constant 128 : i32
        %mul3A_79 = arith.muli %add3A, %mul3A_78 : i32
        "tpu.region"() ({
          %run_scoped3A_81 = tpu.sem_alloc : memref<!tpu.dma_semaphore, #tpu.memory_space<semaphore_mem>>
          %dma_start3A_82 = arith.constant 0 : i32
          %dma_start3A_83 = tpu.memref_slice %arg9[%arg0, %mul3A_79, %dma_start3A_82] : memref<2x320000x64xf32, #tpu.memory_space<hbm>> -> memref<1x128x64xf32, #tpu.memory_space<hbm>>
          %dma_start3A_84 = tpu.memref_squeeze %dma_start3A_83 : memref<1x128x64xf32, #tpu.memory_space<hbm>> -> memref<128x64xf32, #tpu.memory_space<hbm>>
          %dma_start3A_85 = arith.constant 0 : i32
          %dma_start3A_86 = tpu.memref_slice %arg9[%arg0, %mul3A_79, %dma_start3A_85] : memref<2x320000x64xf32, #tpu.memory_space<hbm>> -> memref<1x128x64xf32, #tpu.memory_space<hbm>>
          %dma_start3A_87 = tpu.memref_squeeze %dma_start3A_86 : memref<1x128x64xf32, #tpu.memory_space<hbm>> -> memref<128x64xf32, #tpu.memory_space<hbm>>
          tpu.enqueue_dma source(%arg15 : memref<128x64xf32, #tpu.memory_space<vmem>>) target(%dma_start3A_87 : memref<128x64xf32, #tpu.memory_space<hbm>>) target_semaphore(%run_scoped3A_81 : memref<!tpu.dma_semaphore, #tpu.memory_space<semaphore_mem>>)
          %dma_wait3A_88 = arith.constant 0 : i32
          %dma_wait3A_89 = tpu.memref_slice %arg9[%arg0, %mul3A_79, %dma_wait3A_88] : memref<2x320000x64xf32, #tpu.memory_space<hbm>> -> memref<1x128x64xf32, #tpu.memory_space<hbm>>
          %dma_wait3A_90 = tpu.memref_squeeze %dma_wait3A_89 : memref<1x128x64xf32, #tpu.memory_space<hbm>> -> memref<128x64xf32, #tpu.memory_space<hbm>>
          %dma_wait3A_91 = arith.constant 0 : i32
          %dma_wait3A_92 = tpu.memref_slice %arg9[%arg0, %mul3A_79, %dma_wait3A_91] : memref<2x320000x64xf32, #tpu.memory_space<hbm>> -> memref<1x128x64xf32, #tpu.memory_space<hbm>>
          %dma_wait3A_93 = tpu.memref_squeeze %dma_wait3A_92 : memref<1x128x64xf32, #tpu.memory_space<hbm>> -> memref<128x64xf32, #tpu.memory_space<hbm>>
          tpu.wait_dma2 semaphore(%run_scoped3A_81 : memref<!tpu.dma_semaphore, #tpu.memory_space<semaphore_mem>>) src(%arg15 : memref<128x64xf32, #tpu.memory_space<vmem>>) dst(%dma_wait3A_93 : memref<128x64xf32, #tpu.memory_space<hbm>>)
          tpu.yield
        }) : () -> ()
        %run_scoped3A = arith.constant 0 : i32
        "tpu.region"() ({
          %run_scoped3A_81 = tpu.sem_alloc : memref<!tpu.dma_semaphore, #tpu.memory_space<semaphore_mem>>
          %dma_start3A_82 = arith.constant 0 : i32
          %dma_start3A_83 = tpu.memref_slice %arg13[%run_scoped3A, %dma_start3A_82] : memref<1x128xi32, #tpu.memory_space<vmem>> -> memref<1x128xi32, #tpu.memory_space<vmem>>
          %dma_start3A_84 = tpu.memref_squeeze %dma_start3A_83 : memref<1x128xi32, #tpu.memory_space<vmem>> -> memref<128xi32, #tpu.memory_space<vmem>>
          %dma_start3A_85 = arith.constant 0 : i32
          %dma_start3A_86 = arith.constant 0 : i32
          %dma_start3A_87 = tpu.memref_slice %arg19[%dma_start3A_85, %dma_start3A_86] : memref<10000x64xf32, #tpu.memory_space<vmem_shared>> -> memref<10000x64xf32, #tpu.memory_space<vmem_shared>>
          tpu.enqueue_indirect_dma source(%arg17 : memref<128x64xf32, #tpu.memory_space<vmem>>) target(%dma_start3A_87 : memref<10000x64xf32, #tpu.memory_space<vmem_shared>>) offsets(%dma_start3A_84 : memref<128xi32, #tpu.memory_space<vmem>>) semaphore(%run_scoped3A_81 : memref<!tpu.dma_semaphore, #tpu.memory_space<semaphore_mem>>) {add = true}
          %dma_wait3A_88 = arith.constant 0 : i32
          %dma_wait3A_89 = tpu.memref_slice %arg13[%run_scoped3A, %dma_wait3A_88] : memref<1x128xi32, #tpu.memory_space<vmem>> -> memref<1x128xi32, #tpu.memory_space<vmem>>
          %dma_wait3A_90 = tpu.memref_squeeze %dma_wait3A_89 : memref<1x128xi32, #tpu.memory_space<vmem>> -> memref<128xi32, #tpu.memory_space<vmem>>
          %dma_wait3A_91 = arith.constant 0 : i32
          %dma_wait3A_92 = arith.constant 0 : i32
          %dma_wait3A_93 = tpu.memref_slice %arg19[%dma_wait3A_91, %dma_wait3A_92] : memref<10000x64xf32, #tpu.memory_space<vmem_shared>> -> memref<10000x64xf32, #tpu.memory_space<vmem_shared>>
          tpu.wait_indirect_dma semaphore(%run_scoped3A_81 : memref<!tpu.dma_semaphore, #tpu.memory_space<semaphore_mem>>) src(%arg17 : memref<128x64xf32, #tpu.memory_space<vmem>>) dst(%dma_wait3A_93 : memref<10000x64xf32, #tpu.memory_space<vmem_shared>>)
          tpu.yield
        }) : () -> ()
        %run_scoped3A_80 = arith.constant 0 : i32
        "tpu.region"() ({
          %run_scoped3A_81 = tpu.sem_alloc : memref<!tpu.dma_semaphore, #tpu.memory_space<semaphore_mem>>
          %dma_start3A_82 = arith.constant 0 : i32
          %dma_start3A_83 = tpu.memref_slice %arg13[%run_scoped3A_80, %dma_start3A_82] : memref<1x128xi32, #tpu.memory_space<vmem>> -> memref<1x128xi32, #tpu.memory_space<vmem>>
          %dma_start3A_84 = tpu.memref_squeeze %dma_start3A_83 : memref<1x128xi32, #tpu.memory_space<vmem>> -> memref<128xi32, #tpu.memory_space<vmem>>
          %dma_start3A_85 = arith.constant 0 : i32
          %dma_start3A_86 = arith.constant 0 : i32
          %dma_start3A_87 = tpu.memref_slice %arg20[%dma_start3A_85, %dma_start3A_86] : memref<10000x64xf32, #tpu.memory_space<vmem_shared>> -> memref<10000x64xf32, #tpu.memory_space<vmem_shared>>
          tpu.enqueue_indirect_dma source(%arg16 : memref<128x64xf32, #tpu.memory_space<vmem>>) target(%dma_start3A_87 : memref<10000x64xf32, #tpu.memory_space<vmem_shared>>) offsets(%dma_start3A_84 : memref<128xi32, #tpu.memory_space<vmem>>) semaphore(%run_scoped3A_81 : memref<!tpu.dma_semaphore, #tpu.memory_space<semaphore_mem>>) {add = true}
          %dma_wait3A_88 = arith.constant 0 : i32
          %dma_wait3A_89 = tpu.memref_slice %arg13[%run_scoped3A_80, %dma_wait3A_88] : memref<1x128xi32, #tpu.memory_space<vmem>> -> memref<1x128xi32, #tpu.memory_space<vmem>>
          %dma_wait3A_90 = tpu.memref_squeeze %dma_wait3A_89 : memref<1x128xi32, #tpu.memory_space<vmem>> -> memref<128xi32, #tpu.memory_space<vmem>>
          %dma_wait3A_91 = arith.constant 0 : i32
          %dma_wait3A_92 = arith.constant 0 : i32
          %dma_wait3A_93 = tpu.memref_slice %arg20[%dma_wait3A_91, %dma_wait3A_92] : memref<10000x64xf32, #tpu.memory_space<vmem_shared>> -> memref<10000x64xf32, #tpu.memory_space<vmem_shared>>
          tpu.wait_indirect_dma semaphore(%run_scoped3A_81 : memref<!tpu.dma_semaphore, #tpu.memory_space<semaphore_mem>>) src(%arg16 : memref<128x64xf32, #tpu.memory_space<vmem>>) dst(%dma_wait3A_93 : memref<10000x64xf32, #tpu.memory_space<vmem_shared>>)
          tpu.yield
        }) : () -> ()
      } else {
      }
    }
    %scan3A_9 = arith.constant 157 : i32
    %barrier3A_10 = arith.constant 0 : index
    tpu.barrier barrier_id(%barrier3A_10)
    %lt3A_11 = arith.constant 10 : i32
    %lt3A_12 = arith.cmpi slt, %arg1, %lt3A_11 : i32
    %convert_element_type3A_13 = arith.extui %lt3A_12 : i1 to i32
    %cond3A_14 = arith.constant 0 : i32
    %cond3A_15 = arith.cmpi ne, %convert_element_type3A_13, %cond3A_14 : i32
    scf.if %cond3A_15 {
      "tpu.region"() ({
        %run_scoped3A = tpu.sem_alloc : memref<!tpu.dma_semaphore, #tpu.memory_space<semaphore_mem>>
        %dma_start3A = arith.constant 0 : i32
        %dma_start3A_16 = tpu.memref_slice %arg10[%arg0, %mul3A_2, %dma_start3A] : memref<2x10000x64xf32, #tpu.memory_space<hbm>> -> memref<1x1000x64xf32, #tpu.memory_space<hbm>>
        %dma_start3A_17 = tpu.memref_squeeze %dma_start3A_16 : memref<1x1000x64xf32, #tpu.memory_space<hbm>> -> memref<1000x64xf32, #tpu.memory_space<hbm>>
        %dma_start3A_18 = arith.constant 0 : i32
        %dma_start3A_19 = tpu.memref_slice %arg19[%mul3A_2, %dma_start3A_18] : memref<10000x64xf32, #tpu.memory_space<vmem_shared>> -> memref<1000x64xf32, #tpu.memory_space<vmem_shared>>
        tpu.enqueue_dma source(%dma_start3A_19 : memref<1000x64xf32, #tpu.memory_space<vmem_shared>>) target(%dma_start3A_17 : memref<1000x64xf32, #tpu.memory_space<hbm>>) target_semaphore(%run_scoped3A : memref<!tpu.dma_semaphore, #tpu.memory_space<semaphore_mem>>)
        %dma_wait3A = arith.constant 0 : i32
        %dma_wait3A_20 = tpu.memref_slice %arg10[%arg0, %mul3A_2, %dma_wait3A] : memref<2x10000x64xf32, #tpu.memory_space<hbm>> -> memref<1x1000x64xf32, #tpu.memory_space<hbm>>
        %dma_wait3A_21 = tpu.memref_squeeze %dma_wait3A_20 : memref<1x1000x64xf32, #tpu.memory_space<hbm>> -> memref<1000x64xf32, #tpu.memory_space<hbm>>
        %dma_wait3A_22 = arith.constant 0 : i32
        %dma_wait3A_23 = tpu.memref_slice %arg19[%mul3A_2, %dma_wait3A_22] : memref<10000x64xf32, #tpu.memory_space<vmem_shared>> -> memref<1000x64xf32, #tpu.memory_space<vmem_shared>>
        tpu.wait_dma2 semaphore(%run_scoped3A : memref<!tpu.dma_semaphore, #tpu.memory_space<semaphore_mem>>) src(%dma_wait3A_23 : memref<1000x64xf32, #tpu.memory_space<vmem_shared>>) dst(%dma_wait3A_21 : memref<1000x64xf32, #tpu.memory_space<hbm>>)
        tpu.yield
      }) : () -> ()
      "tpu.region"() ({
        %run_scoped3A = tpu.sem_alloc : memref<!tpu.dma_semaphore, #tpu.memory_space<semaphore_mem>>
        %dma_start3A = arith.constant 0 : i32
        %dma_start3A_16 = tpu.memref_slice %arg11[%arg0, %mul3A_2, %dma_start3A] : memref<2x10000x64xf32, #tpu.memory_space<hbm>> -> memref<1x1000x64xf32, #tpu.memory_space<hbm>>
        %dma_start3A_17 = tpu.memref_squeeze %dma_start3A_16 : memref<1x1000x64xf32, #tpu.memory_space<hbm>> -> memref<1000x64xf32, #tpu.memory_space<hbm>>
        %dma_start3A_18 = arith.constant 0 : i32
        %dma_start3A_19 = tpu.memref_slice %arg20[%mul3A_2, %dma_start3A_18] : memref<10000x64xf32, #tpu.memory_space<vmem_shared>> -> memref<1000x64xf32, #tpu.memory_space<vmem_shared>>
        tpu.enqueue_dma source(%dma_start3A_19 : memref<1000x64xf32, #tpu.memory_space<vmem_shared>>) target(%dma_start3A_17 : memref<1000x64xf32, #tpu.memory_space<hbm>>) target_semaphore(%run_scoped3A : memref<!tpu.dma_semaphore, #tpu.memory_space<semaphore_mem>>)
        %dma_wait3A = arith.constant 0 : i32
        %dma_wait3A_20 = tpu.memref_slice %arg11[%arg0, %mul3A_2, %dma_wait3A] : memref<2x10000x64xf32, #tpu.memory_space<hbm>> -> memref<1x1000x64xf32, #tpu.memory_space<hbm>>
        %dma_wait3A_21 = tpu.memref_squeeze %dma_wait3A_20 : memref<1x1000x64xf32, #tpu.memory_space<hbm>> -> memref<1000x64xf32, #tpu.memory_space<hbm>>
        %dma_wait3A_22 = arith.constant 0 : i32
        %dma_wait3A_23 = tpu.memref_slice %arg20[%mul3A_2, %dma_wait3A_22] : memref<10000x64xf32, #tpu.memory_space<vmem_shared>> -> memref<1000x64xf32, #tpu.memory_space<vmem_shared>>
        tpu.wait_dma2 semaphore(%run_scoped3A : memref<!tpu.dma_semaphore, #tpu.memory_space<semaphore_mem>>) src(%dma_wait3A_23 : memref<1000x64xf32, #tpu.memory_space<vmem_shared>>) dst(%dma_wait3A_21 : memref<1000x64xf32, #tpu.memory_space<hbm>>)
        tpu.yield
      }) : () -> ()
    } else {
    }
    return
  }
}

#map = affine_map<(d0, d1) -> (0, 0, 0)>
#map1 = affine_map<(d0, d1) -> (0, 0)>
module attributes {stable_mosaic.version = 14 : i64} {
  func.func @sc_edge(%arg0: i32, %arg1: i32, %arg2: memref<2x320000x64xf32, #tpu.memory_space<hbm>>, %arg3: memref<2500x128xi32, #tpu.memory_space<hbm>>, %arg4: memref<2500x128xi32, #tpu.memory_space<hbm>>, %arg5: memref<20000x64xf32, #tpu.memory_space<hbm>>, %arg6: memref<20000x64xf32, #tpu.memory_space<hbm>>, %arg7: memref<20000x64xf32, #tpu.memory_space<hbm>>, %arg8: memref<1000x64xf32, #tpu.memory_space<hbm>>, %arg9: memref<2x10000x64xf32, #tpu.memory_space<hbm>>, %arg10: memref<2x10000x64xf32, #tpu.memory_space<hbm>>, %arg11: memref<1x128xi32, #tpu.memory_space<vmem>>, %arg12: memref<1x128xi32, #tpu.memory_space<vmem>>, %arg13: memref<1x128xi32, #tpu.memory_space<vmem>>, %arg14: memref<128x64xf32, #tpu.memory_space<vmem>>, %arg15: memref<128x64xf32, #tpu.memory_space<vmem>>, %arg16: memref<128x64xf32, #tpu.memory_space<vmem>>, %arg17: memref<128x64xf32, #tpu.memory_space<vmem>>, %arg18: memref<10000x64xf32, #tpu.memory_space<vmem_shared>>, %arg19: memref<10000x64xf32, #tpu.memory_space<vmem_shared>>, %arg20: memref<!tpu.dma_semaphore, #tpu.memory_space<semaphore_mem>>) attributes {dimension_semantics = [#tpu.dimension_semantics<core_parallel>, #tpu.dimension_semantics<subcore_parallel>], iteration_bounds = array<i64: 2, 16>, scalar_prefetch = 0 : i64, scratch_operands = 10 : i64, tpu.core_type = #tpu.core_type<sc_vector_subcore>, window_params = [{transform_indices = #map}, {transform_indices = #map1}, {transform_indices = #map1}, {transform_indices = #map1}, {transform_indices = #map1}, {transform_indices = #map1}, {transform_indices = #map1}, {transform_indices = #map}, {transform_indices = #map}]} {
    %mul3A = arith.constant 10000 : i32
    %mul3A_0 = arith.muli %arg0, %mul3A : i32
    %mul3A_1 = arith.constant 1000 : i32
    %mul3A_2 = arith.muli %arg1, %mul3A_1 : i32
    %lt3A = arith.constant 10 : i32
    %lt3A_3 = arith.cmpi slt, %arg1, %lt3A : i32
    %convert_element_type3A = arith.extui %lt3A_3 : i1 to i32
    %cond3A = arith.constant 0 : i32
    %cond3A_4 = arith.cmpi ne, %convert_element_type3A, %cond3A : i32
    scf.if %cond3A_4 {
      "tpu.region"() ({
        %run_scoped3A = tpu.sem_alloc : memref<!tpu.dma_semaphore, #tpu.memory_space<semaphore_mem>>
        %dma_start3A = arith.constant 0 : i32
        %dma_start3A_16 = tpu.memref_slice %arg18[%mul3A_2, %dma_start3A] : memref<10000x64xf32, #tpu.memory_space<vmem_shared>> -> memref<1000x64xf32, #tpu.memory_space<vmem_shared>>
        tpu.enqueue_dma source(%arg8 : memref<1000x64xf32, #tpu.memory_space<hbm>>) target(%dma_start3A_16 : memref<1000x64xf32, #tpu.memory_space<vmem_shared>>) target_semaphore(%run_scoped3A : memref<!tpu.dma_semaphore, #tpu.memory_space<semaphore_mem>>)
        %dma_wait3A = arith.constant 0 : i32
        %dma_wait3A_17 = tpu.memref_slice %arg18[%mul3A_2, %dma_wait3A] : memref<10000x64xf32, #tpu.memory_space<vmem_shared>> -> memref<1000x64xf32, #tpu.memory_space<vmem_shared>>
        tpu.wait_dma2 semaphore(%run_scoped3A : memref<!tpu.dma_semaphore, #tpu.memory_space<semaphore_mem>>) src(%arg8 : memref<1000x64xf32, #tpu.memory_space<hbm>>) dst(%dma_wait3A_17 : memref<1000x64xf32, #tpu.memory_space<vmem_shared>>)
        tpu.yield
      }) : () -> ()
      "tpu.region"() ({
        %run_scoped3A = tpu.sem_alloc : memref<!tpu.dma_semaphore, #tpu.memory_space<semaphore_mem>>
        %dma_start3A = arith.constant 0 : i32
        %dma_start3A_16 = tpu.memref_slice %arg19[%mul3A_2, %dma_start3A] : memref<10000x64xf32, #tpu.memory_space<vmem_shared>> -> memref<1000x64xf32, #tpu.memory_space<vmem_shared>>
        tpu.enqueue_dma source(%arg8 : memref<1000x64xf32, #tpu.memory_space<hbm>>) target(%dma_start3A_16 : memref<1000x64xf32, #tpu.memory_space<vmem_shared>>) target_semaphore(%run_scoped3A : memref<!tpu.dma_semaphore, #tpu.memory_space<semaphore_mem>>)
        %dma_wait3A = arith.constant 0 : i32
        %dma_wait3A_17 = tpu.memref_slice %arg19[%mul3A_2, %dma_wait3A] : memref<10000x64xf32, #tpu.memory_space<vmem_shared>> -> memref<1000x64xf32, #tpu.memory_space<vmem_shared>>
        tpu.wait_dma2 semaphore(%run_scoped3A : memref<!tpu.dma_semaphore, #tpu.memory_space<semaphore_mem>>) src(%arg8 : memref<1000x64xf32, #tpu.memory_space<hbm>>) dst(%dma_wait3A_17 : memref<1000x64xf32, #tpu.memory_space<vmem_shared>>)
        tpu.yield
      }) : () -> ()
    } else {
    }
    %barrier3A = arith.constant 0 : index
    tpu.barrier barrier_id(%barrier3A)
    %scan3A = arith.constant 0 : i32
    %scan3A_5 = arith.constant 0 : i32
    %scan3A_6 = arith.constant 157 : i32
    %scan3A_7 = arith.addi %scan3A_5, %scan3A_6 : i32
    %scan3A_8 = arith.constant 1 : i32
    scf.for %scan3A_16 = %scan3A_5 to %scan3A_7 step %scan3A_8  : i32 {
      %mul3A_17 = arith.constant 16 : i32
      %mul3A_18 = arith.muli %mul3A_17, %scan3A_16 : i32
      %add3A = arith.addi %arg1, %mul3A_18 : i32
      %lt3A_19 = arith.constant 2500 : i32
      %lt3A_20 = arith.cmpi slt, %add3A, %lt3A_19 : i32
      %convert_element_type3A_21 = arith.extui %lt3A_20 : i1 to i32
      %cond3A_22 = arith.constant 0 : i32
      %cond3A_23 = arith.cmpi ne, %convert_element_type3A_21, %cond3A_22 : i32
      scf.if %cond3A_23 {
        "tpu.region"() ({
          %run_scoped3A_79 = tpu.sem_alloc : memref<!tpu.dma_semaphore, #tpu.memory_space<semaphore_mem>>
          %dma_start3A_80 = arith.constant 0 : i32
          %dma_start3A_81 = tpu.memref_slice %arg3[%add3A, %dma_start3A_80] : memref<2500x128xi32, #tpu.memory_space<hbm>> -> memref<1x128xi32, #tpu.memory_space<hbm>>
          %dma_start3A_82 = arith.constant 0 : i32
          %dma_start3A_83 = tpu.memref_slice %arg3[%add3A, %dma_start3A_82] : memref<2500x128xi32, #tpu.memory_space<hbm>> -> memref<1x128xi32, #tpu.memory_space<hbm>>
          tpu.enqueue_dma source(%dma_start3A_83 : memref<1x128xi32, #tpu.memory_space<hbm>>) target(%arg11 : memref<1x128xi32, #tpu.memory_space<vmem>>) target_semaphore(%run_scoped3A_79 : memref<!tpu.dma_semaphore, #tpu.memory_space<semaphore_mem>>)
          %dma_wait3A_84 = arith.constant 0 : i32
          %dma_wait3A_85 = tpu.memref_slice %arg3[%add3A, %dma_wait3A_84] : memref<2500x128xi32, #tpu.memory_space<hbm>> -> memref<1x128xi32, #tpu.memory_space<hbm>>
          %dma_wait3A_86 = arith.constant 0 : i32
          %dma_wait3A_87 = tpu.memref_slice %arg3[%add3A, %dma_wait3A_86] : memref<2500x128xi32, #tpu.memory_space<hbm>> -> memref<1x128xi32, #tpu.memory_space<hbm>>
          tpu.wait_dma2 semaphore(%run_scoped3A_79 : memref<!tpu.dma_semaphore, #tpu.memory_space<semaphore_mem>>) src(%dma_wait3A_87 : memref<1x128xi32, #tpu.memory_space<hbm>>) dst(%arg11 : memref<1x128xi32, #tpu.memory_space<vmem>>)
          tpu.yield
        }) : () -> ()
        "tpu.region"() ({
          %run_scoped3A_79 = tpu.sem_alloc : memref<!tpu.dma_semaphore, #tpu.memory_space<semaphore_mem>>
          %dma_start3A_80 = arith.constant 0 : i32
          %dma_start3A_81 = tpu.memref_slice %arg4[%add3A, %dma_start3A_80] : memref<2500x128xi32, #tpu.memory_space<hbm>> -> memref<1x128xi32, #tpu.memory_space<hbm>>
          %dma_start3A_82 = arith.constant 0 : i32
          %dma_start3A_83 = tpu.memref_slice %arg4[%add3A, %dma_start3A_82] : memref<2500x128xi32, #tpu.memory_space<hbm>> -> memref<1x128xi32, #tpu.memory_space<hbm>>
          tpu.enqueue_dma source(%dma_start3A_83 : memref<1x128xi32, #tpu.memory_space<hbm>>) target(%arg12 : memref<1x128xi32, #tpu.memory_space<vmem>>) target_semaphore(%run_scoped3A_79 : memref<!tpu.dma_semaphore, #tpu.memory_space<semaphore_mem>>)
          %dma_wait3A_84 = arith.constant 0 : i32
          %dma_wait3A_85 = tpu.memref_slice %arg4[%add3A, %dma_wait3A_84] : memref<2500x128xi32, #tpu.memory_space<hbm>> -> memref<1x128xi32, #tpu.memory_space<hbm>>
          %dma_wait3A_86 = arith.constant 0 : i32
          %dma_wait3A_87 = tpu.memref_slice %arg4[%add3A, %dma_wait3A_86] : memref<2500x128xi32, #tpu.memory_space<hbm>> -> memref<1x128xi32, #tpu.memory_space<hbm>>
          tpu.wait_dma2 semaphore(%run_scoped3A_79 : memref<!tpu.dma_semaphore, #tpu.memory_space<semaphore_mem>>) src(%dma_wait3A_87 : memref<1x128xi32, #tpu.memory_space<hbm>>) dst(%arg12 : memref<1x128xi32, #tpu.memory_space<vmem>>)
          tpu.yield
        }) : () -> ()
        %scan3A_24 = arith.constant 0 : i32
        %scan3A_25 = arith.constant 0 : i32
        %scan3A_26 = arith.constant 8 : i32
        %scan3A_27 = arith.addi %scan3A_25, %scan3A_26 : i32
        %scan3A_28 = arith.constant 1 : i32
        scf.for %scan3A_79 = %scan3A_25 to %scan3A_27 step %scan3A_28  : i32 {
          %mul3A_80 = arith.constant 16 : i32
          %mul3A_81 = arith.muli %scan3A_79, %mul3A_80 : i32
          %get3A = arith.constant 0 : i32
          %get3A_82 = arith.index_cast %get3A : i32 to index
          %get3A_83 = arith.index_cast %mul3A_81 : i32 to index
          %get3A_84 = tpu.vector_load %arg11[%get3A_82, %get3A_83] {strides = array<i32>} : memref<1x128xi32, #tpu.memory_space<vmem>>, vector<1x16xi32>,
          %get3A_85 = vector.shape_cast %get3A_84 : vector<1x16xi32> to vector<16xi32>
          %add3A_86 = vector.broadcast %mul3A_0 : i32 to vector<16xi32>
          %add3A_87 = arith.addi %get3A_85, %add3A_86 : vector<16xi32>
          %swap3A = arith.constant 0 : i32
          %swap3A_88 = arith.index_cast %swap3A : i32 to index
          %swap3A_89 = arith.index_cast %mul3A_81 : i32 to index
          %swap3A_90 = tpu.vector_load %arg11[%swap3A_88, %swap3A_89] {strides = array<i32>} : memref<1x128xi32, #tpu.memory_space<vmem>>, vector<1x16xi32>,
          %swap3A_91 = vector.shape_cast %swap3A_90 : vector<1x16xi32> to vector<16xi32>
          %swap3A_92 = vector.shape_cast %add3A_87 : vector<16xi32> to vector<1x16xi32>
          tpu.vector_store %arg11[%swap3A_88, %swap3A_89], %swap3A_92 {strides = array<i32>} : memref<1x128xi32, #tpu.memory_space<vmem>>, vector<1x16xi32>,
          %get3A_93 = arith.constant 0 : i32
          %get3A_94 = arith.index_cast %get3A_93 : i32 to index
          %get3A_95 = arith.index_cast %mul3A_81 : i32 to index
          %get3A_96 = tpu.vector_load %arg12[%get3A_94, %get3A_95] {strides = array<i32>} : memref<1x128xi32, #tpu.memory_space<vmem>>, vector<1x16xi32>,
          %get3A_97 = vector.shape_cast %get3A_96 : vector<1x16xi32> to vector<16xi32>
          %add3A_98 = vector.broadcast %mul3A_0 : i32 to vector<16xi32>
          %add3A_99 = arith.addi %get3A_97, %add3A_98 : vector<16xi32>
          %swap3A_100 = arith.constant 0 : i32
          %swap3A_101 = arith.index_cast %swap3A_100 : i32 to index
          %swap3A_102 = arith.index_cast %mul3A_81 : i32 to index
          %swap3A_103 = tpu.vector_load %arg13[%swap3A_101, %swap3A_102] {strides = array<i32>} : memref<1x128xi32, #tpu.memory_space<vmem>>, vector<1x16xi32>,
          %swap3A_104 = vector.shape_cast %swap3A_103 : vector<1x16xi32> to vector<16xi32>
          %swap3A_105 = vector.shape_cast %add3A_99 : vector<16xi32> to vector<1x16xi32>
          tpu.vector_store %arg13[%swap3A_101, %swap3A_102], %swap3A_105 {strides = array<i32>} : memref<1x128xi32, #tpu.memory_space<vmem>>, vector<1x16xi32>,
        }
        %scan3A_29 = arith.constant 8 : i32
        %dma_start3A = arith.constant 0 : i32
        %dma_start3A_30 = arith.constant 0 : i32
        %dma_start3A_31 = tpu.memref_slice %arg11[%dma_start3A, %dma_start3A_30] : memref<1x128xi32, #tpu.memory_space<vmem>> -> memref<1x128xi32, #tpu.memory_space<vmem>>
        %dma_start3A_32 = tpu.memref_squeeze %dma_start3A_31 : memref<1x128xi32, #tpu.memory_space<vmem>> -> memref<128xi32, #tpu.memory_space<vmem>>
        %dma_start3A_33 = arith.constant 0 : i32
        %dma_start3A_34 = arith.constant 0 : i32
        %dma_start3A_35 = tpu.memref_slice %arg5[%dma_start3A_33, %dma_start3A_34] : memref<20000x64xf32, #tpu.memory_space<hbm>> -> memref<20000x64xf32, #tpu.memory_space<hbm>>
        tpu.enqueue_indirect_dma source(%dma_start3A_35 : memref<20000x64xf32, #tpu.memory_space<hbm>>) target(%arg14 : memref<128x64xf32, #tpu.memory_space<vmem>>) offsets(%dma_start3A_32 : memref<128xi32, #tpu.memory_space<vmem>>) semaphore(%arg20 : memref<!tpu.dma_semaphore, #tpu.memory_space<semaphore_mem>>)
        %dma_start3A_36 = arith.constant 0 : i32
        %dma_start3A_37 = arith.constant 0 : i32
        %dma_start3A_38 = tpu.memref_slice %arg13[%dma_start3A_36, %dma_start3A_37] : memref<1x128xi32, #tpu.memory_space<vmem>> -> memref<1x128xi32, #tpu.memory_space<vmem>>
        %dma_start3A_39 = tpu.memref_squeeze %dma_start3A_38 : memref<1x128xi32, #tpu.memory_space<vmem>> -> memref<128xi32, #tpu.memory_space<vmem>>
        %dma_start3A_40 = arith.constant 0 : i32
        %dma_start3A_41 = arith.constant 0 : i32
        %dma_start3A_42 = tpu.memref_slice %arg6[%dma_start3A_40, %dma_start3A_41] : memref<20000x64xf32, #tpu.memory_space<hbm>> -> memref<20000x64xf32, #tpu.memory_space<hbm>>
        tpu.enqueue_indirect_dma source(%dma_start3A_42 : memref<20000x64xf32, #tpu.memory_space<hbm>>) target(%arg15 : memref<128x64xf32, #tpu.memory_space<vmem>>) offsets(%dma_start3A_39 : memref<128xi32, #tpu.memory_space<vmem>>) semaphore(%arg20 : memref<!tpu.dma_semaphore, #tpu.memory_space<semaphore_mem>>)
        %dma_start3A_43 = arith.constant 0 : i32
        %dma_start3A_44 = arith.constant 0 : i32
        %dma_start3A_45 = tpu.memref_slice %arg11[%dma_start3A_43, %dma_start3A_44] : memref<1x128xi32, #tpu.memory_space<vmem>> -> memref<1x128xi32, #tpu.memory_space<vmem>>
        %dma_start3A_46 = tpu.memref_squeeze %dma_start3A_45 : memref<1x128xi32, #tpu.memory_space<vmem>> -> memref<128xi32, #tpu.memory_space<vmem>>
        %dma_start3A_47 = arith.constant 0 : i32
        %dma_start3A_48 = arith.constant 0 : i32
        %dma_start3A_49 = tpu.memref_slice %arg7[%dma_start3A_47, %dma_start3A_48] : memref<20000x64xf32, #tpu.memory_space<hbm>> -> memref<20000x64xf32, #tpu.memory_space<hbm>>
        tpu.enqueue_indirect_dma source(%dma_start3A_49 : memref<20000x64xf32, #tpu.memory_space<hbm>>) target(%arg16 : memref<128x64xf32, #tpu.memory_space<vmem>>) offsets(%dma_start3A_46 : memref<128xi32, #tpu.memory_space<vmem>>) semaphore(%arg20 : memref<!tpu.dma_semaphore, #tpu.memory_space<semaphore_mem>>)
        %mul3A_50 = arith.constant 128 : i32
        %mul3A_51 = arith.muli %add3A, %mul3A_50 : i32
        "tpu.region"() ({
          %run_scoped3A_79 = tpu.sem_alloc : memref<!tpu.dma_semaphore, #tpu.memory_space<semaphore_mem>>
          %dma_start3A_80 = arith.constant 0 : i32
          %dma_start3A_81 = tpu.memref_slice %arg2[%arg0, %mul3A_51, %dma_start3A_80] : memref<2x320000x64xf32, #tpu.memory_space<hbm>> -> memref<1x128x64xf32, #tpu.memory_space<hbm>>
          %dma_start3A_82 = tpu.memref_squeeze %dma_start3A_81 : memref<1x128x64xf32, #tpu.memory_space<hbm>> -> memref<128x64xf32, #tpu.memory_space<hbm>>
          %dma_start3A_83 = arith.constant 0 : i32
          %dma_start3A_84 = tpu.memref_slice %arg2[%arg0, %mul3A_51, %dma_start3A_83] : memref<2x320000x64xf32, #tpu.memory_space<hbm>> -> memref<1x128x64xf32, #tpu.memory_space<hbm>>
          %dma_start3A_85 = tpu.memref_squeeze %dma_start3A_84 : memref<1x128x64xf32, #tpu.memory_space<hbm>> -> memref<128x64xf32, #tpu.memory_space<hbm>>
          tpu.enqueue_dma source(%dma_start3A_85 : memref<128x64xf32, #tpu.memory_space<hbm>>) target(%arg17 : memref<128x64xf32, #tpu.memory_space<vmem>>) target_semaphore(%run_scoped3A_79 : memref<!tpu.dma_semaphore, #tpu.memory_space<semaphore_mem>>)
          %dma_wait3A_86 = arith.constant 0 : i32
          %dma_wait3A_87 = tpu.memref_slice %arg2[%arg0, %mul3A_51, %dma_wait3A_86] : memref<2x320000x64xf32, #tpu.memory_space<hbm>> -> memref<1x128x64xf32, #tpu.memory_space<hbm>>
          %dma_wait3A_88 = tpu.memref_squeeze %dma_wait3A_87 : memref<1x128x64xf32, #tpu.memory_space<hbm>> -> memref<128x64xf32, #tpu.memory_space<hbm>>
          %dma_wait3A_89 = arith.constant 0 : i32
          %dma_wait3A_90 = tpu.memref_slice %arg2[%arg0, %mul3A_51, %dma_wait3A_89] : memref<2x320000x64xf32, #tpu.memory_space<hbm>> -> memref<1x128x64xf32, #tpu.memory_space<hbm>>
          %dma_wait3A_91 = tpu.memref_squeeze %dma_wait3A_90 : memref<1x128x64xf32, #tpu.memory_space<hbm>> -> memref<128x64xf32, #tpu.memory_space<hbm>>
          tpu.wait_dma2 semaphore(%run_scoped3A_79 : memref<!tpu.dma_semaphore, #tpu.memory_space<semaphore_mem>>) src(%dma_wait3A_91 : memref<128x64xf32, #tpu.memory_space<hbm>>) dst(%arg17 : memref<128x64xf32, #tpu.memory_space<vmem>>)
          tpu.yield
        }) : () -> ()
        %dma_wait3A = arith.constant 0 : i32
        %dma_wait3A_52 = arith.constant 0 : i32
        %dma_wait3A_53 = tpu.memref_slice %arg11[%dma_wait3A, %dma_wait3A_52] : memref<1x128xi32, #tpu.memory_space<vmem>> -> memref<1x128xi32, #tpu.memory_space<vmem>>
        %dma_wait3A_54 = tpu.memref_squeeze %dma_wait3A_53 : memref<1x128xi32, #tpu.memory_space<vmem>> -> memref<128xi32, #tpu.memory_space<vmem>>
        %dma_wait3A_55 = arith.constant 0 : i32
        %dma_wait3A_56 = arith.constant 0 : i32
        %dma_wait3A_57 = tpu.memref_slice %arg5[%dma_wait3A_55, %dma_wait3A_56] : memref<20000x64xf32, #tpu.memory_space<hbm>> -> memref<20000x64xf32, #tpu.memory_space<hbm>>
        tpu.wait_indirect_dma semaphore(%arg20 : memref<!tpu.dma_semaphore, #tpu.memory_space<semaphore_mem>>) src(%dma_wait3A_57 : memref<20000x64xf32, #tpu.memory_space<hbm>>) dst(%arg14 : memref<128x64xf32, #tpu.memory_space<vmem>>)
        %dma_wait3A_58 = arith.constant 0 : i32
        %dma_wait3A_59 = arith.constant 0 : i32
        %dma_wait3A_60 = tpu.memref_slice %arg13[%dma_wait3A_58, %dma_wait3A_59] : memref<1x128xi32, #tpu.memory_space<vmem>> -> memref<1x128xi32, #tpu.memory_space<vmem>>
        %dma_wait3A_61 = tpu.memref_squeeze %dma_wait3A_60 : memref<1x128xi32, #tpu.memory_space<vmem>> -> memref<128xi32, #tpu.memory_space<vmem>>
        %dma_wait3A_62 = arith.constant 0 : i32
        %dma_wait3A_63 = arith.constant 0 : i32
        %dma_wait3A_64 = tpu.memref_slice %arg6[%dma_wait3A_62, %dma_wait3A_63] : memref<20000x64xf32, #tpu.memory_space<hbm>> -> memref<20000x64xf32, #tpu.memory_space<hbm>>
        tpu.wait_indirect_dma semaphore(%arg20 : memref<!tpu.dma_semaphore, #tpu.memory_space<semaphore_mem>>) src(%dma_wait3A_64 : memref<20000x64xf32, #tpu.memory_space<hbm>>) dst(%arg15 : memref<128x64xf32, #tpu.memory_space<vmem>>)
        %dma_wait3A_65 = arith.constant 0 : i32
        %dma_wait3A_66 = arith.constant 0 : i32
        %dma_wait3A_67 = tpu.memref_slice %arg11[%dma_wait3A_65, %dma_wait3A_66] : memref<1x128xi32, #tpu.memory_space<vmem>> -> memref<1x128xi32, #tpu.memory_space<vmem>>
        %dma_wait3A_68 = tpu.memref_squeeze %dma_wait3A_67 : memref<1x128xi32, #tpu.memory_space<vmem>> -> memref<128xi32, #tpu.memory_space<vmem>>
        %dma_wait3A_69 = arith.constant 0 : i32
        %dma_wait3A_70 = arith.constant 0 : i32
        %dma_wait3A_71 = tpu.memref_slice %arg7[%dma_wait3A_69, %dma_wait3A_70] : memref<20000x64xf32, #tpu.memory_space<hbm>> -> memref<20000x64xf32, #tpu.memory_space<hbm>>
        tpu.wait_indirect_dma semaphore(%arg20 : memref<!tpu.dma_semaphore, #tpu.memory_space<semaphore_mem>>) src(%dma_wait3A_71 : memref<20000x64xf32, #tpu.memory_space<hbm>>) dst(%arg16 : memref<128x64xf32, #tpu.memory_space<vmem>>)
        %scan3A_72 = arith.constant 0 : i32
        %scan3A_73 = arith.constant 0 : i32
        %scan3A_74 = arith.constant 128 : i32
        %scan3A_75 = arith.addi %scan3A_73, %scan3A_74 : i32
        %scan3A_76 = arith.constant 1 : i32
        scf.for %scan3A_79 = %scan3A_73 to %scan3A_75 step %scan3A_76  : i32 {
          %get3A = arith.index_cast %scan3A_79 : i32 to index
          %get3A_80 = arith.constant 0 : index
          %get3A_81 = tpu.vector_load %arg14[%get3A, %get3A_80] {strides = array<i32>} : memref<128x64xf32, #tpu.memory_space<vmem>>, vector<1x16xf32>,
          %get3A_82 = vector.shape_cast %get3A_81 : vector<1x16xf32> to vector<16xf32>
          %get3A_83 = arith.index_cast %scan3A_79 : i32 to index
          %get3A_84 = arith.constant 0 : index
          %get3A_85 = tpu.vector_load %arg15[%get3A_83, %get3A_84] {strides = array<i32>} : memref<128x64xf32, #tpu.memory_space<vmem>>, vector<1x16xf32>,
          %get3A_86 = vector.shape_cast %get3A_85 : vector<1x16xf32> to vector<16xf32>
          %add3A_87 = arith.addf %get3A_82, %get3A_86 : vector<16xf32>
          %get3A_88 = arith.index_cast %scan3A_79 : i32 to index
          %get3A_89 = arith.constant 0 : index
          %get3A_90 = tpu.vector_load %arg17[%get3A_88, %get3A_89] {strides = array<i32>} : memref<128x64xf32, #tpu.memory_space<vmem>>, vector<1x16xf32>,
          %get3A_91 = vector.shape_cast %get3A_90 : vector<1x16xf32> to vector<16xf32>
          %add3A_92 = arith.addf %add3A_87, %get3A_91 : vector<16xf32>
          %max3A = arith.constant 0.000000e+00 : f32
          %max3A_93 = vector.broadcast %max3A : f32 to vector<16xf32>
          %max3A_94 = arith.maximumf %add3A_92, %max3A_93 : vector<16xf32>
          %swap3A = arith.index_cast %scan3A_79 : i32 to index
          %swap3A_95 = arith.constant 0 : index
          %swap3A_96 = tpu.vector_load %arg14[%swap3A, %swap3A_95] {strides = array<i32>} : memref<128x64xf32, #tpu.memory_space<vmem>>, vector<1x16xf32>,
          %swap3A_97 = vector.shape_cast %swap3A_96 : vector<1x16xf32> to vector<16xf32>
          %swap3A_98 = vector.shape_cast %max3A_94 : vector<16xf32> to vector<1x16xf32>
          tpu.vector_store %arg14[%swap3A, %swap3A_95], %swap3A_98 {strides = array<i32>} : memref<128x64xf32, #tpu.memory_space<vmem>>, vector<1x16xf32>,
          %neg3A = arith.constant 0.000000e+00 : f32
          %neg3A_99 = vector.broadcast %neg3A : f32 to vector<16xf32>
          %neg3A_100 = arith.subf %neg3A_99, %add3A_92 : vector<16xf32>
          %exp3A = math.exp %neg3A_100 : vector<16xf32>
          %add3A_101 = arith.constant 1.000000e+00 : f32
          %add3A_102 = vector.broadcast %add3A_101 : f32 to vector<16xf32>
          %add3A_103 = arith.addf %add3A_102, %exp3A : vector<16xf32>
          %div3A = arith.constant 1.000000e+00 : f32
          %div3A_104 = vector.broadcast %div3A : f32 to vector<16xf32>
          %div3A_105 = arith.divf %div3A_104, %add3A_103 : vector<16xf32>
          %swap3A_106 = arith.index_cast %scan3A_79 : i32 to index
          %swap3A_107 = arith.constant 0 : index
          %swap3A_108 = tpu.vector_load %arg15[%swap3A_106, %swap3A_107] {strides = array<i32>} : memref<128x64xf32, #tpu.memory_space<vmem>>, vector<1x16xf32>,
          %swap3A_109 = vector.shape_cast %swap3A_108 : vector<1x16xf32> to vector<16xf32>
          %swap3A_110 = vector.shape_cast %div3A_105 : vector<16xf32> to vector<1x16xf32>
          tpu.vector_store %arg15[%swap3A_106, %swap3A_107], %swap3A_110 {strides = array<i32>} : memref<128x64xf32, #tpu.memory_space<vmem>>, vector<1x16xf32>,
          %get3A_111 = arith.index_cast %scan3A_79 : i32 to index
          %get3A_112 = arith.constant 0 : index
          %get3A_113 = tpu.vector_load %arg16[%get3A_111, %get3A_112] {strides = array<i32>} : memref<128x64xf32, #tpu.memory_space<vmem>>, vector<1x16xf32>,
          %get3A_114 = vector.shape_cast %get3A_113 : vector<1x16xf32> to vector<16xf32>
          %mul3A_115 = arith.mulf %div3A_105, %get3A_114 : vector<16xf32>
          %swap3A_116 = arith.index_cast %scan3A_79 : i32 to index
          %swap3A_117 = arith.constant 0 : index
          %swap3A_118 = tpu.vector_load %arg16[%swap3A_116, %swap3A_117] {strides = array<i32>} : memref<128x64xf32, #tpu.memory_space<vmem>>, vector<1x16xf32>,
          %swap3A_119 = vector.shape_cast %swap3A_118 : vector<1x16xf32> to vector<16xf32>
          %swap3A_120 = vector.shape_cast %mul3A_115 : vector<16xf32> to vector<1x16xf32>
          tpu.vector_store %arg16[%swap3A_116, %swap3A_117], %swap3A_120 {strides = array<i32>} : memref<128x64xf32, #tpu.memory_space<vmem>>, vector<1x16xf32>,
          %get3A_121 = arith.index_cast %scan3A_79 : i32 to index
          %get3A_122 = arith.constant 16 : index
          %get3A_123 = tpu.vector_load %arg14[%get3A_121, %get3A_122] {strides = array<i32>} : memref<128x64xf32, #tpu.memory_space<vmem>>, vector<1x16xf32>,
          %get3A_124 = vector.shape_cast %get3A_123 : vector<1x16xf32> to vector<16xf32>
          %get3A_125 = arith.index_cast %scan3A_79 : i32 to index
          %get3A_126 = arith.constant 16 : index
          %get3A_127 = tpu.vector_load %arg15[%get3A_125, %get3A_126] {strides = array<i32>} : memref<128x64xf32, #tpu.memory_space<vmem>>, vector<1x16xf32>,
          %get3A_128 = vector.shape_cast %get3A_127 : vector<1x16xf32> to vector<16xf32>
          %add3A_129 = arith.addf %get3A_124, %get3A_128 : vector<16xf32>
          %get3A_130 = arith.index_cast %scan3A_79 : i32 to index
          %get3A_131 = arith.constant 16 : index
          %get3A_132 = tpu.vector_load %arg17[%get3A_130, %get3A_131] {strides = array<i32>} : memref<128x64xf32, #tpu.memory_space<vmem>>, vector<1x16xf32>,
          %get3A_133 = vector.shape_cast %get3A_132 : vector<1x16xf32> to vector<16xf32>
          %add3A_134 = arith.addf %add3A_129, %get3A_133 : vector<16xf32>
          %max3A_135 = arith.constant 0.000000e+00 : f32
          %max3A_136 = vector.broadcast %max3A_135 : f32 to vector<16xf32>
          %max3A_137 = arith.maximumf %add3A_134, %max3A_136 : vector<16xf32>
          %swap3A_138 = arith.index_cast %scan3A_79 : i32 to index
          %swap3A_139 = arith.constant 16 : index
          %swap3A_140 = tpu.vector_load %arg14[%swap3A_138, %swap3A_139] {strides = array<i32>} : memref<128x64xf32, #tpu.memory_space<vmem>>, vector<1x16xf32>,
          %swap3A_141 = vector.shape_cast %swap3A_140 : vector<1x16xf32> to vector<16xf32>
          %swap3A_142 = vector.shape_cast %max3A_137 : vector<16xf32> to vector<1x16xf32>
          tpu.vector_store %arg14[%swap3A_138, %swap3A_139], %swap3A_142 {strides = array<i32>} : memref<128x64xf32, #tpu.memory_space<vmem>>, vector<1x16xf32>,
          %neg3A_143 = arith.constant 0.000000e+00 : f32
          %neg3A_144 = vector.broadcast %neg3A_143 : f32 to vector<16xf32>
          %neg3A_145 = arith.subf %neg3A_144, %add3A_134 : vector<16xf32>
          %exp3A_146 = math.exp %neg3A_145 : vector<16xf32>
          %add3A_147 = arith.constant 1.000000e+00 : f32
          %add3A_148 = vector.broadcast %add3A_147 : f32 to vector<16xf32>
          %add3A_149 = arith.addf %add3A_148, %exp3A_146 : vector<16xf32>
          %div3A_150 = arith.constant 1.000000e+00 : f32
          %div3A_151 = vector.broadcast %div3A_150 : f32 to vector<16xf32>
          %div3A_152 = arith.divf %div3A_151, %add3A_149 : vector<16xf32>
          %swap3A_153 = arith.index_cast %scan3A_79 : i32 to index
          %swap3A_154 = arith.constant 16 : index
          %swap3A_155 = tpu.vector_load %arg15[%swap3A_153, %swap3A_154] {strides = array<i32>} : memref<128x64xf32, #tpu.memory_space<vmem>>, vector<1x16xf32>,
          %swap3A_156 = vector.shape_cast %swap3A_155 : vector<1x16xf32> to vector<16xf32>
          %swap3A_157 = vector.shape_cast %div3A_152 : vector<16xf32> to vector<1x16xf32>
          tpu.vector_store %arg15[%swap3A_153, %swap3A_154], %swap3A_157 {strides = array<i32>} : memref<128x64xf32, #tpu.memory_space<vmem>>, vector<1x16xf32>,
          %get3A_158 = arith.index_cast %scan3A_79 : i32 to index
          %get3A_159 = arith.constant 16 : index
          %get3A_160 = tpu.vector_load %arg16[%get3A_158, %get3A_159] {strides = array<i32>} : memref<128x64xf32, #tpu.memory_space<vmem>>, vector<1x16xf32>,
          %get3A_161 = vector.shape_cast %get3A_160 : vector<1x16xf32> to vector<16xf32>
          %mul3A_162 = arith.mulf %div3A_152, %get3A_161 : vector<16xf32>
          %swap3A_163 = arith.index_cast %scan3A_79 : i32 to index
          %swap3A_164 = arith.constant 16 : index
          %swap3A_165 = tpu.vector_load %arg16[%swap3A_163, %swap3A_164] {strides = array<i32>} : memref<128x64xf32, #tpu.memory_space<vmem>>, vector<1x16xf32>,
          %swap3A_166 = vector.shape_cast %swap3A_165 : vector<1x16xf32> to vector<16xf32>
          %swap3A_167 = vector.shape_cast %mul3A_162 : vector<16xf32> to vector<1x16xf32>
          tpu.vector_store %arg16[%swap3A_163, %swap3A_164], %swap3A_167 {strides = array<i32>} : memref<128x64xf32, #tpu.memory_space<vmem>>, vector<1x16xf32>,
          %get3A_168 = arith.index_cast %scan3A_79 : i32 to index
          %get3A_169 = arith.constant 32 : index
          %get3A_170 = tpu.vector_load %arg14[%get3A_168, %get3A_169] {strides = array<i32>} : memref<128x64xf32, #tpu.memory_space<vmem>>, vector<1x16xf32>,
          %get3A_171 = vector.shape_cast %get3A_170 : vector<1x16xf32> to vector<16xf32>
          %get3A_172 = arith.index_cast %scan3A_79 : i32 to index
          %get3A_173 = arith.constant 32 : index
          %get3A_174 = tpu.vector_load %arg15[%get3A_172, %get3A_173] {strides = array<i32>} : memref<128x64xf32, #tpu.memory_space<vmem>>, vector<1x16xf32>,
          %get3A_175 = vector.shape_cast %get3A_174 : vector<1x16xf32> to vector<16xf32>
          %add3A_176 = arith.addf %get3A_171, %get3A_175 : vector<16xf32>
          %get3A_177 = arith.index_cast %scan3A_79 : i32 to index
          %get3A_178 = arith.constant 32 : index
          %get3A_179 = tpu.vector_load %arg17[%get3A_177, %get3A_178] {strides = array<i32>} : memref<128x64xf32, #tpu.memory_space<vmem>>, vector<1x16xf32>,
          %get3A_180 = vector.shape_cast %get3A_179 : vector<1x16xf32> to vector<16xf32>
          %add3A_181 = arith.addf %add3A_176, %get3A_180 : vector<16xf32>
          %max3A_182 = arith.constant 0.000000e+00 : f32
          %max3A_183 = vector.broadcast %max3A_182 : f32 to vector<16xf32>
          %max3A_184 = arith.maximumf %add3A_181, %max3A_183 : vector<16xf32>
          %swap3A_185 = arith.index_cast %scan3A_79 : i32 to index
          %swap3A_186 = arith.constant 32 : index
          %swap3A_187 = tpu.vector_load %arg14[%swap3A_185, %swap3A_186] {strides = array<i32>} : memref<128x64xf32, #tpu.memory_space<vmem>>, vector<1x16xf32>,
          %swap3A_188 = vector.shape_cast %swap3A_187 : vector<1x16xf32> to vector<16xf32>
          %swap3A_189 = vector.shape_cast %max3A_184 : vector<16xf32> to vector<1x16xf32>
          tpu.vector_store %arg14[%swap3A_185, %swap3A_186], %swap3A_189 {strides = array<i32>} : memref<128x64xf32, #tpu.memory_space<vmem>>, vector<1x16xf32>,
          %neg3A_190 = arith.constant 0.000000e+00 : f32
          %neg3A_191 = vector.broadcast %neg3A_190 : f32 to vector<16xf32>
          %neg3A_192 = arith.subf %neg3A_191, %add3A_181 : vector<16xf32>
          %exp3A_193 = math.exp %neg3A_192 : vector<16xf32>
          %add3A_194 = arith.constant 1.000000e+00 : f32
          %add3A_195 = vector.broadcast %add3A_194 : f32 to vector<16xf32>
          %add3A_196 = arith.addf %add3A_195, %exp3A_193 : vector<16xf32>
          %div3A_197 = arith.constant 1.000000e+00 : f32
          %div3A_198 = vector.broadcast %div3A_197 : f32 to vector<16xf32>
          %div3A_199 = arith.divf %div3A_198, %add3A_196 : vector<16xf32>
          %swap3A_200 = arith.index_cast %scan3A_79 : i32 to index
          %swap3A_201 = arith.constant 32 : index
          %swap3A_202 = tpu.vector_load %arg15[%swap3A_200, %swap3A_201] {strides = array<i32>} : memref<128x64xf32, #tpu.memory_space<vmem>>, vector<1x16xf32>,
          %swap3A_203 = vector.shape_cast %swap3A_202 : vector<1x16xf32> to vector<16xf32>
          %swap3A_204 = vector.shape_cast %div3A_199 : vector<16xf32> to vector<1x16xf32>
          tpu.vector_store %arg15[%swap3A_200, %swap3A_201], %swap3A_204 {strides = array<i32>} : memref<128x64xf32, #tpu.memory_space<vmem>>, vector<1x16xf32>,
          %get3A_205 = arith.index_cast %scan3A_79 : i32 to index
          %get3A_206 = arith.constant 32 : index
          %get3A_207 = tpu.vector_load %arg16[%get3A_205, %get3A_206] {strides = array<i32>} : memref<128x64xf32, #tpu.memory_space<vmem>>, vector<1x16xf32>,
          %get3A_208 = vector.shape_cast %get3A_207 : vector<1x16xf32> to vector<16xf32>
          %mul3A_209 = arith.mulf %div3A_199, %get3A_208 : vector<16xf32>
          %swap3A_210 = arith.index_cast %scan3A_79 : i32 to index
          %swap3A_211 = arith.constant 32 : index
          %swap3A_212 = tpu.vector_load %arg16[%swap3A_210, %swap3A_211] {strides = array<i32>} : memref<128x64xf32, #tpu.memory_space<vmem>>, vector<1x16xf32>,
          %swap3A_213 = vector.shape_cast %swap3A_212 : vector<1x16xf32> to vector<16xf32>
          %swap3A_214 = vector.shape_cast %mul3A_209 : vector<16xf32> to vector<1x16xf32>
          tpu.vector_store %arg16[%swap3A_210, %swap3A_211], %swap3A_214 {strides = array<i32>} : memref<128x64xf32, #tpu.memory_space<vmem>>, vector<1x16xf32>,
          %get3A_215 = arith.index_cast %scan3A_79 : i32 to index
          %get3A_216 = arith.constant 48 : index
          %get3A_217 = tpu.vector_load %arg14[%get3A_215, %get3A_216] {strides = array<i32>} : memref<128x64xf32, #tpu.memory_space<vmem>>, vector<1x16xf32>,
          %get3A_218 = vector.shape_cast %get3A_217 : vector<1x16xf32> to vector<16xf32>
          %get3A_219 = arith.index_cast %scan3A_79 : i32 to index
          %get3A_220 = arith.constant 48 : index
          %get3A_221 = tpu.vector_load %arg15[%get3A_219, %get3A_220] {strides = array<i32>} : memref<128x64xf32, #tpu.memory_space<vmem>>, vector<1x16xf32>,
          %get3A_222 = vector.shape_cast %get3A_221 : vector<1x16xf32> to vector<16xf32>
          %add3A_223 = arith.addf %get3A_218, %get3A_222 : vector<16xf32>
          %get3A_224 = arith.index_cast %scan3A_79 : i32 to index
          %get3A_225 = arith.constant 48 : index
          %get3A_226 = tpu.vector_load %arg17[%get3A_224, %get3A_225] {strides = array<i32>} : memref<128x64xf32, #tpu.memory_space<vmem>>, vector<1x16xf32>,
          %get3A_227 = vector.shape_cast %get3A_226 : vector<1x16xf32> to vector<16xf32>
          %add3A_228 = arith.addf %add3A_223, %get3A_227 : vector<16xf32>
          %max3A_229 = arith.constant 0.000000e+00 : f32
          %max3A_230 = vector.broadcast %max3A_229 : f32 to vector<16xf32>
          %max3A_231 = arith.maximumf %add3A_228, %max3A_230 : vector<16xf32>
          %swap3A_232 = arith.index_cast %scan3A_79 : i32 to index
          %swap3A_233 = arith.constant 48 : index
          %swap3A_234 = tpu.vector_load %arg14[%swap3A_232, %swap3A_233] {strides = array<i32>} : memref<128x64xf32, #tpu.memory_space<vmem>>, vector<1x16xf32>,
          %swap3A_235 = vector.shape_cast %swap3A_234 : vector<1x16xf32> to vector<16xf32>
          %swap3A_236 = vector.shape_cast %max3A_231 : vector<16xf32> to vector<1x16xf32>
          tpu.vector_store %arg14[%swap3A_232, %swap3A_233], %swap3A_236 {strides = array<i32>} : memref<128x64xf32, #tpu.memory_space<vmem>>, vector<1x16xf32>,
          %neg3A_237 = arith.constant 0.000000e+00 : f32
          %neg3A_238 = vector.broadcast %neg3A_237 : f32 to vector<16xf32>
          %neg3A_239 = arith.subf %neg3A_238, %add3A_228 : vector<16xf32>
          %exp3A_240 = math.exp %neg3A_239 : vector<16xf32>
          %add3A_241 = arith.constant 1.000000e+00 : f32
          %add3A_242 = vector.broadcast %add3A_241 : f32 to vector<16xf32>
          %add3A_243 = arith.addf %add3A_242, %exp3A_240 : vector<16xf32>
          %div3A_244 = arith.constant 1.000000e+00 : f32
          %div3A_245 = vector.broadcast %div3A_244 : f32 to vector<16xf32>
          %div3A_246 = arith.divf %div3A_245, %add3A_243 : vector<16xf32>
          %swap3A_247 = arith.index_cast %scan3A_79 : i32 to index
          %swap3A_248 = arith.constant 48 : index
          %swap3A_249 = tpu.vector_load %arg15[%swap3A_247, %swap3A_248] {strides = array<i32>} : memref<128x64xf32, #tpu.memory_space<vmem>>, vector<1x16xf32>,
          %swap3A_250 = vector.shape_cast %swap3A_249 : vector<1x16xf32> to vector<16xf32>
          %swap3A_251 = vector.shape_cast %div3A_246 : vector<16xf32> to vector<1x16xf32>
          tpu.vector_store %arg15[%swap3A_247, %swap3A_248], %swap3A_251 {strides = array<i32>} : memref<128x64xf32, #tpu.memory_space<vmem>>, vector<1x16xf32>,
          %get3A_252 = arith.index_cast %scan3A_79 : i32 to index
          %get3A_253 = arith.constant 48 : index
          %get3A_254 = tpu.vector_load %arg16[%get3A_252, %get3A_253] {strides = array<i32>} : memref<128x64xf32, #tpu.memory_space<vmem>>, vector<1x16xf32>,
          %get3A_255 = vector.shape_cast %get3A_254 : vector<1x16xf32> to vector<16xf32>
          %mul3A_256 = arith.mulf %div3A_246, %get3A_255 : vector<16xf32>
          %swap3A_257 = arith.index_cast %scan3A_79 : i32 to index
          %swap3A_258 = arith.constant 48 : index
          %swap3A_259 = tpu.vector_load %arg16[%swap3A_257, %swap3A_258] {strides = array<i32>} : memref<128x64xf32, #tpu.memory_space<vmem>>, vector<1x16xf32>,
          %swap3A_260 = vector.shape_cast %swap3A_259 : vector<1x16xf32> to vector<16xf32>
          %swap3A_261 = vector.shape_cast %mul3A_256 : vector<16xf32> to vector<1x16xf32>
          tpu.vector_store %arg16[%swap3A_257, %swap3A_258], %swap3A_261 {strides = array<i32>} : memref<128x64xf32, #tpu.memory_space<vmem>>, vector<1x16xf32>,
        }
        %scan3A_77 = arith.constant 128 : i32
        %run_scoped3A = arith.constant 0 : i32
        "tpu.region"() ({
          %run_scoped3A_79 = tpu.sem_alloc : memref<!tpu.dma_semaphore, #tpu.memory_space<semaphore_mem>>
          %dma_start3A_80 = arith.constant 0 : i32
          %dma_start3A_81 = tpu.memref_slice %arg12[%run_scoped3A, %dma_start3A_80] : memref<1x128xi32, #tpu.memory_space<vmem>> -> memref<1x128xi32, #tpu.memory_space<vmem>>
          %dma_start3A_82 = tpu.memref_squeeze %dma_start3A_81 : memref<1x128xi32, #tpu.memory_space<vmem>> -> memref<128xi32, #tpu.memory_space<vmem>>
          %dma_start3A_83 = arith.constant 0 : i32
          %dma_start3A_84 = arith.constant 0 : i32
          %dma_start3A_85 = tpu.memref_slice %arg18[%dma_start3A_83, %dma_start3A_84] : memref<10000x64xf32, #tpu.memory_space<vmem_shared>> -> memref<10000x64xf32, #tpu.memory_space<vmem_shared>>
          tpu.enqueue_indirect_dma source(%arg16 : memref<128x64xf32, #tpu.memory_space<vmem>>) target(%dma_start3A_85 : memref<10000x64xf32, #tpu.memory_space<vmem_shared>>) offsets(%dma_start3A_82 : memref<128xi32, #tpu.memory_space<vmem>>) semaphore(%run_scoped3A_79 : memref<!tpu.dma_semaphore, #tpu.memory_space<semaphore_mem>>) {add = true}
          %dma_wait3A_86 = arith.constant 0 : i32
          %dma_wait3A_87 = tpu.memref_slice %arg12[%run_scoped3A, %dma_wait3A_86] : memref<1x128xi32, #tpu.memory_space<vmem>> -> memref<1x128xi32, #tpu.memory_space<vmem>>
          %dma_wait3A_88 = tpu.memref_squeeze %dma_wait3A_87 : memref<1x128xi32, #tpu.memory_space<vmem>> -> memref<128xi32, #tpu.memory_space<vmem>>
          %dma_wait3A_89 = arith.constant 0 : i32
          %dma_wait3A_90 = arith.constant 0 : i32
          %dma_wait3A_91 = tpu.memref_slice %arg18[%dma_wait3A_89, %dma_wait3A_90] : memref<10000x64xf32, #tpu.memory_space<vmem_shared>> -> memref<10000x64xf32, #tpu.memory_space<vmem_shared>>
          tpu.wait_indirect_dma semaphore(%run_scoped3A_79 : memref<!tpu.dma_semaphore, #tpu.memory_space<semaphore_mem>>) src(%arg16 : memref<128x64xf32, #tpu.memory_space<vmem>>) dst(%dma_wait3A_91 : memref<10000x64xf32, #tpu.memory_space<vmem_shared>>)
          tpu.yield
        }) : () -> ()
        %run_scoped3A_78 = arith.constant 0 : i32
        "tpu.region"() ({
          %run_scoped3A_79 = tpu.sem_alloc : memref<!tpu.dma_semaphore, #tpu.memory_space<semaphore_mem>>
          %dma_start3A_80 = arith.constant 0 : i32
          %dma_start3A_81 = tpu.memref_slice %arg12[%run_scoped3A_78, %dma_start3A_80] : memref<1x128xi32, #tpu.memory_space<vmem>> -> memref<1x128xi32, #tpu.memory_space<vmem>>
          %dma_start3A_82 = tpu.memref_squeeze %dma_start3A_81 : memref<1x128xi32, #tpu.memory_space<vmem>> -> memref<128xi32, #tpu.memory_space<vmem>>
          %dma_start3A_83 = arith.constant 0 : i32
          %dma_start3A_84 = arith.constant 0 : i32
          %dma_start3A_85 = tpu.memref_slice %arg19[%dma_start3A_83, %dma_start3A_84] : memref<10000x64xf32, #tpu.memory_space<vmem_shared>> -> memref<10000x64xf32, #tpu.memory_space<vmem_shared>>
          tpu.enqueue_indirect_dma source(%arg15 : memref<128x64xf32, #tpu.memory_space<vmem>>) target(%dma_start3A_85 : memref<10000x64xf32, #tpu.memory_space<vmem_shared>>) offsets(%dma_start3A_82 : memref<128xi32, #tpu.memory_space<vmem>>) semaphore(%run_scoped3A_79 : memref<!tpu.dma_semaphore, #tpu.memory_space<semaphore_mem>>) {add = true}
          %dma_wait3A_86 = arith.constant 0 : i32
          %dma_wait3A_87 = tpu.memref_slice %arg12[%run_scoped3A_78, %dma_wait3A_86] : memref<1x128xi32, #tpu.memory_space<vmem>> -> memref<1x128xi32, #tpu.memory_space<vmem>>
          %dma_wait3A_88 = tpu.memref_squeeze %dma_wait3A_87 : memref<1x128xi32, #tpu.memory_space<vmem>> -> memref<128xi32, #tpu.memory_space<vmem>>
          %dma_wait3A_89 = arith.constant 0 : i32
          %dma_wait3A_90 = arith.constant 0 : i32
          %dma_wait3A_91 = tpu.memref_slice %arg19[%dma_wait3A_89, %dma_wait3A_90] : memref<10000x64xf32, #tpu.memory_space<vmem_shared>> -> memref<10000x64xf32, #tpu.memory_space<vmem_shared>>
          tpu.wait_indirect_dma semaphore(%run_scoped3A_79 : memref<!tpu.dma_semaphore, #tpu.memory_space<semaphore_mem>>) src(%arg15 : memref<128x64xf32, #tpu.memory_space<vmem>>) dst(%dma_wait3A_91 : memref<10000x64xf32, #tpu.memory_space<vmem_shared>>)
          tpu.yield
        }) : () -> ()
      } else {
      }
    }
    %scan3A_9 = arith.constant 157 : i32
    %barrier3A_10 = arith.constant 0 : index
    tpu.barrier barrier_id(%barrier3A_10)
    %lt3A_11 = arith.constant 10 : i32
    %lt3A_12 = arith.cmpi slt, %arg1, %lt3A_11 : i32
    %convert_element_type3A_13 = arith.extui %lt3A_12 : i1 to i32
    %cond3A_14 = arith.constant 0 : i32
    %cond3A_15 = arith.cmpi ne, %convert_element_type3A_13, %cond3A_14 : i32
    scf.if %cond3A_15 {
      "tpu.region"() ({
        %run_scoped3A = tpu.sem_alloc : memref<!tpu.dma_semaphore, #tpu.memory_space<semaphore_mem>>
        %dma_start3A = arith.constant 0 : i32
        %dma_start3A_16 = tpu.memref_slice %arg9[%arg0, %mul3A_2, %dma_start3A] : memref<2x10000x64xf32, #tpu.memory_space<hbm>> -> memref<1x1000x64xf32, #tpu.memory_space<hbm>>
        %dma_start3A_17 = tpu.memref_squeeze %dma_start3A_16 : memref<1x1000x64xf32, #tpu.memory_space<hbm>> -> memref<1000x64xf32, #tpu.memory_space<hbm>>
        %dma_start3A_18 = arith.constant 0 : i32
        %dma_start3A_19 = tpu.memref_slice %arg18[%mul3A_2, %dma_start3A_18] : memref<10000x64xf32, #tpu.memory_space<vmem_shared>> -> memref<1000x64xf32, #tpu.memory_space<vmem_shared>>
        tpu.enqueue_dma source(%dma_start3A_19 : memref<1000x64xf32, #tpu.memory_space<vmem_shared>>) target(%dma_start3A_17 : memref<1000x64xf32, #tpu.memory_space<hbm>>) target_semaphore(%run_scoped3A : memref<!tpu.dma_semaphore, #tpu.memory_space<semaphore_mem>>)
        %dma_wait3A = arith.constant 0 : i32
        %dma_wait3A_20 = tpu.memref_slice %arg9[%arg0, %mul3A_2, %dma_wait3A] : memref<2x10000x64xf32, #tpu.memory_space<hbm>> -> memref<1x1000x64xf32, #tpu.memory_space<hbm>>
        %dma_wait3A_21 = tpu.memref_squeeze %dma_wait3A_20 : memref<1x1000x64xf32, #tpu.memory_space<hbm>> -> memref<1000x64xf32, #tpu.memory_space<hbm>>
        %dma_wait3A_22 = arith.constant 0 : i32
        %dma_wait3A_23 = tpu.memref_slice %arg18[%mul3A_2, %dma_wait3A_22] : memref<10000x64xf32, #tpu.memory_space<vmem_shared>> -> memref<1000x64xf32, #tpu.memory_space<vmem_shared>>
        tpu.wait_dma2 semaphore(%run_scoped3A : memref<!tpu.dma_semaphore, #tpu.memory_space<semaphore_mem>>) src(%dma_wait3A_23 : memref<1000x64xf32, #tpu.memory_space<vmem_shared>>) dst(%dma_wait3A_21 : memref<1000x64xf32, #tpu.memory_space<hbm>>)
        tpu.yield
      }) : () -> ()
      "tpu.region"() ({
        %run_scoped3A = tpu.sem_alloc : memref<!tpu.dma_semaphore, #tpu.memory_space<semaphore_mem>>
        %dma_start3A = arith.constant 0 : i32
        %dma_start3A_16 = tpu.memref_slice %arg10[%arg0, %mul3A_2, %dma_start3A] : memref<2x10000x64xf32, #tpu.memory_space<hbm>> -> memref<1x1000x64xf32, #tpu.memory_space<hbm>>
        %dma_start3A_17 = tpu.memref_squeeze %dma_start3A_16 : memref<1x1000x64xf32, #tpu.memory_space<hbm>> -> memref<1000x64xf32, #tpu.memory_space<hbm>>
        %dma_start3A_18 = arith.constant 0 : i32
        %dma_start3A_19 = tpu.memref_slice %arg19[%mul3A_2, %dma_start3A_18] : memref<10000x64xf32, #tpu.memory_space<vmem_shared>> -> memref<1000x64xf32, #tpu.memory_space<vmem_shared>>
        tpu.enqueue_dma source(%dma_start3A_19 : memref<1000x64xf32, #tpu.memory_space<vmem_shared>>) target(%dma_start3A_17 : memref<1000x64xf32, #tpu.memory_space<hbm>>) target_semaphore(%run_scoped3A : memref<!tpu.dma_semaphore, #tpu.memory_space<semaphore_mem>>)
        %dma_wait3A = arith.constant 0 : i32
        %dma_wait3A_20 = tpu.memref_slice %arg10[%arg0, %mul3A_2, %dma_wait3A] : memref<2x10000x64xf32, #tpu.memory_space<hbm>> -> memref<1x1000x64xf32, #tpu.memory_space<hbm>>
        %dma_wait3A_21 = tpu.memref_squeeze %dma_wait3A_20 : memref<1x1000x64xf32, #tpu.memory_space<hbm>> -> memref<1000x64xf32, #tpu.memory_space<hbm>>
        %dma_wait3A_22 = arith.constant 0 : i32
        %dma_wait3A_23 = tpu.memref_slice %arg19[%mul3A_2, %dma_wait3A_22] : memref<10000x64xf32, #tpu.memory_space<vmem_shared>> -> memref<1000x64xf32, #tpu.memory_space<vmem_shared>>
        tpu.wait_dma2 semaphore(%run_scoped3A : memref<!tpu.dma_semaphore, #tpu.memory_space<semaphore_mem>>) src(%dma_wait3A_23 : memref<1000x64xf32, #tpu.memory_space<vmem_shared>>) dst(%dma_wait3A_21 : memref<1000x64xf32, #tpu.memory_space<hbm>>)
        tpu.yield
      }) : () -> ()
    } else {
    }
    return
  }
}

module attributes {stable_mosaic.version = 14 : i64} {
  func.func @_e0_body(%arg0: i32, %arg1: memref<2000x16xf32, #tpu.memory_space<vmem>>, %arg2: memref<16x128xf32, #tpu.memory_space<vmem>>, %arg3: memref<1x128xf32, #tpu.memory_space<vmem>>, %arg4: memref<128x128xf32, #tpu.memory_space<vmem>>, %arg5: memref<1x128xf32, #tpu.memory_space<vmem>>, %arg6: memref<2000x128xf32, #tpu.memory_space<vmem>>, %arg7: memref<2x2000x64xf32, #tpu.memory_space<vmem>>) attributes {dimension_semantics = [#tpu.dimension_semantics<arbitrary>], iteration_bounds = array<i64: 160>, scalar_prefetch = 0 : i64, scratch_operands = 0 : i64, tpu.core_type = #tpu.core_type<tc>, window_params = [{transform_indices = @transform_0, window_bounds = array<i64: 2000, 16>}, {pipeline_mode = #tpu.pipeline_mode<synchronous>, transform_indices = @transform_1, window_bounds = array<i64: 16, 128>}, {pipeline_mode = #tpu.pipeline_mode<synchronous>, transform_indices = @transform_2, window_bounds = array<i64: 1, 128>}, {pipeline_mode = #tpu.pipeline_mode<synchronous>, transform_indices = @transform_3, window_bounds = array<i64: 128, 128>}, {pipeline_mode = #tpu.pipeline_mode<synchronous>, transform_indices = @transform_4, window_bounds = array<i64: 1, 128>}, {transform_indices = @transform_5, window_bounds = array<i64: 2000, 128>}, {transform_indices = @transform_6, window_bounds = array<i64: 2, 2000, 64>}]} {
    %get3A = arith.constant 0 : index
    %get3A_0 = arith.constant 0 : index
    %get3A_1 = vector.load %arg1[%get3A, %get3A_0] : memref<2000x16xf32, #tpu.memory_space<vmem>>, vector<2000x16xf32>
    %get3A_2 = arith.constant 0 : index
    %get3A_3 = arith.constant 0 : index
    %get3A_4 = vector.load %arg2[%get3A_2, %get3A_3] : memref<16x128xf32, #tpu.memory_space<vmem>>, vector<16x128xf32>
    %dot_general3A = arith.constant dense<0.000000e+00> : vector<2000x128xf32>
    %dot_general3A_5 = tpu.matmul %get3A_1, %get3A_4, %dot_general3A {dimension_numbers = #tpu.dot_dimension_numbers<[1], [0], [0], [1], [0, 0, 1, 1], [], []>, precision = #tpu.contract_precision<fp32>, transpose_lhs_hint = false} : vector<2000x16xf32>, vector<16x128xf32>, vector<2000x128xf32> -> vector<2000x128xf32>
    %get3A_6 = arith.constant 0 : index
    %get3A_7 = arith.constant 0 : index
    %get3A_8 = vector.load %arg3[%get3A_6, %get3A_7] : memref<1x128xf32, #tpu.memory_space<vmem>>, vector<1x128xf32>
    %add3A = vector.broadcast %get3A_8 : vector<1x128xf32> to vector<2000x128xf32>
    %add3A_9 = arith.addf %dot_general3A_5, %add3A : vector<2000x128xf32>
    %swap3A = arith.constant 0 : index
    %swap3A_10 = arith.constant 0 : index
    %swap3A_11 = vector.load %arg6[%swap3A, %swap3A_10] : memref<2000x128xf32, #tpu.memory_space<vmem>>, vector<2000x128xf32>
    tpu.vector_store %arg6[%swap3A, %swap3A_10], %add3A_9 {strides = array<i32>} : memref<2000x128xf32, #tpu.memory_space<vmem>>, vector<2000x128xf32>,
    %get3A_12 = arith.constant 0 : index
    %get3A_13 = arith.constant 0 : index
    %get3A_14 = vector.load %arg4[%get3A_12, %get3A_13] : memref<128x128xf32, #tpu.memory_space<vmem>>, vector<128x128xf32>
    %dot_general3A_15 = arith.constant dense<0.000000e+00> : vector<2000x128xf32>
    %dot_general3A_16 = tpu.matmul %add3A_9, %get3A_14, %dot_general3A_15 {dimension_numbers = #tpu.dot_dimension_numbers<[1], [0], [0], [1], [0, 0, 1, 1], [], []>, precision = #tpu.contract_precision<fp32>, transpose_lhs_hint = false} : vector<2000x128xf32>, vector<128x128xf32>, vector<2000x128xf32> -> vector<2000x128xf32>
    %get3A_17 = arith.constant 0 : index
    %get3A_18 = arith.constant 0 : index
    %get3A_19 = vector.load %arg5[%get3A_17, %get3A_18] : memref<1x128xf32, #tpu.memory_space<vmem>>, vector<1x128xf32>
    %add3A_20 = vector.broadcast %get3A_19 : vector<1x128xf32> to vector<2000x128xf32>
    %add3A_21 = arith.addf %dot_general3A_16, %add3A_20 : vector<2000x128xf32>
    %slice3A = vector.extract_strided_slice %add3A_21 {offsets = [0, 0], sizes = [2000, 64], strides = [1, 1]} : vector<2000x128xf32> to vector<2000x64xf32>
    %swap3A_22 = arith.constant 0 : index
    %swap3A_23 = arith.constant 0 : index
    %swap3A_24 = arith.constant 0 : index
    %swap3A_25 = vector.load %arg7[%swap3A_22, %swap3A_23, %swap3A_24] : memref<2x2000x64xf32, #tpu.memory_space<vmem>>, vector<1x2000x64xf32>
    %swap3A_26 = vector.shape_cast %swap3A_25 : vector<1x2000x64xf32> to vector<2000x64xf32>
    %swap3A_27 = vector.shape_cast %slice3A : vector<2000x64xf32> to vector<1x2000x64xf32>
    tpu.vector_store %arg7[%swap3A_22, %swap3A_23, %swap3A_24], %swap3A_27 {strides = array<i32>} : memref<2x2000x64xf32, #tpu.memory_space<vmem>>, vector<1x2000x64xf32>,
    %slice3A_28 = vector.extract_strided_slice %add3A_21 {offsets = [0, 64], sizes = [2000, 64], strides = [1, 1]} : vector<2000x128xf32> to vector<2000x64xf32>
    %swap3A_29 = arith.constant 1 : index
    %swap3A_30 = arith.constant 0 : index
    %swap3A_31 = arith.constant 0 : index
    %swap3A_32 = vector.load %arg7[%swap3A_29, %swap3A_30, %swap3A_31] : memref<2x2000x64xf32, #tpu.memory_space<vmem>>, vector<1x2000x64xf32>
    %swap3A_33 = vector.shape_cast %swap3A_32 : vector<1x2000x64xf32> to vector<2000x64xf32>
    %swap3A_34 = vector.shape_cast %slice3A_28 : vector<2000x64xf32> to vector<1x2000x64xf32>
    tpu.vector_store %arg7[%swap3A_29, %swap3A_30, %swap3A_31], %swap3A_34 {strides = array<i32>} : memref<2x2000x64xf32, #tpu.memory_space<vmem>>, vector<1x2000x64xf32>,
    return
  }
  func.func @transform_0(%arg0: i32) -> (i32, i32) {
    %c0_i32 = arith.constant 0 : i32
    %c0_i32_0 = arith.constant 0 : i32
    return %arg0, %c0_i32 : i32, i32
  }
  func.func @transform_1(%arg0: i32) -> (i32, i32) {
    %c0_i32 = arith.constant 0 : i32
    %c0_i32_0 = arith.constant 0 : i32
    %c0_i32_1 = arith.constant 0 : i32
    return %c0_i32, %c0_i32_0 : i32, i32
  }
  func.func @transform_2(%arg0: i32) -> (i32, i32) {
    %c0_i32 = arith.constant 0 : i32
    %c0_i32_0 = arith.constant 0 : i32
    %c0_i32_1 = arith.constant 0 : i32
    return %c0_i32, %c0_i32_0 : i32, i32
  }
  func.func @transform_3(%arg0: i32) -> (i32, i32) {
    %c0_i32 = arith.constant 0 : i32
    %c0_i32_0 = arith.constant 0 : i32
    %c0_i32_1 = arith.constant 0 : i32
    return %c0_i32, %c0_i32_0 : i32, i32
  }
  func.func @transform_4(%arg0: i32) -> (i32, i32) {
    %c0_i32 = arith.constant 0 : i32
    %c0_i32_0 = arith.constant 0 : i32
    %c0_i32_1 = arith.constant 0 : i32
    return %c0_i32, %c0_i32_0 : i32, i32
  }
  func.func @transform_5(%arg0: i32) -> (i32, i32) {
    %c0_i32 = arith.constant 0 : i32
    %c0_i32_0 = arith.constant 0 : i32
    return %arg0, %c0_i32 : i32, i32
  }
  func.func @transform_6(%arg0: i32) -> (i32, i32, i32) {
    %c0_i32 = arith.constant 0 : i32
    %c0_i32_0 = arith.constant 0 : i32
    %c0_i32_1 = arith.constant 0 : i32
    return %c0_i32, %arg0, %c0_i32_0 : i32, i32, i32
  }
}

module attributes {stable_mosaic.version = 14 : i64} {
  func.func @_mm_bias_body(%arg0: i32, %arg1: memref<2000x128xf32, #tpu.memory_space<vmem>>, %arg2: memref<128x128xf32, #tpu.memory_space<vmem>>, %arg3: memref<1x128xf32, #tpu.memory_space<vmem>>, %arg4: memref<2000x128xf32, #tpu.memory_space<vmem>>) attributes {dimension_semantics = [#tpu.dimension_semantics<arbitrary>], iteration_bounds = array<i64: 5>, scalar_prefetch = 0 : i64, scratch_operands = 0 : i64, tpu.core_type = #tpu.core_type<tc>, window_params = [{transform_indices = @transform_0, window_bounds = array<i64: 2000, 128>}, {pipeline_mode = #tpu.pipeline_mode<synchronous>, transform_indices = @transform_1, window_bounds = array<i64: 128, 128>}, {pipeline_mode = #tpu.pipeline_mode<synchronous>, transform_indices = @transform_2, window_bounds = array<i64: 1, 128>}, {transform_indices = @transform_3, window_bounds = array<i64: 2000, 128>}]} {
    %get3A = arith.constant 0 : index
    %get3A_0 = arith.constant 0 : index
    %get3A_1 = vector.load %arg1[%get3A, %get3A_0] : memref<2000x128xf32, #tpu.memory_space<vmem>>, vector<2000x128xf32>
    %get3A_2 = arith.constant 0 : index
    %get3A_3 = arith.constant 0 : index
    %get3A_4 = vector.load %arg2[%get3A_2, %get3A_3] : memref<128x128xf32, #tpu.memory_space<vmem>>, vector<128x128xf32>
    %dot_general3A = arith.constant dense<0.000000e+00> : vector<2000x128xf32>
    %dot_general3A_5 = tpu.matmul %get3A_1, %get3A_4, %dot_general3A {dimension_numbers = #tpu.dot_dimension_numbers<[1], [0], [0], [1], [0, 0, 1, 1], [], []>, precision = #tpu.contract_precision<fp32>, transpose_lhs_hint = false} : vector<2000x128xf32>, vector<128x128xf32>, vector<2000x128xf32> -> vector<2000x128xf32>
    %get3A_6 = arith.constant 0 : index
    %get3A_7 = arith.constant 0 : index
    %get3A_8 = vector.load %arg3[%get3A_6, %get3A_7] : memref<1x128xf32, #tpu.memory_space<vmem>>, vector<1x128xf32>
    %add3A = vector.broadcast %get3A_8 : vector<1x128xf32> to vector<2000x128xf32>
    %add3A_9 = arith.addf %dot_general3A_5, %add3A : vector<2000x128xf32>
    %swap3A = arith.constant 0 : index
    %swap3A_10 = arith.constant 0 : index
    %swap3A_11 = vector.load %arg4[%swap3A, %swap3A_10] : memref<2000x128xf32, #tpu.memory_space<vmem>>, vector<2000x128xf32>
    tpu.vector_store %arg4[%swap3A, %swap3A_10], %add3A_9 {strides = array<i32>} : memref<2000x128xf32, #tpu.memory_space<vmem>>, vector<2000x128xf32>,
    return
  }
  func.func @transform_0(%arg0: i32) -> (i32, i32) {
    %c0_i32 = arith.constant 0 : i32
    %c0_i32_0 = arith.constant 0 : i32
    return %arg0, %c0_i32 : i32, i32
  }
  func.func @transform_1(%arg0: i32) -> (i32, i32) {
    %c0_i32 = arith.constant 0 : i32
    %c0_i32_0 = arith.constant 0 : i32
    %c0_i32_1 = arith.constant 0 : i32
    return %c0_i32, %c0_i32_0 : i32, i32
  }
  func.func @transform_2(%arg0: i32) -> (i32, i32) {
    %c0_i32 = arith.constant 0 : i32
    %c0_i32_0 = arith.constant 0 : i32
    %c0_i32_1 = arith.constant 0 : i32
    return %c0_i32, %c0_i32_0 : i32, i32
  }
  func.func @transform_3(%arg0: i32) -> (i32, i32) {
    %c0_i32 = arith.constant 0 : i32
    %c0_i32_0 = arith.constant 0 : i32
    return %arg0, %c0_i32 : i32, i32
  }
}

module attributes {stable_mosaic.version = 14 : i64} {
  func.func @_nodemats_body(%arg0: i32, %arg1: i32, %arg2: memref<10000x128xf32, #tpu.memory_space<vmem>>, %arg3: memref<1x1x128x64xf32, #tpu.memory_space<vmem>>, %arg4: memref<1x1x1x64xf32, #tpu.memory_space<vmem>>, %arg5: memref<1x1x10000x64xf32, #tpu.memory_space<vmem>>) attributes {dimension_semantics = [#tpu.dimension_semantics<arbitrary>, #tpu.dimension_semantics<arbitrary>], iteration_bounds = array<i64: 3, 2>, scalar_prefetch = 0 : i64, scratch_operands = 0 : i64, tpu.core_type = #tpu.core_type<tc>, window_params = [{pipeline_mode = #tpu.pipeline_mode<synchronous>, transform_indices = @transform_0, window_bounds = array<i64: 10000, 128>}, {transform_indices = @transform_1, window_bounds = array<i64: 1, 1, 128, 64>}, {transform_indices = @transform_2, window_bounds = array<i64: 1, 1, 1, 64>}, {transform_indices = @transform_3, window_bounds = array<i64: 1, 1, 10000, 64>}]} {
    %get3A = arith.constant 0 : index
    %get3A_0 = arith.constant 0 : index
    %get3A_1 = vector.load %arg2[%get3A, %get3A_0] : memref<10000x128xf32, #tpu.memory_space<vmem>>, vector<10000x128xf32>
    %get3A_2 = arith.constant 0 : index
    %get3A_3 = arith.constant 0 : index
    %get3A_4 = arith.constant 0 : index
    %get3A_5 = arith.constant 0 : index
    %get3A_6 = vector.load %arg3[%get3A_2, %get3A_3, %get3A_4, %get3A_5] : memref<1x1x128x64xf32, #tpu.memory_space<vmem>>, vector<1x1x128x64xf32>
    %get3A_7 = vector.shape_cast %get3A_6 : vector<1x1x128x64xf32> to vector<128x64xf32>
    %dot_general3A = arith.constant dense<0.000000e+00> : vector<10000x64xf32>
    %dot_general3A_8 = tpu.matmul %get3A_1, %get3A_7, %dot_general3A {dimension_numbers = #tpu.dot_dimension_numbers<[1], [0], [0], [1], [0, 0, 1, 1], [], []>, precision = #tpu.contract_precision<fp32>, transpose_lhs_hint = false} : vector<10000x128xf32>, vector<128x64xf32>, vector<10000x64xf32> -> vector<10000x64xf32>
    %get3A_9 = arith.constant 0 : index
    %get3A_10 = arith.constant 0 : index
    %get3A_11 = arith.constant 0 : index
    %get3A_12 = arith.constant 0 : index
    %get3A_13 = vector.load %arg4[%get3A_9, %get3A_10, %get3A_11, %get3A_12] : memref<1x1x1x64xf32, #tpu.memory_space<vmem>>, vector<1x1x1x64xf32>
    %get3A_14 = vector.shape_cast %get3A_13 : vector<1x1x1x64xf32> to vector<1x64xf32>
    %add3A = vector.broadcast %get3A_14 : vector<1x64xf32> to vector<10000x64xf32>
    %add3A_15 = arith.addf %dot_general3A_8, %add3A : vector<10000x64xf32>
    %swap3A = arith.constant 0 : index
    %swap3A_16 = arith.constant 0 : index
    %swap3A_17 = arith.constant 0 : index
    %swap3A_18 = arith.constant 0 : index
    %swap3A_19 = vector.load %arg5[%swap3A, %swap3A_16, %swap3A_17, %swap3A_18] : memref<1x1x10000x64xf32, #tpu.memory_space<vmem>>, vector<1x1x10000x64xf32>
    %swap3A_20 = vector.shape_cast %swap3A_19 : vector<1x1x10000x64xf32> to vector<10000x64xf32>
    %swap3A_21 = vector.shape_cast %add3A_15 : vector<10000x64xf32> to vector<1x1x10000x64xf32>
    tpu.vector_store %arg5[%swap3A, %swap3A_16, %swap3A_17, %swap3A_18], %swap3A_21 {strides = array<i32>} : memref<1x1x10000x64xf32, #tpu.memory_space<vmem>>, vector<1x1x10000x64xf32>,
    return
  }
  func.func @transform_0(%arg0: i32, %arg1: i32) -> (i32, i32) {
    %c0_i32 = arith.constant 0 : i32
    %c0_i32_0 = arith.constant 0 : i32
    %c0_i32_1 = arith.constant 0 : i32
    return %c0_i32, %c0_i32_0 : i32, i32
  }
  func.func @transform_1(%arg0: i32, %arg1: i32) -> (i32, i32, i32, i32) {
    %c0_i32 = arith.constant 0 : i32
    %c0_i32_0 = arith.constant 0 : i32
    %c0_i32_1 = arith.constant 0 : i32
    return %arg0, %arg1, %c0_i32, %c0_i32_0 : i32, i32, i32, i32
  }
  func.func @transform_2(%arg0: i32, %arg1: i32) -> (i32, i32, i32, i32) {
    %c0_i32 = arith.constant 0 : i32
    %c0_i32_0 = arith.constant 0 : i32
    %c0_i32_1 = arith.constant 0 : i32
    return %arg0, %arg1, %c0_i32, %c0_i32_0 : i32, i32, i32, i32
  }
  func.func @transform_3(%arg0: i32, %arg1: i32) -> (i32, i32, i32, i32) {
    %c0_i32 = arith.constant 0 : i32
    %c0_i32_0 = arith.constant 0 : i32
    %c0_i32_1 = arith.constant 0 : i32
    return %arg0, %arg1, %c0_i32, %c0_i32_0 : i32, i32, i32, i32
  }
}

module attributes {stable_mosaic.version = 14 : i64} {
  func.func @_edge_body_enew(%arg0: i32, %arg1: memref<2000x128xf32, #tpu.memory_space<vmem>>, %arg2: memref<2x2000x64xf32, #tpu.memory_space<vmem>>, %arg3: memref<128x128xf32, #tpu.memory_space<vmem>>, %arg4: memref<1x128xf32, #tpu.memory_space<vmem>>, %arg5: memref<2x2000x64xf32, #tpu.memory_space<vmem>>, %arg6: memref<2000x128xf32, #tpu.memory_space<vmem>>) attributes {dimension_semantics = [#tpu.dimension_semantics<arbitrary>], iteration_bounds = array<i64: 160>, scalar_prefetch = 0 : i64, scratch_operands = 0 : i64, tpu.core_type = #tpu.core_type<tc>, window_params = [{transform_indices = @transform_0, window_bounds = array<i64: 2000, 128>}, {transform_indices = @transform_1, window_bounds = array<i64: 2, 2000, 64>}, {pipeline_mode = #tpu.pipeline_mode<synchronous>, transform_indices = @transform_2, window_bounds = array<i64: 128, 128>}, {pipeline_mode = #tpu.pipeline_mode<synchronous>, transform_indices = @transform_3, window_bounds = array<i64: 1, 128>}, {transform_indices = @transform_4, window_bounds = array<i64: 2, 2000, 64>}, {transform_indices = @transform_5, window_bounds = array<i64: 2000, 128>}]} {
    %get3A = arith.constant 0 : index
    %get3A_0 = arith.constant 0 : index
    %get3A_1 = vector.load %arg1[%get3A, %get3A_0] : memref<2000x128xf32, #tpu.memory_space<vmem>>, vector<2000x128xf32>
    %get3A_2 = arith.constant 0 : index
    %get3A_3 = arith.constant 0 : index
    %get3A_4 = arith.constant 0 : index
    %get3A_5 = vector.load %arg2[%get3A_2, %get3A_3, %get3A_4] : memref<2x2000x64xf32, #tpu.memory_space<vmem>>, vector<1x2000x64xf32>
    %get3A_6 = vector.shape_cast %get3A_5 : vector<1x2000x64xf32> to vector<2000x64xf32>
    %get3A_7 = arith.constant 1 : index
    %get3A_8 = arith.constant 0 : index
    %get3A_9 = arith.constant 0 : index
    %get3A_10 = vector.load %arg2[%get3A_7, %get3A_8, %get3A_9] : memref<2x2000x64xf32, #tpu.memory_space<vmem>>, vector<1x2000x64xf32>
    %get3A_11 = vector.shape_cast %get3A_10 : vector<1x2000x64xf32> to vector<2000x64xf32>
    %concatenate3A = tpu.concatenate %get3A_6, %get3A_11 in 1 : vector<2000x64xf32>, vector<2000x64xf32> -> vector<2000x128xf32>
    %add3A = arith.addf %get3A_1, %concatenate3A : vector<2000x128xf32>
    %swap3A = arith.constant 0 : index
    %swap3A_12 = arith.constant 0 : index
    %swap3A_13 = vector.load %arg6[%swap3A, %swap3A_12] : memref<2000x128xf32, #tpu.memory_space<vmem>>, vector<2000x128xf32>
    tpu.vector_store %arg6[%swap3A, %swap3A_12], %add3A {strides = array<i32>} : memref<2000x128xf32, #tpu.memory_space<vmem>>, vector<2000x128xf32>,
    %get3A_14 = arith.constant 0 : index
    %get3A_15 = arith.constant 0 : index
    %get3A_16 = vector.load %arg3[%get3A_14, %get3A_15] : memref<128x128xf32, #tpu.memory_space<vmem>>, vector<128x128xf32>
    %dot_general3A = arith.constant dense<0.000000e+00> : vector<2000x128xf32>
    %dot_general3A_17 = tpu.matmul %add3A, %get3A_16, %dot_general3A {dimension_numbers = #tpu.dot_dimension_numbers<[1], [0], [0], [1], [0, 0, 1, 1], [], []>, precision = #tpu.contract_precision<fp32>, transpose_lhs_hint = false} : vector<2000x128xf32>, vector<128x128xf32>, vector<2000x128xf32> -> vector<2000x128xf32>
    %get3A_18 = arith.constant 0 : index
    %get3A_19 = arith.constant 0 : index
    %get3A_20 = vector.load %arg4[%get3A_18, %get3A_19] : memref<1x128xf32, #tpu.memory_space<vmem>>, vector<1x128xf32>
    %add3A_21 = vector.broadcast %get3A_20 : vector<1x128xf32> to vector<2000x128xf32>
    %add3A_22 = arith.addf %dot_general3A_17, %add3A_21 : vector<2000x128xf32>
    %slice3A = vector.extract_strided_slice %add3A_22 {offsets = [0, 0], sizes = [2000, 64], strides = [1, 1]} : vector<2000x128xf32> to vector<2000x64xf32>
    %swap3A_23 = arith.constant 0 : index
    %swap3A_24 = arith.constant 0 : index
    %swap3A_25 = arith.constant 0 : index
    %swap3A_26 = vector.load %arg5[%swap3A_23, %swap3A_24, %swap3A_25] : memref<2x2000x64xf32, #tpu.memory_space<vmem>>, vector<1x2000x64xf32>
    %swap3A_27 = vector.shape_cast %swap3A_26 : vector<1x2000x64xf32> to vector<2000x64xf32>
    %swap3A_28 = vector.shape_cast %slice3A : vector<2000x64xf32> to vector<1x2000x64xf32>
    tpu.vector_store %arg5[%swap3A_23, %swap3A_24, %swap3A_25], %swap3A_28 {strides = array<i32>} : memref<2x2000x64xf32, #tpu.memory_space<vmem>>, vector<1x2000x64xf32>,
    %slice3A_29 = vector.extract_strided_slice %add3A_22 {offsets = [0, 64], sizes = [2000, 64], strides = [1, 1]} : vector<2000x128xf32> to vector<2000x64xf32>
    %swap3A_30 = arith.constant 1 : index
    %swap3A_31 = arith.constant 0 : index
    %swap3A_32 = arith.constant 0 : index
    %swap3A_33 = vector.load %arg5[%swap3A_30, %swap3A_31, %swap3A_32] : memref<2x2000x64xf32, #tpu.memory_space<vmem>>, vector<1x2000x64xf32>
    %swap3A_34 = vector.shape_cast %swap3A_33 : vector<1x2000x64xf32> to vector<2000x64xf32>
    %swap3A_35 = vector.shape_cast %slice3A_29 : vector<2000x64xf32> to vector<1x2000x64xf32>
    tpu.vector_store %arg5[%swap3A_30, %swap3A_31, %swap3A_32], %swap3A_35 {strides = array<i32>} : memref<2x2000x64xf32, #tpu.memory_space<vmem>>, vector<1x2000x64xf32>,
    return
  }
  func.func @transform_0(%arg0: i32) -> (i32, i32) {
    %c0_i32 = arith.constant 0 : i32
    %c0_i32_0 = arith.constant 0 : i32
    return %arg0, %c0_i32 : i32, i32
  }
  func.func @transform_1(%arg0: i32) -> (i32, i32, i32) {
    %c0_i32 = arith.constant 0 : i32
    %c0_i32_0 = arith.constant 0 : i32
    %c0_i32_1 = arith.constant 0 : i32
    return %c0_i32, %arg0, %c0_i32_0 : i32, i32, i32
  }
  func.func @transform_2(%arg0: i32) -> (i32, i32) {
    %c0_i32 = arith.constant 0 : i32
    %c0_i32_0 = arith.constant 0 : i32
    %c0_i32_1 = arith.constant 0 : i32
    return %c0_i32, %c0_i32_0 : i32, i32
  }
  func.func @transform_3(%arg0: i32) -> (i32, i32) {
    %c0_i32 = arith.constant 0 : i32
    %c0_i32_0 = arith.constant 0 : i32
    %c0_i32_1 = arith.constant 0 : i32
    return %c0_i32, %c0_i32_0 : i32, i32
  }
  func.func @transform_4(%arg0: i32) -> (i32, i32, i32) {
    %c0_i32 = arith.constant 0 : i32
    %c0_i32_0 = arith.constant 0 : i32
    %c0_i32_1 = arith.constant 0 : i32
    return %c0_i32, %arg0, %c0_i32_0 : i32, i32, i32
  }
  func.func @transform_5(%arg0: i32) -> (i32, i32) {
    %c0_i32 = arith.constant 0 : i32
    %c0_i32_0 = arith.constant 0 : i32
    return %arg0, %c0_i32 : i32, i32
  }
}

module attributes {stable_mosaic.version = 14 : i64} {
  func.func @_nodeupd_body(%arg0: i32, %arg1: memref<2000x128xf32, #tpu.memory_space<vmem>>, %arg2: memref<128x128xf32, #tpu.memory_space<vmem>>, %arg3: memref<1x128xf32, #tpu.memory_space<vmem>>, %arg4: memref<2x2000x64xf32, #tpu.memory_space<vmem>>, %arg5: memref<2x2000x64xf32, #tpu.memory_space<vmem>>, %arg6: memref<2000x1xf32, #tpu.memory_space<vmem>>, %arg7: memref<2000x128xf32, #tpu.memory_space<vmem>>) attributes {dimension_semantics = [#tpu.dimension_semantics<arbitrary>], iteration_bounds = array<i64: 5>, scalar_prefetch = 0 : i64, scratch_operands = 0 : i64, tpu.core_type = #tpu.core_type<tc>, window_params = [{transform_indices = @transform_0, window_bounds = array<i64: 2000, 128>}, {pipeline_mode = #tpu.pipeline_mode<synchronous>, transform_indices = @transform_1, window_bounds = array<i64: 128, 128>}, {pipeline_mode = #tpu.pipeline_mode<synchronous>, transform_indices = @transform_2, window_bounds = array<i64: 1, 128>}, {transform_indices = @transform_3, window_bounds = array<i64: 2, 2000, 64>}, {transform_indices = @transform_4, window_bounds = array<i64: 2, 2000, 64>}, {transform_indices = @transform_5, window_bounds = array<i64: 2000, 1>}, {transform_indices = @transform_6, window_bounds = array<i64: 2000, 128>}]} {
    %get3A = arith.constant 0 : index
    %get3A_0 = arith.constant 0 : index
    %get3A_1 = vector.load %arg1[%get3A, %get3A_0] : memref<2000x128xf32, #tpu.memory_space<vmem>>, vector<2000x128xf32>
    %get3A_2 = arith.constant 0 : index
    %get3A_3 = arith.constant 0 : index
    %get3A_4 = vector.load %arg2[%get3A_2, %get3A_3] : memref<128x128xf32, #tpu.memory_space<vmem>>, vector<128x128xf32>
    %dot_general3A = arith.constant dense<0.000000e+00> : vector<2000x128xf32>
    %dot_general3A_5 = tpu.matmul %get3A_1, %get3A_4, %dot_general3A {dimension_numbers = #tpu.dot_dimension_numbers<[1], [0], [0], [1], [0, 0, 1, 1], [], []>, precision = #tpu.contract_precision<fp32>, transpose_lhs_hint = false} : vector<2000x128xf32>, vector<128x128xf32>, vector<2000x128xf32> -> vector<2000x128xf32>
    %get3A_6 = arith.constant 0 : index
    %get3A_7 = arith.constant 0 : index
    %get3A_8 = vector.load %arg3[%get3A_6, %get3A_7] : memref<1x128xf32, #tpu.memory_space<vmem>>, vector<1x128xf32>
    %add3A = vector.broadcast %get3A_8 : vector<1x128xf32> to vector<2000x128xf32>
    %add3A_9 = arith.addf %dot_general3A_5, %add3A : vector<2000x128xf32>
    %get3A_10 = arith.constant 0 : index
    %get3A_11 = arith.constant 0 : index
    %get3A_12 = arith.constant 0 : index
    %get3A_13 = vector.load %arg4[%get3A_10, %get3A_11, %get3A_12] : memref<2x2000x64xf32, #tpu.memory_space<vmem>>, vector<1x2000x64xf32>
    %get3A_14 = vector.shape_cast %get3A_13 : vector<1x2000x64xf32> to vector<2000x64xf32>
    %get3A_15 = arith.constant 1 : index
    %get3A_16 = arith.constant 0 : index
    %get3A_17 = arith.constant 0 : index
    %get3A_18 = vector.load %arg4[%get3A_15, %get3A_16, %get3A_17] : memref<2x2000x64xf32, #tpu.memory_space<vmem>>, vector<1x2000x64xf32>
    %get3A_19 = vector.shape_cast %get3A_18 : vector<1x2000x64xf32> to vector<2000x64xf32>
    %concatenate3A = tpu.concatenate %get3A_14, %get3A_19 in 1 : vector<2000x64xf32>, vector<2000x64xf32> -> vector<2000x128xf32>
    %get3A_20 = arith.constant 0 : index
    %get3A_21 = arith.constant 0 : index
    %get3A_22 = arith.constant 0 : index
    %get3A_23 = vector.load %arg5[%get3A_20, %get3A_21, %get3A_22] : memref<2x2000x64xf32, #tpu.memory_space<vmem>>, vector<1x2000x64xf32>
    %get3A_24 = vector.shape_cast %get3A_23 : vector<1x2000x64xf32> to vector<2000x64xf32>
    %get3A_25 = arith.constant 1 : index
    %get3A_26 = arith.constant 0 : index
    %get3A_27 = arith.constant 0 : index
    %get3A_28 = vector.load %arg5[%get3A_25, %get3A_26, %get3A_27] : memref<2x2000x64xf32, #tpu.memory_space<vmem>>, vector<1x2000x64xf32>
    %get3A_29 = vector.shape_cast %get3A_28 : vector<1x2000x64xf32> to vector<2000x64xf32>
    %concatenate3A_30 = tpu.concatenate %get3A_24, %get3A_29 in 1 : vector<2000x64xf32>, vector<2000x64xf32> -> vector<2000x128xf32>
    %add3A_31 = arith.constant 9.99999997E-7 : f32
    %add3A_32 = vector.broadcast %add3A_31 : f32 to vector<2000x128xf32>
    %add3A_33 = arith.addf %concatenate3A_30, %add3A_32 : vector<2000x128xf32>
    %div3A = arith.divf %concatenate3A, %add3A_33 : vector<2000x128xf32>
    %add3A_34 = arith.addf %add3A_9, %div3A : vector<2000x128xf32>
    %max3A = arith.constant 0.000000e+00 : f32
    %max3A_35 = vector.broadcast %max3A : f32 to vector<2000x128xf32>
    %max3A_36 = arith.maximumf %add3A_34, %max3A_35 : vector<2000x128xf32>
    %get3A_37 = arith.constant 0 : index
    %get3A_38 = arith.constant 0 : index
    %get3A_39 = vector.load %arg1[%get3A_37, %get3A_38] : memref<2000x128xf32, #tpu.memory_space<vmem>>, vector<2000x128xf32>
    %get3A_40 = arith.constant 0 : index
    %get3A_41 = arith.constant 0 : index
    %get3A_42 = vector.load %arg6[%get3A_40, %get3A_41] : memref<2000x1xf32, #tpu.memory_space<vmem>>, vector<2000x1xf32>
    %mul3A = vector.broadcast %get3A_42 : vector<2000x1xf32> to vector<2000x128xf32>
    %mul3A_43 = arith.mulf %mul3A, %max3A_36 : vector<2000x128xf32>
    %add3A_44 = arith.addf %get3A_39, %mul3A_43 : vector<2000x128xf32>
    %swap3A = arith.constant 0 : index
    %swap3A_45 = arith.constant 0 : index
    %swap3A_46 = vector.load %arg7[%swap3A, %swap3A_45] : memref<2000x128xf32, #tpu.memory_space<vmem>>, vector<2000x128xf32>
    tpu.vector_store %arg7[%swap3A, %swap3A_45], %add3A_44 {strides = array<i32>} : memref<2000x128xf32, #tpu.memory_space<vmem>>, vector<2000x128xf32>,
    return
  }
  func.func @transform_0(%arg0: i32) -> (i32, i32) {
    %c0_i32 = arith.constant 0 : i32
    %c0_i32_0 = arith.constant 0 : i32
    return %arg0, %c0_i32 : i32, i32
  }
  func.func @transform_1(%arg0: i32) -> (i32, i32) {
    %c0_i32 = arith.constant 0 : i32
    %c0_i32_0 = arith.constant 0 : i32
    %c0_i32_1 = arith.constant 0 : i32
    return %c0_i32, %c0_i32_0 : i32, i32
  }
  func.func @transform_2(%arg0: i32) -> (i32, i32) {
    %c0_i32 = arith.constant 0 : i32
    %c0_i32_0 = arith.constant 0 : i32
    %c0_i32_1 = arith.constant 0 : i32
    return %c0_i32, %c0_i32_0 : i32, i32
  }
  func.func @transform_3(%arg0: i32) -> (i32, i32, i32) {
    %c0_i32 = arith.constant 0 : i32
    %c0_i32_0 = arith.constant 0 : i32
    %c0_i32_1 = arith.constant 0 : i32
    return %c0_i32, %arg0, %c0_i32_0 : i32, i32, i32
  }
  func.func @transform_4(%arg0: i32) -> (i32, i32, i32) {
    %c0_i32 = arith.constant 0 : i32
    %c0_i32_0 = arith.constant 0 : i32
    %c0_i32_1 = arith.constant 0 : i32
    return %c0_i32, %arg0, %c0_i32_0 : i32, i32, i32
  }
  func.func @transform_5(%arg0: i32) -> (i32, i32) {
    %c0_i32 = arith.constant 0 : i32
    %c0_i32_0 = arith.constant 0 : i32
    return %arg0, %c0_i32 : i32, i32
  }
  func.func @transform_6(%arg0: i32) -> (i32, i32) {
    %c0_i32 = arith.constant 0 : i32
    %c0_i32_0 = arith.constant 0 : i32
    return %arg0, %c0_i32 : i32, i32
  }
}

module attributes {stable_mosaic.version = 14 : i64} {
  func.func @_edge_body(%arg0: i32, %arg1: memref<2000x128xf32, #tpu.memory_space<vmem>>, %arg2: memref<2x2000x64xf32, #tpu.memory_space<vmem>>, %arg3: memref<128x128xf32, #tpu.memory_space<vmem>>, %arg4: memref<1x128xf32, #tpu.memory_space<vmem>>, %arg5: memref<2x2000x64xf32, #tpu.memory_space<vmem>>) attributes {dimension_semantics = [#tpu.dimension_semantics<arbitrary>], iteration_bounds = array<i64: 160>, scalar_prefetch = 0 : i64, scratch_operands = 0 : i64, tpu.core_type = #tpu.core_type<tc>, window_params = [{transform_indices = @transform_0, window_bounds = array<i64: 2000, 128>}, {transform_indices = @transform_1, window_bounds = array<i64: 2, 2000, 64>}, {pipeline_mode = #tpu.pipeline_mode<synchronous>, transform_indices = @transform_2, window_bounds = array<i64: 128, 128>}, {pipeline_mode = #tpu.pipeline_mode<synchronous>, transform_indices = @transform_3, window_bounds = array<i64: 1, 128>}, {transform_indices = @transform_4, window_bounds = array<i64: 2, 2000, 64>}]} {
    %get3A = arith.constant 0 : index
    %get3A_0 = arith.constant 0 : index
    %get3A_1 = vector.load %arg1[%get3A, %get3A_0] : memref<2000x128xf32, #tpu.memory_space<vmem>>, vector<2000x128xf32>
    %get3A_2 = arith.constant 0 : index
    %get3A_3 = arith.constant 0 : index
    %get3A_4 = arith.constant 0 : index
    %get3A_5 = vector.load %arg2[%get3A_2, %get3A_3, %get3A_4] : memref<2x2000x64xf32, #tpu.memory_space<vmem>>, vector<1x2000x64xf32>
    %get3A_6 = vector.shape_cast %get3A_5 : vector<1x2000x64xf32> to vector<2000x64xf32>
    %get3A_7 = arith.constant 1 : index
    %get3A_8 = arith.constant 0 : index
    %get3A_9 = arith.constant 0 : index
    %get3A_10 = vector.load %arg2[%get3A_7, %get3A_8, %get3A_9] : memref<2x2000x64xf32, #tpu.memory_space<vmem>>, vector<1x2000x64xf32>
    %get3A_11 = vector.shape_cast %get3A_10 : vector<1x2000x64xf32> to vector<2000x64xf32>
    %concatenate3A = tpu.concatenate %get3A_6, %get3A_11 in 1 : vector<2000x64xf32>, vector<2000x64xf32> -> vector<2000x128xf32>
    %add3A = arith.addf %get3A_1, %concatenate3A : vector<2000x128xf32>
    %get3A_12 = arith.constant 0 : index
    %get3A_13 = arith.constant 0 : index
    %get3A_14 = vector.load %arg3[%get3A_12, %get3A_13] : memref<128x128xf32, #tpu.memory_space<vmem>>, vector<128x128xf32>
    %dot_general3A = arith.constant dense<0.000000e+00> : vector<2000x128xf32>
    %dot_general3A_15 = tpu.matmul %add3A, %get3A_14, %dot_general3A {dimension_numbers = #tpu.dot_dimension_numbers<[1], [0], [0], [1], [0, 0, 1, 1], [], []>, precision = #tpu.contract_precision<fp32>, transpose_lhs_hint = false} : vector<2000x128xf32>, vector<128x128xf32>, vector<2000x128xf32> -> vector<2000x128xf32>
    %get3A_16 = arith.constant 0 : index
    %get3A_17 = arith.constant 0 : index
    %get3A_18 = vector.load %arg4[%get3A_16, %get3A_17] : memref<1x128xf32, #tpu.memory_space<vmem>>, vector<1x128xf32>
    %add3A_19 = vector.broadcast %get3A_18 : vector<1x128xf32> to vector<2000x128xf32>
    %add3A_20 = arith.addf %dot_general3A_15, %add3A_19 : vector<2000x128xf32>
    %slice3A = vector.extract_strided_slice %add3A_20 {offsets = [0, 0], sizes = [2000, 64], strides = [1, 1]} : vector<2000x128xf32> to vector<2000x64xf32>
    %swap3A = arith.constant 0 : index
    %swap3A_21 = arith.constant 0 : index
    %swap3A_22 = arith.constant 0 : index
    %swap3A_23 = vector.load %arg5[%swap3A, %swap3A_21, %swap3A_22] : memref<2x2000x64xf32, #tpu.memory_space<vmem>>, vector<1x2000x64xf32>
    %swap3A_24 = vector.shape_cast %swap3A_23 : vector<1x2000x64xf32> to vector<2000x64xf32>
    %swap3A_25 = vector.shape_cast %slice3A : vector<2000x64xf32> to vector<1x2000x64xf32>
    tpu.vector_store %arg5[%swap3A, %swap3A_21, %swap3A_22], %swap3A_25 {strides = array<i32>} : memref<2x2000x64xf32, #tpu.memory_space<vmem>>, vector<1x2000x64xf32>,
    %slice3A_26 = vector.extract_strided_slice %add3A_20 {offsets = [0, 64], sizes = [2000, 64], strides = [1, 1]} : vector<2000x128xf32> to vector<2000x64xf32>
    %swap3A_27 = arith.constant 1 : index
    %swap3A_28 = arith.constant 0 : index
    %swap3A_29 = arith.constant 0 : index
    %swap3A_30 = vector.load %arg5[%swap3A_27, %swap3A_28, %swap3A_29] : memref<2x2000x64xf32, #tpu.memory_space<vmem>>, vector<1x2000x64xf32>
    %swap3A_31 = vector.shape_cast %swap3A_30 : vector<1x2000x64xf32> to vector<2000x64xf32>
    %swap3A_32 = vector.shape_cast %slice3A_26 : vector<2000x64xf32> to vector<1x2000x64xf32>
    tpu.vector_store %arg5[%swap3A_27, %swap3A_28, %swap3A_29], %swap3A_32 {strides = array<i32>} : memref<2x2000x64xf32, #tpu.memory_space<vmem>>, vector<1x2000x64xf32>,
    return
  }
  func.func @transform_0(%arg0: i32) -> (i32, i32) {
    %c0_i32 = arith.constant 0 : i32
    %c0_i32_0 = arith.constant 0 : i32
    return %arg0, %c0_i32 : i32, i32
  }
  func.func @transform_1(%arg0: i32) -> (i32, i32, i32) {
    %c0_i32 = arith.constant 0 : i32
    %c0_i32_0 = arith.constant 0 : i32
    %c0_i32_1 = arith.constant 0 : i32
    return %c0_i32, %arg0, %c0_i32_0 : i32, i32, i32
  }
  func.func @transform_2(%arg0: i32) -> (i32, i32) {
    %c0_i32 = arith.constant 0 : i32
    %c0_i32_0 = arith.constant 0 : i32
    %c0_i32_1 = arith.constant 0 : i32
    return %c0_i32, %c0_i32_0 : i32, i32
  }
  func.func @transform_3(%arg0: i32) -> (i32, i32) {
    %c0_i32 = arith.constant 0 : i32
    %c0_i32_0 = arith.constant 0 : i32
    %c0_i32_1 = arith.constant 0 : i32
    return %c0_i32, %c0_i32_0 : i32, i32
  }
  func.func @transform_4(%arg0: i32) -> (i32, i32, i32) {
    %c0_i32 = arith.constant 0 : i32
    %c0_i32_0 = arith.constant 0 : i32
    %c0_i32_1 = arith.constant 0 : i32
    return %c0_i32, %arg0, %c0_i32_0 : i32, i32, i32
  }
}

module attributes {stable_mosaic.version = 14 : i64} {
  func.func @_nodeupd_body(%arg0: i32, %arg1: memref<2000x128xf32, #tpu.memory_space<vmem>>, %arg2: memref<128x128xf32, #tpu.memory_space<vmem>>, %arg3: memref<1x128xf32, #tpu.memory_space<vmem>>, %arg4: memref<2x2000x64xf32, #tpu.memory_space<vmem>>, %arg5: memref<2x2000x64xf32, #tpu.memory_space<vmem>>, %arg6: memref<2000x1xf32, #tpu.memory_space<vmem>>, %arg7: memref<2000x128xf32, #tpu.memory_space<vmem>>) attributes {dimension_semantics = [#tpu.dimension_semantics<arbitrary>], iteration_bounds = array<i64: 5>, scalar_prefetch = 0 : i64, scratch_operands = 0 : i64, tpu.core_type = #tpu.core_type<tc>, window_params = [{transform_indices = @transform_0, window_bounds = array<i64: 2000, 128>}, {pipeline_mode = #tpu.pipeline_mode<synchronous>, transform_indices = @transform_1, window_bounds = array<i64: 128, 128>}, {pipeline_mode = #tpu.pipeline_mode<synchronous>, transform_indices = @transform_2, window_bounds = array<i64: 1, 128>}, {transform_indices = @transform_3, window_bounds = array<i64: 2, 2000, 64>}, {transform_indices = @transform_4, window_bounds = array<i64: 2, 2000, 64>}, {transform_indices = @transform_5, window_bounds = array<i64: 2000, 1>}, {transform_indices = @transform_6, window_bounds = array<i64: 2000, 128>}]} {
    %get3A = arith.constant 0 : index
    %get3A_0 = arith.constant 0 : index
    %get3A_1 = vector.load %arg1[%get3A, %get3A_0] : memref<2000x128xf32, #tpu.memory_space<vmem>>, vector<2000x128xf32>
    %get3A_2 = arith.constant 0 : index
    %get3A_3 = arith.constant 0 : index
    %get3A_4 = vector.load %arg2[%get3A_2, %get3A_3] : memref<128x128xf32, #tpu.memory_space<vmem>>, vector<128x128xf32>
    %dot_general3A = arith.constant dense<0.000000e+00> : vector<2000x128xf32>
    %dot_general3A_5 = tpu.matmul %get3A_1, %get3A_4, %dot_general3A {dimension_numbers = #tpu.dot_dimension_numbers<[1], [0], [0], [1], [0, 0, 1, 1], [], []>, precision = #tpu.contract_precision<fp32>, transpose_lhs_hint = false} : vector<2000x128xf32>, vector<128x128xf32>, vector<2000x128xf32> -> vector<2000x128xf32>
    %get3A_6 = arith.constant 0 : index
    %get3A_7 = arith.constant 0 : index
    %get3A_8 = vector.load %arg3[%get3A_6, %get3A_7] : memref<1x128xf32, #tpu.memory_space<vmem>>, vector<1x128xf32>
    %add3A = vector.broadcast %get3A_8 : vector<1x128xf32> to vector<2000x128xf32>
    %add3A_9 = arith.addf %dot_general3A_5, %add3A : vector<2000x128xf32>
    %get3A_10 = arith.constant 0 : index
    %get3A_11 = arith.constant 0 : index
    %get3A_12 = arith.constant 0 : index
    %get3A_13 = vector.load %arg4[%get3A_10, %get3A_11, %get3A_12] : memref<2x2000x64xf32, #tpu.memory_space<vmem>>, vector<1x2000x64xf32>
    %get3A_14 = vector.shape_cast %get3A_13 : vector<1x2000x64xf32> to vector<2000x64xf32>
    %get3A_15 = arith.constant 1 : index
    %get3A_16 = arith.constant 0 : index
    %get3A_17 = arith.constant 0 : index
    %get3A_18 = vector.load %arg4[%get3A_15, %get3A_16, %get3A_17] : memref<2x2000x64xf32, #tpu.memory_space<vmem>>, vector<1x2000x64xf32>
    %get3A_19 = vector.shape_cast %get3A_18 : vector<1x2000x64xf32> to vector<2000x64xf32>
    %concatenate3A = tpu.concatenate %get3A_14, %get3A_19 in 1 : vector<2000x64xf32>, vector<2000x64xf32> -> vector<2000x128xf32>
    %get3A_20 = arith.constant 0 : index
    %get3A_21 = arith.constant 0 : index
    %get3A_22 = arith.constant 0 : index
    %get3A_23 = vector.load %arg5[%get3A_20, %get3A_21, %get3A_22] : memref<2x2000x64xf32, #tpu.memory_space<vmem>>, vector<1x2000x64xf32>
    %get3A_24 = vector.shape_cast %get3A_23 : vector<1x2000x64xf32> to vector<2000x64xf32>
    %get3A_25 = arith.constant 1 : index
    %get3A_26 = arith.constant 0 : index
    %get3A_27 = arith.constant 0 : index
    %get3A_28 = vector.load %arg5[%get3A_25, %get3A_26, %get3A_27] : memref<2x2000x64xf32, #tpu.memory_space<vmem>>, vector<1x2000x64xf32>
    %get3A_29 = vector.shape_cast %get3A_28 : vector<1x2000x64xf32> to vector<2000x64xf32>
    %concatenate3A_30 = tpu.concatenate %get3A_24, %get3A_29 in 1 : vector<2000x64xf32>, vector<2000x64xf32> -> vector<2000x128xf32>
    %add3A_31 = arith.constant 9.99999997E-7 : f32
    %add3A_32 = vector.broadcast %add3A_31 : f32 to vector<2000x128xf32>
    %add3A_33 = arith.addf %concatenate3A_30, %add3A_32 : vector<2000x128xf32>
    %div3A = arith.divf %concatenate3A, %add3A_33 : vector<2000x128xf32>
    %add3A_34 = arith.addf %add3A_9, %div3A : vector<2000x128xf32>
    %max3A = arith.constant 0.000000e+00 : f32
    %max3A_35 = vector.broadcast %max3A : f32 to vector<2000x128xf32>
    %max3A_36 = arith.maximumf %add3A_34, %max3A_35 : vector<2000x128xf32>
    %get3A_37 = arith.constant 0 : index
    %get3A_38 = arith.constant 0 : index
    %get3A_39 = vector.load %arg1[%get3A_37, %get3A_38] : memref<2000x128xf32, #tpu.memory_space<vmem>>, vector<2000x128xf32>
    %get3A_40 = arith.constant 0 : index
    %get3A_41 = arith.constant 0 : index
    %get3A_42 = vector.load %arg6[%get3A_40, %get3A_41] : memref<2000x1xf32, #tpu.memory_space<vmem>>, vector<2000x1xf32>
    %mul3A = vector.broadcast %get3A_42 : vector<2000x1xf32> to vector<2000x128xf32>
    %mul3A_43 = arith.mulf %mul3A, %max3A_36 : vector<2000x128xf32>
    %add3A_44 = arith.addf %get3A_39, %mul3A_43 : vector<2000x128xf32>
    %swap3A = arith.constant 0 : index
    %swap3A_45 = arith.constant 0 : index
    %swap3A_46 = vector.load %arg7[%swap3A, %swap3A_45] : memref<2000x128xf32, #tpu.memory_space<vmem>>, vector<2000x128xf32>
    tpu.vector_store %arg7[%swap3A, %swap3A_45], %add3A_44 {strides = array<i32>} : memref<2000x128xf32, #tpu.memory_space<vmem>>, vector<2000x128xf32>,
    return
  }
  func.func @transform_0(%arg0: i32) -> (i32, i32) {
    %c0_i32 = arith.constant 0 : i32
    %c0_i32_0 = arith.constant 0 : i32
    return %arg0, %c0_i32 : i32, i32
  }
  func.func @transform_1(%arg0: i32) -> (i32, i32) {
    %c0_i32 = arith.constant 0 : i32
    %c0_i32_0 = arith.constant 0 : i32
    %c0_i32_1 = arith.constant 0 : i32
    return %c0_i32, %c0_i32_0 : i32, i32
  }
  func.func @transform_2(%arg0: i32) -> (i32, i32) {
    %c0_i32 = arith.constant 0 : i32
    %c0_i32_0 = arith.constant 0 : i32
    %c0_i32_1 = arith.constant 0 : i32
    return %c0_i32, %c0_i32_0 : i32, i32
  }
  func.func @transform_3(%arg0: i32) -> (i32, i32, i32) {
    %c0_i32 = arith.constant 0 : i32
    %c0_i32_0 = arith.constant 0 : i32
    %c0_i32_1 = arith.constant 0 : i32
    return %c0_i32, %arg0, %c0_i32_0 : i32, i32, i32
  }
  func.func @transform_4(%arg0: i32) -> (i32, i32, i32) {
    %c0_i32 = arith.constant 0 : i32
    %c0_i32_0 = arith.constant 0 : i32
    %c0_i32_1 = arith.constant 0 : i32
    return %c0_i32, %arg0, %c0_i32_0 : i32, i32, i32
  }
  func.func @transform_5(%arg0: i32) -> (i32, i32) {
    %c0_i32 = arith.constant 0 : i32
    %c0_i32_0 = arith.constant 0 : i32
    return %arg0, %c0_i32 : i32, i32
  }
  func.func @transform_6(%arg0: i32) -> (i32, i32) {
    %c0_i32 = arith.constant 0 : i32
    %c0_i32_0 = arith.constant 0 : i32
    return %arg0, %c0_i32 : i32, i32
  }
}

</mosaic_0001>

<sc_bundles>
// kernel: kernel.15.cloned.1.call-start
scs
__scs_entry_jumppad:
0x0: {  	(pc) =	sbr.rel $0x88, $3  }
0x1: {  	(tag) =	ssettag $0x0;
	lr =	simm.s32 $0x1  }
0x2: {  	[smem:$0x3F8F] =	sst lr;
	_ =	strace $0xD0000000  }
0x3: {  	_ = 	snop  }
0x4: {  	_ = 	snop  }
0x5: {  	_ = 	snop  }
0x6: {  	_ = 	snop  }
0x7: {  	_ = 	snop  }
__scs_overlays_trampoline_lowered:
0x8: {  	[smem:$0x3F9E] =	sst s0  }
0x9: {  	[smem:$0x3F9F] =	sst s1  }
0xa: {  	[smem:$0x3FA0] =	sst s2  }
0xb: {  	[smem:$0x3FA1] =	sst s3  }
0xc: {  	[smem:$0x3FA2] =	sst s4  }
0xd: {  	[smem:$0x3FA3] =	sst s5  }
0xe: {  	[smem:$0x3FA4] =	sst s6  }
0xf: {  	[smem:$0x3FA5] =	sst s7  }
0x10: {  	[smem:$0x3FA6] =	sst s8  }
0x11: {  	[smem:$0x3FA7] =	sst s9;
	s0 =	simm.s32 @!p0 $0x0  }
0x12: {  	s1 =	sld [smem:$0x3F8D];
	s0 =	simm.s32 @p0 $0x1  }
0x13: {  	[smem:$0x3FA8] =	sst s0;
	s0 =	simm.s32 @!p1 $0x0  }
0x14: {  	s2 =	sld [smem:$0x3F8C];
	s0 =	simm.s32 @p1 $0x1  }
0x15: {  	[smem:$0x3FA9] =	sst s0;
	s0 =	simm.s32 @!p2 $0x0  }
0x16: {  	s3 =	sld [smem:$0x3FDB];
	s0 =	simm.s32 @p2 $0x1  }
0x17: {  	s4 =	simm.s32 $0x1BF5;
	[smem:$0x3FAB] =	sst s0  }
0x18: {  	s0 =	sld [smem:$0x3F8E];
	_ =	swait.ge [sflag:s4], $0x0  }
0x19: {  	s7 =	sld [smem:$0x3F8F]  }
0x1a: {  	s8 =	sadd.s32 $0xFFFFE003, lr  }
0x1b: {  	s9 =	sadd.s32 $0xFFFFFEF7, lr;
	s5 =	simm.s32 $0xFFFFFFFF;
	p2 =	slt.u32 s8, $0xFFFFF086  }
0x1c: {  	p1 =	slt.u32 s9, $0xF7A;
	s5 =	simm.s32 @!p2 $0x0  }
0x1d: {  	s5 =	simm.s32 @p1 $0x1;
	p0 =	seq.s32 s7, s2  }
0x1e: {  	s7 =	smul.u32 @!p0 $0xF7A, s2;
	p2 =	seq.s32 @!p0 s5, $0x0  }
0x1f: {  	s9 =	smul.u32 $0xF7A, s1;
	s8 =	simm.s32 @!p0 $0x1BF5;
	p2 =	por !p2, p0  }
0x20: {  	[sflag:s8] =	ssyncset.s32 @!p0 $0xFFFFF086;
	s6 =	sadd.s32 @!p0 s3, s7;
	s7 =	simm.s32 @!p0 $0x108  }
0x21: {  	s3 =	sadd.s32 s3, s9;
	s6 =	sadd.s32 @!p0 $0x88, s6;
	s7 =	simm.s32 @p2 $0x1082  }
0x22: {  	[simem:s7], [sflag:s8] =	dma.local @!p0 [hbm:s6], $0xF7A  }
0x23: {  	s9 =	sor.u32 $0xD0000000, s2;
	s6 =	simm.s32 $0x108;
	_ =	swait.ge @!p0 [sflag:s8], $0x0  }
0x24: {  	s3 =	sadd.s32 $0x88, s3;
	s6 =	simm.s32 @!p1 $0x1082;
	[sflag:s4] =	ssyncset.s32 $0xFFFFF086  }
0x25: {  	[simem:s6], [sflag:s4] =	dma.local [hbm:s3], $0xF7A  }
0x26: {  	[smem:$0x3F8F] =	sst s1;
	(tag) =	ssettag s2;
	_ =	strace s9  }
0x27: {  	s1 =	sld [smem:$0x3F9F]  }
0x28: {  	s2 =	sld [smem:$0x3FA0]  }
0x29: {  	s4 =	sld [smem:$0x3FA2]  }
0x2a: {  	p0 =	seq.s32 s5, $0x0;
	s5 =	sld [smem:$0x3FA3]  }
0x2b: {  	s6 =	sld [smem:$0x3FA4]  }
0x2c: {  	s7 =	sld [smem:$0x3FA5]  }
0x2d: {  	s3 =	simm.s32 $0x108;
	s8 =	sld [smem:$0x3FA6]  }
0x2e: {  	s3 =	simm.s32 @!p0 $0x1082;
	s9 =	sld [smem:$0x3FA7]  }
0x2f: {  	lr =	sadd.s32 s0, s3;
	s0 =	sld [smem:$0x3F9E]  }
0x30: {  	s3 =	sld [smem:$0x3FA1]  }
0x31: {  	[smem:$0x3FAA] =	sst s10  }
0x32: {  	s10 =	sld [smem:$0x3FA8];
	_ =	sdelay $0x3  }
0x33: {  	p0 =	seq.s32 s10, $0x1;
	s10 =	sld [smem:$0x3FAA];
	_ =	sdelay $0x3  }
0x34: {  	[smem:$0x3FAA] =	sst s10  }
0x35: {  	s10 =	sld [smem:$0x3FA9];
	_ =	sdelay $0x3  }
0x36: {  	p1 =	seq.s32 s10, $0x1;
	s10 =	sld [smem:$0x3FAA];
	_ =	sdelay $0x3  }
0x37: {  	[smem:$0x3FAA] =	sst s10  }
0x38: {  	s10 =	sld [smem:$0x3FAB]  }
0x39: {  	_ = 	snop;
	(pc) =	sbr.ind lr, $3  }
0x3a: {  	_ = 	snop  }
0x3b: {  	_ = 	snop  }
0x3c: {  	p2 =	seq.s32 s10, $0x1;
	s10 =	sld [smem:$0x3FAA]  }
0x3d: {  	_ =	shalt  }
0x3e: {  	_ =	shalt  }
0x3f: {  	_ =	shalt  }
0x40: {  	_ =	shalt  }
0x41: {  	_ =	shalt  }
0x42: {  	_ =	shalt  }
0x43: {  	_ =	shalt  }
0x44: {  	_ =	shalt  }
0x45: {  	_ =	shalt  }
0x46: {  	_ =	shalt  }
0x47: {  	_ =	shalt  }
0x48: {  	_ =	shalt  }
0x49: {  	_ =	shalt  }
0x4a: {  	_ =	shalt  }
0x4b: {  	_ =	shalt  }
0x4c: {  	_ =	shalt  }
0x4d: {  	_ =	shalt  }
0x4e: {  	_ =	shalt  }
0x4f: {  	_ =	shalt  }
0x50: {  	_ =	shalt  }
0x51: {  	_ =	shalt  }
0x52: {  	_ =	shalt  }
0x53: {  	_ =	shalt  }
0x54: {  	_ =	shalt  }
0x55: {  	_ =	shalt  }
0x56: {  	_ =	shalt  }
0x57: {  	_ =	shalt  }
0x58: {  	_ =	shalt  }
0x59: {  	_ =	shalt  }
0x5a: {  	_ =	shalt  }
0x5b: {  	_ =	shalt  }
0x5c: {  	_ =	shalt  }
0x5d: {  	_ =	shalt  }
0x5e: {  	_ =	shalt  }
0x5f: {  	_ =	shalt  }
0x60: {  	_ =	shalt  }
0x61: {  	_ =	shalt  }
0x62: {  	_ =	shalt  }
0x63: {  	_ =	shalt  }
0x64: {  	_ =	shalt  }
0x65: {  	_ =	shalt  }
0x66: {  	_ =	shalt  }
0x67: {  	_ =	shalt  }
0x68: {  	_ =	shalt  }
0x69: {  	_ =	shalt  }
0x6a: {  	_ =	shalt  }
0x6b: {  	_ =	shalt  }
0x6c: {  	_ =	shalt  }
0x6d: {  	_ =	shalt  }
0x6e: {  	_ =	shalt  }
0x6f: {  	_ =	shalt  }
0x70: {  	_ =	shalt  }
0x71: {  	_ =	shalt  }
0x72: {  	_ =	shalt  }
0x73: {  	_ =	shalt  }
0x74: {  	_ =	shalt  }
0x75: {  	_ =	shalt  }
0x76: {  	_ =	shalt  }
0x77: {  	_ =	shalt  }
0x78: {  	_ =	shalt  }
0x79: {  	_ =	shalt  }
0x7a: {  	_ =	shalt  }
0x7b: {  	_ =	shalt  }
0x7c: {  	_ =	shalt  }
0x7d: {  	_ =	shalt  }
0x7e: {  	_ =	shalt  }
0x7f: {  	_ =	shalt  }
0x80: {  	_ =	shalt  }
0x81: {  	_ =	shalt  }
0x82: {  	_ =	shalt  }
0x83: {  	_ =	shalt  }
0x84: {  	_ =	shalt  }
0x85: {  	_ =	shalt  }
0x86: {  	_ =	shalt  }
0x87: {  	_ =	shalt  }
.Lfunc_end0:
.L_simem_size_0:
called_computation_lowered:
.L_overlay_start_0:
0x88: {  	s2 =	sld [smem:$0x3FD9]  }
0x89: {  	s3 =	sld [smem:$0x3FFE];
	_ =	sdelay $0x1  }
0x8a: {  	s1 =	srdreg.scid  }
0x8b: {  	s0 =	sand.u32 $0x1, s1  }
0x8c: {  	s16 =	sshll.u32 s0, $0xA;
	s2 =	sadd.s32 s3, s2  }
0x8d: {  	s2 =	sadd.s32 s2, s16  }
0x8e: {  	[smem:$0x3FB6] =	sst s2  }
0x8f: {  	_ = 	snop  }
0x90: {  	(tm) =	ssettm $0x1  }
0x91: {  	s17 =	sld [smem:$0x3FFB];
	_ =	sdelay $0x3  }
0x92: {  	_ =	strace s17  }
0x93: {  	s2 =	sld [smem:$0x3FFC];
	_ =	sdelay $0x3  }
0x94: {  	_ =	strace s2  }
0x95: {  	s2 =	sld [smem:$0x3FFD];
	_ =	sdelay $0x3  }
0x96: {  	_ =	strace s2  }
0x97: {  	_ =	strace $0x8FFFFFFF  }
0x98: {  	s18 =	sld [smem:$0x3FDB];
	_ =	sdelay $0x1  }
0x99: {  	s19 =	simm.s32 $_scs_section_size  }
0x9a: {  	s4 =	simm.s32 $_size__tile_overlayer_lowered;
	s5 =	simm.s32 $_tile_overlayer_lowered  }
0x9b: {  	s22 =	simm.s32 $0x1BFF;
	s21 =	sshll.u32 s5, $0x1;
	s2 =	sadd.s32 s19, s18  }
0x9c: {  	s6 =	simm.s32 $0x0;
	s20 =	sshll.u32 s4, $0x1;
	s4 =	sadd.s32 s21, s2  }
0x9d: {  	[timem:s6], [sflag:s22] =	dma.local [hbm:s4], s20  }
0x9e: {  	_ =	swait.ge [sflag:s22], s20  }
0x9f: {  	s3 =	ssub.s32 $0x0, s20;
	[sflag:s22] =	ssyncset.done $0x0  }
0xa0: {  	[sflag:s22] =	ssyncadd.s32 s3;
	_ =	sdelay $0x1  }
0xa1: {  	s23 =	simm.s32 $0x1B8B  }
0xa2: {  	_ =	swait.ge [sflag:s23], $0x1  }
0xa3: {  	[sflag:s23] =	ssyncset.done $0x0  }
0xa4: {  	s25 =	simm.s32 $0x1B8E;
	s24 =	sld [smem:$0x3FFE];
	[sflag:s23] =	ssyncadd.s32 $0xFFFFFFFF  }
0xa5: {  	s26 =	simm.s32 $execute0_lowered;
	[smem:$0x3FD2] =	sst s25  }
0xa6: {  	s4 =	sshll.u32 s26, $0x1;
	_ =	strace $0x80000046;
	[dreg:$0x1] =	wrdreg $0xFFFFFFFF  }
0xa7: {  	s28 =	simm.s32 $_size_execute0_lowered;
	s2 =	sadd.s32 s2, s4;
	[dreg:$0x0] =	wrdreg $0x0  }
0xa8: {  	s4 =	sshll.u32 s28, $0x1;
	[dreg:$0x2] =	wrdreg s2  }
0xa9: {  	[dreg:$0x3] =	wrdreg s4  }
0xaa: {  	[dreg:$0x4] =	wrdreg $0xC0  }
0xab: {  	_ =	task [dreg:s6], $0x5FFFF  }
0xac: {  	[dreg:$0x1] =	wrdreg $0xFFFFFFFF  }
0xad: {  	[dreg:$0x0] =	wrdreg $0x60  }
0xae: {  	[dreg:$0x2] =	wrdreg s24  }
0xaf: {  	[dreg:$0x3] =	wrdreg $0x81800  }
0xb0: {  	[dreg:$0x4] =	wrdreg $0x11DC00  }
0xb1: {  	[dreg:$0x5] =	wrdreg $0x9  }
0xb2: {  	_ =	task.clear_ibuf [dreg:s6], $0x6FFFF;
	_ =	strace $0x90000046  }
0xb3: {  	s29 =	simm.s32 $0x9;
	_ =	strace $0x80000048  }
0xb4: {  	_ =	swait.ge [sflag:s29], $0x1  }
0xb5: {  	[sflag:s29] =	ssyncadd.s32 $0xFFFFFFFF  }
0xb6: {  	_ =	strace $0x90000048  }
0xb7: {  	_ =	sfence  }
0xb8: {  	s30 =	sld [smem:$0x0];
	_ =	sdelay $0x2  }
0xb9: {  	s31 =	sshll.u32 s1, $0xD;
	s1 =	sshrl.u32 s1, $0x2  }
0xba: {  	s3 =	sand.u32 $0x4000, s31;
	s1 =	sadd.s32 s1, s30  }
0xbb: {  	s0 =	sor.u32 s3, s0;
	s1 =	sshll.u32 s1, $0x11  }
0xbc: {  	s0 =	sor.u32 s1, s0  }
0xbd: {  	s0 =	sadd.s32 $0x8F2B, s0  }
0xbe: {  	[sflag:s0] =	ssyncadd.remote.s32 $0x1  }
0xbf: {  	_ =	sfence.sel $0xFFFF  }
0xc0: {  	[dreg:$0x0] =	wrdreg $0xFFFFFFFF;
	(pc) =	sbr.abs _section_cstart, $3  }
0xc1: {  	[dreg:$0x1] =	wrdreg $0xFFFFFFFF  }
0xc2: {  	_ =	task.clear_ibuf [dreg:s6], $0x2FFFF;
	_ =	strace $0x9FFFFFFF  }
0xc3: {  	(tm) =	ssettm $0x7FFFFFFF  }
tec
execute0_lowered:
.L_overlay_start_1:
0x0: {  	(tag) =	ssettag $0x1  }
0x1: {  	s0 =	rddreg [dreg:$0x0]  }
0x2: {  	s1 =	rddreg [dreg:$0x1]  }
0x3: {  	s2 =	rddreg [dreg:$0x2]  }
0x4: {  	s3 =	simm.s32 $0x0;
	s7 =	srdreg.scid;
	s4 =	stileid.u32  }
0x5: {  	s20 =	simm.s32 $0x3;
	s21 =	simm.s32 $0x80;
	s22 =	simm.s32 $0x180  }
0x6: {  	s23 =	simm.s32 $0x100;
	s24 =	simm.s32 $0x2180;
	s28 =	simm.s32 $0x1  }
0x7: {  	s29 =	simm.s32 $0x2;
	[smem:$0x7FF] =	sst s3;
	s5 =	sadd.s32 $0x4F7800, s0  }
0x8: {  	s6 =	sadd.s32 $0x4EDA00, s0;
	s13 =	sand.u32 $0x1, s7;
	s14 =	smul.u32 $0xFA00, s4  }
0x9: {  	s7 =	sadd.s32 $0x504E00, s0;
	s8 =	sadd.s32 $0xA600, s0;
	s9 =	sadd.s32 $0x52C000, s0  }
0xa: {  	s30 =	simm.s32 $0x0;
	s10 =	sadd.s32 $0x553200, s0;
	s11 =	sadd.s32 $0x57A400, s0  }
0xb: {  	p0 =	sgt.u32 s4, $0x9;
	s12 =	smul.u32 $0x9C400, s13;
	s16 =	ssub.s32 $0x2, s13  }
0xc: {  	_ =	strace $0x80000047;
	s17 =	sshrl.u32 s16, $0x1;
	s18 =	sadd.s32 s14, s1  }
0xd: {  	s15 =	sadd.s32 s14, s12;
	s25 =	ssub.s32 s16, s17;
	s16 =	smul.u32 $0x2710, s13  }
0xe: {  	s12 =	sadd.s32 $0x5CA800, s0;
	s14 =	sadd.s32 s14, s2;
	s13 =	smul.u32 $0x1388000, s13  }
.Ltmp0:
0xf: {  	s17 =	sshll.u32 @!p0 s4, $0x6;
	s15 =	sshrl.u32 s15, $0x3;
	(pc) =	sbr.rel .LBB2_1-.Ltmp0, $4  }
0x10: {  	s18 =	sshrl.u32 @!p0 s18, $0x3;
	s31 =	smax.u32 s25, $0x1;
	s0 =	sadd.s32 s15, s0  }
0x11: {  	s17 =	sor.u32 @!p0 $0x1C02, s17;
	[dreg:$0x6] =	wrdreg s31;
	s26 =	sadd.s32 $0x57C400, s0  }
0x12: {  	s19 =	sshrl.u32 @!p0 s14, $0x3;
	s0 =	sadd.s32 $0x5A3600, s0;
	[dreg:$0x4] =	wrdreg s26  }
0x13: {  	s25 =	simm.s32 $0x4180;
	v0 =	vmov s16;
	[dreg:$0x5] =	wrdreg s0;
	s26 =	simm.s32 $0x6180  }
.LBB2_7:
0x14: {  	[bflag:$0x0] =	sbarrier.arrive $0xFFFF  }
0x15: {  	s0 =	rddreg [dreg:$0x4]  }
0x16: {  	[hbm:s0], [sflag:s17] =	dma.local @!p0 [spmem:s18], $0x1F40  }
0x17: {  	s0 =	simm.s32 @!p0 $0x2  }
0x18: {  	_ =	swait.ge @!p0 [sflag:s0], $0x1F40  }
0x19: {  	[sflag:s0] =	ssyncset.done @!p0 $0x0  }
0x1a: {  	s14 =	rddreg [dreg:$0x5];
	[sflag:s0] =	ssyncadd.s32 @!p0 $0xFFFFE0C0  }
0x1b: {  	[hbm:s14], [sflag:s17] =	dma.local @!p0 [spmem:s19], $0x1F40  }
0x1c: {  	_ =	swait.ge @!p0 [sflag:s0], $0x1F40  }
0x1d: {  	s30 =	sadd.s32 $0x1, s30;
	s31 =	rddreg [dreg:$0x6]  }
0x1e: {  	p1 =	sne.s32 s30, s31  }
.Ltmp1:
0x1f: {  	_ = 	snop;
	(pc) =	sbr.rel @!p1 .LBB2_8-.Ltmp1, $3  }
0x20: {  	_ =	sdelay $0x1  }
0x21: {  	[sflag:s0] =	ssyncset.done @!p0 $0x0  }
0x22: {  	[sflag:s0] =	ssyncadd.s32 @!p0 $0xFFFFE0C0  }
.LBB2_1:
0x23: {  	[spmem:s18], [sflag:s17] =	dma.local @!p0 [hbm:s11], $0x1F40  }
0x24: {  	s0 =	simm.s32 @!p0 $0x2  }
0x25: {  	_ =	swait.ge @!p0 [sflag:s0], $0x1F40  }
0x26: {  	[sflag:s0] =	ssyncset.done @!p0 $0x0  }
0x27: {  	[sflag:s0] =	ssyncadd.s32 @!p0 $0xFFFFE0C0  }
0x28: {  	[spmem:s19], [sflag:s17] =	dma.local @!p0 [hbm:s11], $0x1F40  }
.Ltmp2:
0x29: {  	_ =	swait.ge @!p0 [sflag:s0], $0x1F40;
	(pc) =	sbr.rel .LBB2_2-.Ltmp2, $4  }
0x2a: {  	[sflag:s0] =	ssyncset.done @!p0 $0x0  }
0x2b: {  	[sflag:s0] =	ssyncadd.s32 @!p0 $0xFFFFE0C0  }
0x2c: {  	[bflag:$0x0] =	sbarrier.arrive $0xFFFF  }
0x2d: {  	s31 =	simm.s32 $0x0  }
.LBB2_6:
0x2e: {  	s31 =	sadd.s32 $0x1, s31  }
0x2f: {  	p1 =	sne.s32 s31, $0x9D  }
.Ltmp3:
0x30: {  	_ = 	snop;
	(pc) =	sbr.rel @!p1 .LBB2_7-.Ltmp3, $1  }
0x31: {  	_ =	sdelay $0x3  }
.LBB2_2:
0x32: {  	s0 =	sshll.u32 s31, $0x4  }
0x33: {  	s0 =	sor.u32 s4, s0  }
0x34: {  	p1 =	sgt.u32 s0, $0x9C3  }
.Ltmp4:
0x35: {  	_ = 	snop;
	(pc) =	sbr.rel @p1 .LBB2_6-.Ltmp4, $1  }
0x36: {  	_ =	sdelay $0x3  }
0x37: {  	s15 =	sshll.u32 s0, $0x4  }
0x38: {  	s14 =	simm.s32 $0x0;
	s16 =	sadd.s32 s5, s15  }
0x39: {  	[tilespmem:s14], [sflag:$0x3] =	stream.linear.gather [hbm4b:s16+s14], $0x80, $0x38;
	[tilespmem:$0x1BA00] =	vst v63  }
0x3a: {  	_ =	swait.ge [sflag:s20], $0x80  }
0x3b: {  	[sflag:s20] =	ssyncset.done $0x0  }
0x3c: {  	s15 =	sadd.s32 s6, s15;
	[sflag:s20] =	ssyncadd.s32 $0xFFFFFF80  }
0x3d: {  	[tilespmem:s21], [sflag:$0x3] =	stream.linear.gather [hbm4b:s15+s14], $0x80, $0x38;
	[tilespmem:$0x1BA00] =	vst v63  }
0x3e: {  	_ =	swait.ge [sflag:s20], $0x80  }
0x3f: {  	[sflag:s20] =	ssyncset.done $0x0  }
0x40: {  	[sflag:s20] =	ssyncadd.s32 $0xFFFFFF80  }
0x41: {  	v1 =	vld [tilespmem:$0x0]  }
0x42: {  	v2 =	vld [tilespmem:$0x80]  }
0x43: {  	v3 =	vld [tilespmem:$0x10]  }
0x44: {  	v4 =	vld [tilespmem:$0x90]  }
0x45: {  	v5 =	vld [tilespmem:$0x20]  }
0x46: {  	v6 =	vld [tilespmem:$0xA0];
	v1 =	vadd.s32 v0, v1  }
0x47: {  	[tilespmem:$0x0] =	vst v1;
	v1 =	vadd.s32 v0, v2;
	v2 =	vld [tilespmem:$0x30]  }
0x48: {  	[tilespmem:$0x100] =	vst v1;
	v1 =	vadd.s32 v0, v3;
	v3 =	vld [tilespmem:$0xB0]  }
0x49: {  	[tilespmem:$0x10] =	vst v1;
	v1 =	vadd.s32 v0, v4;
	v4 =	vld [tilespmem:$0x40]  }
0x4a: {  	[tilespmem:$0x110] =	vst v1;
	v1 =	vadd.s32 v0, v5;
	v5 =	vld [tilespmem:$0xC0]  }
0x4b: {  	[tilespmem:$0x20] =	vst v1;
	v1 =	vadd.s32 v0, v6;
	v6 =	vld [tilespmem:$0x50]  }
0x4c: {  	[tilespmem:$0x120] =	vst v1;
	v1 =	vadd.s32 v0, v2;
	v2 =	vld [tilespmem:$0xD0]  }
0x4d: {  	[tilespmem:$0x30] =	vst v1;
	v1 =	vadd.s32 v0, v3;
	v3 =	vld [tilespmem:$0x60]  }
0x4e: {  	[tilespmem:$0x130] =	vst v1;
	v1 =	vadd.s32 v0, v4;
	v4 =	vld [tilespmem:$0xE0]  }
0x4f: {  	[tilespmem:$0x40] =	vst v1;
	v1 =	vadd.s32 v0, v5;
	v5 =	vld [tilespmem:$0x70]  }
0x50: {  	[tilespmem:$0x140] =	vst v1;
	v1 =	vadd.s32 v0, v6;
	v6 =	vld [tilespmem:$0xF0]  }
0x51: {  	[tilespmem:$0x50] =	vst v1;
	v1 =	vadd.s32 v0, v2  }
0x52: {  	[tilespmem:$0x150] =	vst v1;
	v1 =	vadd.s32 v0, v3  }
0x53: {  	[tilespmem:$0x60] =	vst v1;
	v1 =	vadd.s32 v0, v4  }
0x54: {  	[tilespmem:$0x160] =	vst v1;
	v1 =	vadd.s32 v0, v5  }
0x55: {  	[tilespmem:$0x70] =	vst v1;
	v1 =	vadd.s32 v0, v6  }
0x56: {  	s15 =	sshll.u32 s0, $0xD;
	[tilespmem:$0x170] =	vst v1  }
0x57: {  	[tilespmem:s22], [sflag:$0x1] =	stream.indirect.gather [hbm4b:s7+s21], $0x40, s14, s21, $0xb8;
	[tilespmem:$0x1BA00] =	vst v63  }
0x58: {  	s0 =	sadd.s32 s13, s15  }
0x59: {  	[tilespmem:s24], [sflag:$0x1] =	stream.indirect.gather [hbm4b:s9+s21], $0x40, s23, s21, $0xb8;
	[tilespmem:$0x1BA00] =	vst v63  }
0x5a: {  	s0 =	sshrl.u32 s0, $0x3  }
0x5b: {  	[tilespmem:s25], [sflag:$0x1] =	stream.indirect.gather [hbm4b:s10+s21], $0x40, s14, s21, $0xb8;
	[tilespmem:$0x1BA00] =	vst v63  }
0x5c: {  	s16 =	sadd.s32 s8, s0  }
0x5d: {  	[tilespmem:s26], [sflag:$0x3] =	stream.linear.gather [hbm4b:s16+s14], $0x2000, $0x38;
	[tilespmem:$0x1BA00] =	vst v63  }
0x5e: {  	_ =	swait.ge [sflag:s20], $0x2000  }
0x5f: {  	[sflag:s20] =	ssyncset.done $0x0  }
0x60: {  	[sflag:s20] =	ssyncadd.s32 $0xFFFFE000  }
0x61: {  	_ =	swait.ge [sflag:s28], $0x2000  }
0x62: {  	[sflag:s28] =	ssyncset.done $0x0  }
0x63: {  	[sflag:s28] =	ssyncadd.s32 $0xFFFFE000  }
0x64: {  	_ =	swait.ge [sflag:s28], $0x2000  }
0x65: {  	[sflag:s28] =	ssyncset.done $0x0  }
0x66: {  	[sflag:s28] =	ssyncadd.s32 $0xFFFFE000  }
0x67: {  	_ =	swait.ge [sflag:s28], $0x2000  }
0x68: {  	[sflag:s28] =	ssyncset.done $0x0  }
0x69: {  	s14 =	simm.s32 $0x0;
	[sflag:s28] =	ssyncadd.s32 $0xFFFFE000  }
0x6a: {  	v1 =	vld [tilespmem:s14+$0x6180]  }
0x6b: {  	v2 =	vld [tilespmem:s14+$0x180]  }
0x6c: {  	v3 =	vld [tilespmem:s14+$0x190]  }
0x6d: {  	v4 =	vld [tilespmem:s14+$0x2180]  }
0x6e: {  	v5 =	vld [tilespmem:s14+$0x1A0]  }
0x6f: {  	v6 =	vld [tilespmem:s14+$0x2190]  }
0x70: {  	v7 =	vld [tilespmem:s14+$0x21A0]  }
0x71: {  	v8 =	vld [tilespmem:s14+$0x6190]  }
0x72: {  	v9 =	vld [tilespmem:s14+$0x61A0];
	v2 =	vadd.f32 v4, v2;
	_ =	sdelay $0x1  }
0x73: {  	v3 =	vadd.f32 v6, v3;
	v1 =	vadd.f32 v1, v2  }
0x74: {  	v6 =	vld [tilespmem:s14+$0x21B0];
	v2 =	vadd.f32 v7, v5  }
0x75: {  	v3 =	vadd.f32 v8, v3;
	v5 =	vld [tilespmem:s14+$0x1B0];
	v4 =	vsub.f32 $0.0e+00, v1  }
0x76: {  	v2 =	vadd.f32 v9, v2  }
0x77: {  	v7 =	vsub.f32 $0.0e+00, v3;
	v9 =	vld [tilespmem:s14+$0x61B0];
	v4 =	vmul.f32 $1.442695020e+00, v4  }
0x78: {  	v8 =	vsub.f32 $0.0e+00, v2  }
0x79: {  	v7 =	vmul.f32 $1.442695020e+00, v7;
	(erf) = vpow2.f32 v4  }
0x7a: {  	v5 =	vadd.f32 v6, v5;
	v4 =	vmul.f32 $1.442695020e+00, v8  }
0x7b: {  	(erf) = vpow2.f32 v7  }
0x7c: {  	(erf) = vpow2.f32 v4;
	v4 =	vadd.f32 v9, v5;
	_ =	sdelay $0x1  }
0x7d: {  	v1 =	vmax.f32 v1, $0.0e+00;
	v5 =	vsub.f32 $0.0e+00, v4  }
0x7e: {  	[tilespmem:s14+$0x180] =	vst v1;
	v1 =	vmax.f32 v3, $0.0e+00  }
0x7f: {  	[tilespmem:s14+$0x190] =	vst v1;
	v1 =	vmax.f32 v2, $0.0e+00;
	v2 =	vmul.f32 $1.442695020e+00, v5;
	_ =	sdelay $0x1  }
0x80: {  	[tilespmem:s14+$0x1A0] =	vst v1;
	v1 =	vmax.f32 v4, $0.0e+00;
	v3 =	vpop (erf);
	(erf) = vpow2.f32 v2;
	_ =	sdelay $0x2  }
0x81: {  	[tilespmem:s14+$0x1B0] =	vst v1;
	v3 =	vadd.f32 $1.000000000e+00, v3;
	v1 =	vpop (erf)  }
0x82: {  	v2 =	vpop (erf)  }
0x83: {  	(erf) = vrcp.f32 v3;
	v3 =	vadd.f32 $1.000000000e+00, v2  }
0x84: {  	v4 =	vadd.f32 $1.000000000e+00, v1;
	_ =	sdelay $0x1  }
0x85: {  	(erf) = vrcp.f32 v4  }
0x86: {  	(erf) = vrcp.f32 v3;
	v3 =	vpop (erf)  }
0x87: {  	v12 =	vld [tilespmem:s14+$0x4190];
	v3 =	vadd.f32 $1.000000000e+00, v3  }
0x88: {  	v10 =	vld [tilespmem:s14+$0x41A0]  }
0x89: {  	v8 =	vld [tilespmem:s14+$0x4180];
	(erf) = vrcp.f32 v3  }
0x8a: {  	s15 =	simm.s32 $0x40;
	v9 =	vld [tilespmem:s14+$0x41B0]  }
0x8b: {  	v7 =	vld [tilespmem:s15+$0x180]  }
0x8c: {  	v6 =	vld [tilespmem:s15+$0x190]  }
0x8d: {  	v5 =	vld [tilespmem:s15+$0x1B0]  }
0x8e: {  	v1 =	vld [tilespmem:s15+$0x6180]  }
0x8f: {  	v2 =	vld [tilespmem:s15+$0x6190];
	v13 =	vpop (erf)  }
0x90: {  	v4 =	vld [tilespmem:s15+$0x1A0];
	[tilespmem:s14+$0x2180] =	vst v13;
	v14 =	vpop (erf)  }
0x91: {  	s16 =	simm.s32 $0x200;
	v3 =	vmul.f32 v13, v8;
	v11 =	vld [tilespmem:s15+$0x2180];
	[tilespmem:s14+$0x2190] =	vst v14;
	v8 =	vmul.f32 v14, v12;
	v12 =	vpop (erf)  }
.LBB2_4:
0x92: {  	p1 =	sne.s32 s16, $0x7F00;
	v13 =	vld [tilespmem:s15+$0x2190];
	[tilespmem:s14+$0x21A0] =	vst v12;
	v10 =	vmul.f32 v12, v10;
	v12 =	vpop (erf)  }
0x93: {  	v14 =	vld [tilespmem:s15+$0x21A0];
	[tilespmem:s14+$0x21B0] =	vst v12;
	v9 =	vmul.f32 v12, v9  }
0x94: {  	v12 =	vld [tilespmem:s15+$0x21B0];
	[tilespmem:s14+$0x41A0] =	vst v10  }
0x95: {  	v10 =	vld [tilespmem:s15+$0x61A0];
	[tilespmem:s14+$0x41B0] =	vst v9  }
0x96: {  	v7 =	vadd.f32 v11, v7;
	v9 =	vld [tilespmem:s15+$0x61B0];
	[tilespmem:s14+$0x4190] =	vst v8  }
0x97: {  	v6 =	vadd.f32 v13, v6;
	[tilespmem:s14+$0x4180] =	vst v3;
	s14 =	smov.u32 s15  }
0x98: {  	v1 =	vadd.f32 v1, v7;
	v3 =	vadd.f32 v14, v4  }
0x99: {  	v2 =	vadd.f32 v2, v6;
	v4 =	vadd.f32 v12, v5  }
0x9a: {  	v5 =	vmax.f32 v1, $0.0e+00;
	v1 =	vsub.f32 $0.0e+00, v1;
	v3 =	vadd.f32 v10, v3  }
0x9b: {  	[tilespmem:s14+$0x180] =	vst v5;
	v5 =	vmax.f32 v2, $0.0e+00;
	v2 =	vsub.f32 $0.0e+00, v2;
	v4 =	vadd.f32 v9, v4  }
0x9c: {  	v1 =	vmul.f32 $1.442695020e+00, v1;
	[tilespmem:s14+$0x190] =	vst v5;
	v5 =	vmax.f32 v3, $0.0e+00;
	v3 =	vsub.f32 $0.0e+00, v3  }
0x9d: {  	v2 =	vmul.f32 $1.442695020e+00, v2;
	[tilespmem:s14+$0x1A0] =	vst v5;
	v5 =	vmax.f32 v4, $0.0e+00;
	v4 =	vsub.f32 $0.0e+00, v4  }
0x9e: {  	v3 =	vmul.f32 $1.442695020e+00, v3;
	[tilespmem:s14+$0x1B0] =	vst v5;
	(erf) = vpow2.f32 v1  }
0x9f: {  	v1 =	vmul.f32 $1.442695020e+00, v4;
	(erf) = vpow2.f32 v2  }
0xa0: {  	(erf) = vpow2.f32 v3  }
0xa1: {  	(erf) = vpow2.f32 v1;
	_ =	sdelay $0x5  }
0xa2: {  	v1 =	vpop (erf)  }
0xa3: {  	v1 =	vadd.f32 $1.000000000e+00, v1;
	v2 =	vpop (erf)  }
0xa4: {  	v2 =	vadd.f32 $1.000000000e+00, v2;
	v3 =	vpop (erf)  }
0xa5: {  	s15 =	sshra.s32 s16, $0x2;
	v3 =	vadd.f32 $1.000000000e+00, v3;
	(erf) = vrcp.f32 v1;
	v4 =	vpop (erf)  }
0xa6: {  	v1 =	vld [tilespmem:s15+$0x6180];
	v4 =	vadd.f32 $1.000000000e+00, v4;
	(erf) = vrcp.f32 v2  }
0xa7: {  	v2 =	vld [tilespmem:s15+$0x6190];
	(erf) = vrcp.f32 v3  }
0xa8: {  	v3 =	vld [tilespmem:s14+$0x4180];
	(erf) = vrcp.f32 v4  }
0xa9: {  	v8 =	vld [tilespmem:s14+$0x4190]  }
0xaa: {  	v10 =	vld [tilespmem:s14+$0x41A0]  }
0xab: {  	v9 =	vld [tilespmem:s14+$0x41B0]  }
.Ltmp5:
0xac: {  	v7 =	vld [tilespmem:s15+$0x180];
	(pc) =	sbr.rel @p1 .LBB2_4-.Ltmp5, $4  }
0xad: {  	v6 =	vld [tilespmem:s15+$0x190]  }
0xae: {  	v4 =	vld [tilespmem:s15+$0x1A0];
	v11 =	vpop (erf)  }
0xaf: {  	v5 =	vld [tilespmem:s15+$0x1B0];
	[tilespmem:s14+$0x2180] =	vst v11;
	v3 =	vmul.f32 v11, v3;
	v12 =	vpop (erf)  }
0xb0: {  	s16 =	sadd.s32 $0x100, s16;
	v11 =	vld [tilespmem:s15+$0x2180];
	[tilespmem:s14+$0x2190] =	vst v12;
	v8 =	vmul.f32 v12, v8;
	v12 =	vpop (erf)  }
0xb1: {  	v13 =	vld [tilespmem:s15+$0x2190];
	[tilespmem:s14+$0x21A0] =	vst v12;
	v14 =	vpop (erf);
	v10 =	vmul.f32 v12, v10  }
0xb2: {  	v15 =	vld [tilespmem:s15+$0x21A0];
	[tilespmem:s14+$0x21B0] =	vst v14  }
0xb3: {  	v9 =	vmul.f32 v14, v9;
	v50 =	vld [tilespmem:s15+$0x21B0];
	[tilespmem:s14+$0x41A0] =	vst v10  }
0xb4: {  	v10 =	vld [tilespmem:s15+$0x61A0]  }
0xb5: {  	[tilespmem:s14+$0x41B0] =	vst v9;
	v7 =	vadd.f32 v11, v7  }
0xb6: {  	v9 =	vld [tilespmem:s15+$0x61B0];
	v6 =	vadd.f32 v13, v6  }
0xb7: {  	v1 =	vadd.f32 v1, v7;
	v4 =	vadd.f32 v15, v4  }
0xb8: {  	v2 =	vadd.f32 v2, v6;
	v5 =	vadd.f32 v50, v5  }
0xb9: {  	v51 =	vsub.f32 $0.0e+00, v1;
	v4 =	vadd.f32 v10, v4  }
0xba: {  	v52 =	vsub.f32 $0.0e+00, v2  }
0xbb: {  	v5 =	vadd.f32 v9, v5;
	v6 =	vmul.f32 $1.442695020e+00, v51;
	v53 =	vsub.f32 $0.0e+00, v4  }
0xbc: {  	v7 =	vmul.f32 $1.442695020e+00, v52  }
0xbd: {  	v54 =	vsub.f32 $0.0e+00, v5;
	v9 =	vmul.f32 $1.442695020e+00, v53;
	(erf) = vpow2.f32 v6  }
0xbe: {  	(erf) = vpow2.f32 v7  }
0xbf: {  	v55 =	vmul.f32 $1.442695020e+00, v54;
	(erf) = vpow2.f32 v9;
	_ =	sdelay $0x1  }
0xc0: {  	(erf) = vpow2.f32 v55;
	_ =	sdelay $0x4  }
0xc1: {  	v56 =	vpop (erf)  }
0xc2: {  	v6 =	vadd.f32 $1.000000000e+00, v56;
	v7 =	vpop (erf)  }
0xc3: {  	v7 =	vadd.f32 $1.000000000e+00, v7;
	v9 =	vpop (erf)  }
0xc4: {  	v57 =	vadd.f32 $1.000000000e+00, v9;
	(erf) = vrcp.f32 v6  }
0xc5: {  	[tilespmem:s14+$0x4190] =	vst v8;
	v58 =	vpop (erf);
	(erf) = vrcp.f32 v7  }
0xc6: {  	[tilespmem:s14+$0x4180] =	vst v3;
	v1 =	vmax.f32 v1, $0.0e+00;
	v3 =	vadd.f32 $1.000000000e+00, v58;
	(erf) = vrcp.f32 v57  }
0xc7: {  	[tilespmem:s15+$0x180] =	vst v1;
	v1 =	vmax.f32 v2, $0.0e+00  }
0xc8: {  	[tilespmem:s15+$0x190] =	vst v1;
	v1 =	vmax.f32 v4, $0.0e+00;
	(erf) = vrcp.f32 v3  }
0xc9: {  	[tilespmem:s15+$0x1A0] =	vst v1;
	v1 =	vmax.f32 v5, $0.0e+00  }
0xca: {  	[tilespmem:s15+$0x1B0] =	vst v1;
	v1 =	vld [tilespmem:s15+$0x4180];
	_ =	sdelay $0x1  }
0xcb: {  	v59 =	vld [tilespmem:s15+$0x4190]  }
0xcc: {  	v2 =	vld [tilespmem:s15+$0x41A0];
	v60 =	vpop (erf)  }
0xcd: {  	v3 =	vld [tilespmem:s15+$0x41B0];
	[tilespmem:s15+$0x2180] =	vst v60;
	v61 =	vpop (erf)  }
0xce: {  	v1 =	vmul.f32 v60, v1;
	[tilespmem:s15+$0x2190] =	vst v61;
	v62 =	vpop (erf)  }
0xcf: {  	[tilespmem:s15+$0x21A0] =	vst v62  }
0xd0: {  	v4 =	vmul.f32 v61, v59;
	v63 =	vpop (erf);
	[tilespmem:s15+$0x4180] =	vst v1  }
0xd1: {  	v2 =	vmul.f32 v62, v2;
	[tilespmem:s15+$0x21B0] =	vst v63  }
0xd2: {  	v3 =	vmul.f32 v63, v3;
	[tilespmem:s15+$0x4190] =	vst v4  }
0xd3: {  	[tilespmem:s15+$0x41A0] =	vst v2  }
0xd4: {  	s0 =	sadd.s32 s12, s0;
	[tilespmem:s15+$0x41B0] =	vst v3  }
0xd5: {  	[hbm4b:s0+s3] =	stream.linear.scatter [tilespmem:s22], [sflag:$0x3], $0x2000, $0x38;
	[tilespmem:$0x1BA00] =	vst v63  }
0xd6: {  	_ =	swait.ge [sflag:s20], $0x2000  }
0xd7: {  	[sflag:s20] =	ssyncset.done $0x0  }
0xd8: {  	[sflag:s20] =	ssyncadd.s32 $0xFFFFE000  }
0xd9: {  	[spmem:s1] =	stream.indirect.scatter.add.f32 [tilespmem:s25], [sflag:$0x3], $0x40, s21, s21, $0xb8;
	[tilespmem:$0x1BA00] =	vst v63  }
0xda: {  	_ =	swait.ge [sflag:s20], $0x2000  }
0xdb: {  	[sflag:s20] =	ssyncset.done $0x0  }
.Ltmp6:
0xdc: {  	[sflag:s20] =	ssyncadd.s32 $0xFFFFE000;
	(pc) =	sbr.rel .LBB2_6-.Ltmp6, $4  }
0xdd: {  	[spmem:s2] =	stream.indirect.scatter.add.f32 [tilespmem:s24], [sflag:$0x2], $0x40, s21, s21, $0xb8;
	[tilespmem:$0x1BA00] =	vst v63  }
0xde: {  	_ =	swait.ge [sflag:s29], $0x2000  }
0xdf: {  	[sflag:s29] =	ssyncset.done $0x0  }
0xe0: {  	[sflag:s29] =	ssyncadd.s32 $0xFFFFE000  }
.LBB2_8:
0xe1: {  	_ =	sfence.sel $0x180000  }
0xe2: {  	[bflag:$0x0] =	sbarrier.arrive $0xFFFF  }
0xe3: {  	_ =	strace $0x90000047  }
0xe4: {  	[bflag:$0x2] =	sbarrier.arrive $0xFFFF  }
0xe5: {  	p0 =	sne.s32 s4, $0x0;
	s0 =	rddreg [dreg:$0x3]  }
0xe6: {  	s0 =	sadd.s32 @!p0 $0x100000, s0  }
0xe7: {  	[sflag:s0] =	ssyncadd.tile.s32 @!p0 $0x1;
	_ =	shalt  }
.Lfunc_end2:
_tile_overlayer_lowered:
.L_overlay_start_2:
0xe8: {  	(tag) =	ssettag $0x2  }
0xe9: {  	s0 =	rddreg [dreg:$0x0];
	s2 =	stileid.u32  }
0xea: {  	s1 =	rddreg [dreg:$0x1];
	p0 =	sne.s32 s2, $0x0  }
0xeb: {  	s3 =	rddreg [dreg:$0x2];
	[bflag:$0x3] =	sbarrier.arrive $0xFFFF;
	s2 =	simm.s32 @!p0 $0x1C02  }
0xec: {  	[timem:s3], [sflag:s2] =	dma.local @!p0 [hbm:s0], s1  }
0xed: {  	s0 =	simm.s32 @!p0 $0x2  }
0xee: {  	_ =	swait.ge @!p0 [sflag:s0], s1  }
0xef: {  	s1 =	ssub.s32 @!p0 $0x0, s1;
	[sflag:s0] =	ssyncset.done @!p0 $0x0  }
0xf0: {  	[sflag:s0] =	ssyncadd.s32 @!p0 s1  }
0xf1: {  	[bflag:$0x3] =	sbarrier.arrive $0xFFFF  }
0xf2: {  	_ =	shalt  }

// kernel: kernel.18.cloned.1.call-start
scs
__scs_entry_jumppad:
0x0: {  	(pc) =	sbr.rel $0x88, $3  }
0x1: {  	(tag) =	ssettag $0x0;
	lr =	simm.s32 $0x1  }
0x2: {  	[smem:$0x3F8F] =	sst lr;
	_ =	strace $0xD0000000  }
0x3: {  	_ = 	snop  }
0x4: {  	_ = 	snop  }
0x5: {  	_ = 	snop  }
0x6: {  	_ = 	snop  }
0x7: {  	_ = 	snop  }
__scs_overlays_trampoline_lowered:
0x8: {  	[smem:$0x3F9E] =	sst s0  }
0x9: {  	[smem:$0x3F9F] =	sst s1  }
0xa: {  	[smem:$0x3FA0] =	sst s2  }
0xb: {  	[smem:$0x3FA1] =	sst s3  }
0xc: {  	[smem:$0x3FA2] =	sst s4  }
0xd: {  	[smem:$0x3FA3] =	sst s5  }
0xe: {  	[smem:$0x3FA4] =	sst s6  }
0xf: {  	[smem:$0x3FA5] =	sst s7  }
0x10: {  	[smem:$0x3FA6] =	sst s8  }
0x11: {  	[smem:$0x3FA7] =	sst s9;
	s0 =	simm.s32 @!p0 $0x0  }
0x12: {  	s1 =	sld [smem:$0x3F8D];
	s0 =	simm.s32 @p0 $0x1  }
0x13: {  	[smem:$0x3FA8] =	sst s0;
	s0 =	simm.s32 @!p1 $0x0  }
0x14: {  	s2 =	sld [smem:$0x3F8C];
	s0 =	simm.s32 @p1 $0x1  }
0x15: {  	[smem:$0x3FA9] =	sst s0;
	s0 =	simm.s32 @!p2 $0x0  }
0x16: {  	s3 =	sld [smem:$0x3FDB];
	s0 =	simm.s32 @p2 $0x1  }
0x17: {  	s4 =	simm.s32 $0x1BF5;
	[smem:$0x3FAB] =	sst s0  }
0x18: {  	s0 =	sld [smem:$0x3F8E];
	_ =	swait.ge [sflag:s4], $0x0  }
0x19: {  	s7 =	sld [smem:$0x3F8F]  }
0x1a: {  	s8 =	sadd.s32 $0xFFFFE003, lr  }
0x1b: {  	s9 =	sadd.s32 $0xFFFFFEF7, lr;
	s5 =	simm.s32 $0xFFFFFFFF;
	p2 =	slt.u32 s8, $0xFFFFF086  }
0x1c: {  	p1 =	slt.u32 s9, $0xF7A;
	s5 =	simm.s32 @!p2 $0x0  }
0x1d: {  	s5 =	simm.s32 @p1 $0x1;
	p0 =	seq.s32 s7, s2  }
0x1e: {  	s7 =	smul.u32 @!p0 $0xF7A, s2;
	p2 =	seq.s32 @!p0 s5, $0x0  }
0x1f: {  	s9 =	smul.u32 $0xF7A, s1;
	s8 =	simm.s32 @!p0 $0x1BF5;
	p2 =	por !p2, p0  }
0x20: {  	[sflag:s8] =	ssyncset.s32 @!p0 $0xFFFFF086;
	s6 =	sadd.s32 @!p0 s3, s7;
	s7 =	simm.s32 @!p0 $0x108  }
0x21: {  	s3 =	sadd.s32 s3, s9;
	s6 =	sadd.s32 @!p0 $0x88, s6;
	s7 =	simm.s32 @p2 $0x1082  }
0x22: {  	[simem:s7], [sflag:s8] =	dma.local @!p0 [hbm:s6], $0xF7A  }
0x23: {  	s9 =	sor.u32 $0xD0000000, s2;
	s6 =	simm.s32 $0x108;
	_ =	swait.ge @!p0 [sflag:s8], $0x0  }
0x24: {  	s3 =	sadd.s32 $0x88, s3;
	s6 =	simm.s32 @!p1 $0x1082;
	[sflag:s4] =	ssyncset.s32 $0xFFFFF086  }
0x25: {  	[simem:s6], [sflag:s4] =	dma.local [hbm:s3], $0xF7A  }
0x26: {  	[smem:$0x3F8F] =	sst s1;
	(tag) =	ssettag s2;
	_ =	strace s9  }
0x27: {  	s1 =	sld [smem:$0x3F9F]  }
0x28: {  	s2 =	sld [smem:$0x3FA0]  }
0x29: {  	s4 =	sld [smem:$0x3FA2]  }
0x2a: {  	p0 =	seq.s32 s5, $0x0;
	s5 =	sld [smem:$0x3FA3]  }
0x2b: {  	s6 =	sld [smem:$0x3FA4]  }
0x2c: {  	s7 =	sld [smem:$0x3FA5]  }
0x2d: {  	s3 =	simm.s32 $0x108;
	s8 =	sld [smem:$0x3FA6]  }
0x2e: {  	s3 =	simm.s32 @!p0 $0x1082;
	s9 =	sld [smem:$0x3FA7]  }
0x2f: {  	lr =	sadd.s32 s0, s3;
	s0 =	sld [smem:$0x3F9E]  }
0x30: {  	s3 =	sld [smem:$0x3FA1]  }
0x31: {  	[smem:$0x3FAA] =	sst s10  }
0x32: {  	s10 =	sld [smem:$0x3FA8];
	_ =	sdelay $0x3  }
0x33: {  	p0 =	seq.s32 s10, $0x1;
	s10 =	sld [smem:$0x3FAA];
	_ =	sdelay $0x3  }
0x34: {  	[smem:$0x3FAA] =	sst s10  }
0x35: {  	s10 =	sld [smem:$0x3FA9];
	_ =	sdelay $0x3  }
0x36: {  	p1 =	seq.s32 s10, $0x1;
	s10 =	sld [smem:$0x3FAA];
	_ =	sdelay $0x3  }
0x37: {  	[smem:$0x3FAA] =	sst s10  }
0x38: {  	s10 =	sld [smem:$0x3FAB]  }
0x39: {  	_ = 	snop;
	(pc) =	sbr.ind lr, $3  }
0x3a: {  	_ = 	snop  }
0x3b: {  	_ = 	snop  }
0x3c: {  	p2 =	seq.s32 s10, $0x1;
	s10 =	sld [smem:$0x3FAA]  }
0x3d: {  	_ =	shalt  }
0x3e: {  	_ =	shalt  }
0x3f: {  	_ =	shalt  }
0x40: {  	_ =	shalt  }
0x41: {  	_ =	shalt  }
0x42: {  	_ =	shalt  }
0x43: {  	_ =	shalt  }
0x44: {  	_ =	shalt  }
0x45: {  	_ =	shalt  }
0x46: {  	_ =	shalt  }
0x47: {  	_ =	shalt  }
0x48: {  	_ =	shalt  }
0x49: {  	_ =	shalt  }
0x4a: {  	_ =	shalt  }
0x4b: {  	_ =	shalt  }
0x4c: {  	_ =	shalt  }
0x4d: {  	_ =	shalt  }
0x4e: {  	_ =	shalt  }
0x4f: {  	_ =	shalt  }
0x50: {  	_ =	shalt  }
0x51: {  	_ =	shalt  }
0x52: {  	_ =	shalt  }
0x53: {  	_ =	shalt  }
0x54: {  	_ =	shalt  }
0x55: {  	_ =	shalt  }
0x56: {  	_ =	shalt  }
0x57: {  	_ =	shalt  }
0x58: {  	_ =	shalt  }
0x59: {  	_ =	shalt  }
0x5a: {  	_ =	shalt  }
0x5b: {  	_ =	shalt  }
0x5c: {  	_ =	shalt  }
0x5d: {  	_ =	shalt  }
0x5e: {  	_ =	shalt  }
0x5f: {  	_ =	shalt  }
0x60: {  	_ =	shalt  }
0x61: {  	_ =	shalt  }
0x62: {  	_ =	shalt  }
0x63: {  	_ =	shalt  }
0x64: {  	_ =	shalt  }
0x65: {  	_ =	shalt  }
0x66: {  	_ =	shalt  }
0x67: {  	_ =	shalt  }
0x68: {  	_ =	shalt  }
0x69: {  	_ =	shalt  }
0x6a: {  	_ =	shalt  }
0x6b: {  	_ =	shalt  }
0x6c: {  	_ =	shalt  }
0x6d: {  	_ =	shalt  }
0x6e: {  	_ =	shalt  }
0x6f: {  	_ =	shalt  }
0x70: {  	_ =	shalt  }
0x71: {  	_ =	shalt  }
0x72: {  	_ =	shalt  }
0x73: {  	_ =	shalt  }
0x74: {  	_ =	shalt  }
0x75: {  	_ =	shalt  }
0x76: {  	_ =	shalt  }
0x77: {  	_ =	shalt  }
0x78: {  	_ =	shalt  }
0x79: {  	_ =	shalt  }
0x7a: {  	_ =	shalt  }
0x7b: {  	_ =	shalt  }
0x7c: {  	_ =	shalt  }
0x7d: {  	_ =	shalt  }
0x7e: {  	_ =	shalt  }
0x7f: {  	_ =	shalt  }
0x80: {  	_ =	shalt  }
0x81: {  	_ =	shalt  }
0x82: {  	_ =	shalt  }
0x83: {  	_ =	shalt  }
0x84: {  	_ =	shalt  }
0x85: {  	_ =	shalt  }
0x86: {  	_ =	shalt  }
0x87: {  	_ =	shalt  }
.Lfunc_end0:
.L_simem_size_0:
called_computation.1_lowered:
.L_overlay_start_0:
0x88: {  	s2 =	sld [smem:$0x3FD9]  }
0x89: {  	s3 =	sld [smem:$0x3FFE];
	_ =	sdelay $0x1  }
0x8a: {  	s1 =	srdreg.scid  }
0x8b: {  	s0 =	sand.u32 $0x1, s1  }
0x8c: {  	s16 =	sshll.u32 s0, $0xA;
	s2 =	sadd.s32 s3, s2  }
0x8d: {  	s2 =	sadd.s32 s2, s16  }
0x8e: {  	[smem:$0x3FB6] =	sst s2  }
0x8f: {  	_ = 	snop  }
0x90: {  	(tm) =	ssettm $0x1  }
0x91: {  	s17 =	sld [smem:$0x3FFB];
	_ =	sdelay $0x3  }
0x92: {  	_ =	strace s17  }
0x93: {  	s2 =	sld [smem:$0x3FFC];
	_ =	sdelay $0x3  }
0x94: {  	_ =	strace s2  }
0x95: {  	s2 =	sld [smem:$0x3FFD];
	_ =	sdelay $0x3  }
0x96: {  	_ =	strace s2  }
0x97: {  	_ =	strace $0x8FFFFFFF  }
0x98: {  	s18 =	sld [smem:$0x3FDB];
	_ =	sdelay $0x1  }
0x99: {  	s19 =	simm.s32 $_scs_section_size  }
0x9a: {  	s4 =	simm.s32 $_size__tile_overlayer_lowered;
	s5 =	simm.s32 $_tile_overlayer_lowered  }
0x9b: {  	s22 =	simm.s32 $0x1BFF;
	s21 =	sshll.u32 s5, $0x1;
	s2 =	sadd.s32 s19, s18  }
0x9c: {  	s6 =	simm.s32 $0x0;
	s20 =	sshll.u32 s4, $0x1;
	s4 =	sadd.s32 s21, s2  }
0x9d: {  	[timem:s6], [sflag:s22] =	dma.local [hbm:s4], s20  }
0x9e: {  	_ =	swait.ge [sflag:s22], s20  }
0x9f: {  	s3 =	ssub.s32 $0x0, s20;
	[sflag:s22] =	ssyncset.done $0x0  }
0xa0: {  	[sflag:s22] =	ssyncadd.s32 s3;
	_ =	sdelay $0x1  }
0xa1: {  	s23 =	simm.s32 $0x1B8B  }
0xa2: {  	_ =	swait.ge [sflag:s23], $0x1  }
0xa3: {  	[sflag:s23] =	ssyncset.done $0x0  }
0xa4: {  	s25 =	simm.s32 $0x1B8E;
	s24 =	sld [smem:$0x3FFE];
	[sflag:s23] =	ssyncadd.s32 $0xFFFFFFFF  }
0xa5: {  	s26 =	simm.s32 $execute0_lowered;
	[smem:$0x3FD2] =	sst s25  }
0xa6: {  	s4 =	sshll.u32 s26, $0x1;
	_ =	strace $0x80000049;
	[dreg:$0x1] =	wrdreg $0xFFFFFFFF  }
0xa7: {  	s28 =	simm.s32 $_size_execute0_lowered;
	s2 =	sadd.s32 s2, s4;
	[dreg:$0x0] =	wrdreg $0x0  }
0xa8: {  	s4 =	sshll.u32 s28, $0x1;
	[dreg:$0x2] =	wrdreg s2  }
0xa9: {  	[dreg:$0x3] =	wrdreg s4  }
0xaa: {  	[dreg:$0x4] =	wrdreg $0xC0  }
0xab: {  	_ =	task [dreg:s6], $0x5FFFF  }
0xac: {  	[dreg:$0x1] =	wrdreg $0xFFFFFFFF  }
0xad: {  	[dreg:$0x0] =	wrdreg $0x60  }
0xae: {  	[dreg:$0x2] =	wrdreg s24  }
0xaf: {  	[dreg:$0x3] =	wrdreg $0x81800  }
0xb0: {  	[dreg:$0x4] =	wrdreg $0x11DC00  }
0xb1: {  	[dreg:$0x5] =	wrdreg $0x9  }
0xb2: {  	_ =	task.clear_ibuf [dreg:s6], $0x6FFFF;
	_ =	strace $0x90000049  }
0xb3: {  	s29 =	simm.s32 $0x9;
	_ =	strace $0x8000004B  }
0xb4: {  	_ =	swait.ge [sflag:s29], $0x1  }
0xb5: {  	[sflag:s29] =	ssyncadd.s32 $0xFFFFFFFF  }
0xb6: {  	_ =	strace $0x9000004B  }
0xb7: {  	_ =	sfence  }
0xb8: {  	s30 =	sld [smem:$0x0];
	_ =	sdelay $0x2  }
0xb9: {  	s31 =	sshll.u32 s1, $0xD;
	s1 =	sshrl.u32 s1, $0x2  }
0xba: {  	s3 =	sand.u32 $0x4000, s31;
	s1 =	sadd.s32 s1, s30  }
0xbb: {  	s0 =	sor.u32 s3, s0;
	s1 =	sshll.u32 s1, $0x11  }
0xbc: {  	s0 =	sor.u32 s1, s0  }
0xbd: {  	s0 =	sadd.s32 $0x8F2B, s0  }
0xbe: {  	[sflag:s0] =	ssyncadd.remote.s32 $0x1  }
0xbf: {  	_ =	sfence.sel $0xFFFF  }
0xc0: {  	[dreg:$0x0] =	wrdreg $0xFFFFFFFF;
	(pc) =	sbr.abs _section_cstart, $3  }
0xc1: {  	[dreg:$0x1] =	wrdreg $0xFFFFFFFF  }
0xc2: {  	_ =	task.clear_ibuf [dreg:s6], $0x2FFFF;
	_ =	strace $0x9FFFFFFF  }
0xc3: {  	(tm) =	ssettm $0x7FFFFFFF  }
tec
execute0_lowered:
.L_overlay_start_1:
0x0: {  	(tag) =	ssettag $0x1  }
0x1: {  	s0 =	rddreg [dreg:$0x0]  }
0x2: {  	s1 =	rddreg [dreg:$0x1]  }
0x3: {  	s2 =	rddreg [dreg:$0x2]  }
0x4: {  	s3 =	simm.s32 $0x0;
	s7 =	srdreg.scid;
	s4 =	stileid.u32  }
0x5: {  	s20 =	simm.s32 $0x3;
	s21 =	simm.s32 $0x80;
	s22 =	simm.s32 $0x180  }
0x6: {  	s23 =	simm.s32 $0x100;
	s24 =	simm.s32 $0x2180;
	[smem:$0x7FF] =	sst s3  }
0x7: {  	s28 =	simm.s32 $0x1;
	s5 =	sadd.s32 $0x4F7800, s0;
	s6 =	sadd.s32 $0x4EDA00, s0  }
0x8: {  	s13 =	sand.u32 $0x1, s7;
	s14 =	smul.u32 $0xFA00, s4;
	s7 =	sadd.s32 $0xA600, s0  }
0x9: {  	s29 =	simm.s32 $0x2;
	s8 =	sadd.s32 $0x504C00, s0;
	s9 =	sadd.s32 $0x57C400, s0  }
0xa: {  	s30 =	simm.s32 $0x0;
	s10 =	sadd.s32 $0x52BE00, s0;
	s11 =	sadd.s32 $0x57A400, s0  }
0xb: {  	p0 =	sgt.u32 s4, $0x9;
	s12 =	smul.u32 $0x9C400, s13;
	s16 =	ssub.s32 $0x2, s13  }
0xc: {  	_ =	strace $0x8000004A;
	s17 =	sshrl.u32 s16, $0x1;
	s18 =	sadd.s32 s14, s1  }
0xd: {  	s15 =	sadd.s32 s14, s12;
	s25 =	ssub.s32 s16, s17;
	s16 =	smul.u32 $0x2710, s13  }
0xe: {  	s12 =	sadd.s32 $0xAFE400, s0;
	s14 =	sadd.s32 s14, s2;
	s13 =	smul.u32 $0x1388000, s13  }
.Ltmp0:
0xf: {  	s17 =	sshll.u32 @!p0 s4, $0x6;
	s15 =	sshrl.u32 s15, $0x3;
	(pc) =	sbr.rel .LBB2_1-.Ltmp0, $4  }
0x10: {  	s18 =	sshrl.u32 @!p0 s18, $0x3;
	s31 =	smax.u32 s25, $0x1;
	s0 =	sadd.s32 s15, s0  }
0x11: {  	s17 =	sor.u32 @!p0 $0x1C02, s17;
	[dreg:$0x6] =	wrdreg s31;
	s26 =	sadd.s32 $0x553000, s0  }
0x12: {  	s19 =	sshrl.u32 @!p0 s14, $0x3;
	s0 =	sadd.s32 $0xAD7200, s0;
	[dreg:$0x4] =	wrdreg s26  }
0x13: {  	s25 =	simm.s32 $0x4180;
	v0 =	vmov s16;
	[dreg:$0x5] =	wrdreg s0;
	s26 =	simm.s32 $0x6180  }
.LBB2_7:
0x14: {  	[bflag:$0x0] =	sbarrier.arrive $0xFFFF  }
0x15: {  	s0 =	rddreg [dreg:$0x4]  }
0x16: {  	[hbm:s0], [sflag:s17] =	dma.local @!p0 [spmem:s18], $0x1F40  }
0x17: {  	s0 =	simm.s32 @!p0 $0x2  }
0x18: {  	_ =	swait.ge @!p0 [sflag:s0], $0x1F40  }
0x19: {  	[sflag:s0] =	ssyncset.done @!p0 $0x0  }
0x1a: {  	s14 =	rddreg [dreg:$0x5];
	[sflag:s0] =	ssyncadd.s32 @!p0 $0xFFFFE0C0  }
0x1b: {  	[hbm:s14], [sflag:s17] =	dma.local @!p0 [spmem:s19], $0x1F40  }
0x1c: {  	_ =	swait.ge @!p0 [sflag:s0], $0x1F40  }
0x1d: {  	s30 =	sadd.s32 $0x1, s30;
	s31 =	rddreg [dreg:$0x6]  }
0x1e: {  	p1 =	sne.s32 s30, s31  }
.Ltmp1:
0x1f: {  	_ = 	snop;
	(pc) =	sbr.rel @!p1 .LBB2_8-.Ltmp1, $3  }
0x20: {  	_ =	sdelay $0x1  }
0x21: {  	[sflag:s0] =	ssyncset.done @!p0 $0x0  }
0x22: {  	[sflag:s0] =	ssyncadd.s32 @!p0 $0xFFFFE0C0  }
.LBB2_1:
0x23: {  	[spmem:s18], [sflag:s17] =	dma.local @!p0 [hbm:s11], $0x1F40  }
0x24: {  	s0 =	simm.s32 @!p0 $0x2  }
0x25: {  	_ =	swait.ge @!p0 [sflag:s0], $0x1F40  }
0x26: {  	[sflag:s0] =	ssyncset.done @!p0 $0x0  }
0x27: {  	[sflag:s0] =	ssyncadd.s32 @!p0 $0xFFFFE0C0  }
0x28: {  	[spmem:s19], [sflag:s17] =	dma.local @!p0 [hbm:s11], $0x1F40  }
.Ltmp2:
0x29: {  	_ =	swait.ge @!p0 [sflag:s0], $0x1F40;
	(pc) =	sbr.rel .LBB2_2-.Ltmp2, $4  }
0x2a: {  	[sflag:s0] =	ssyncset.done @!p0 $0x0  }
0x2b: {  	[sflag:s0] =	ssyncadd.s32 @!p0 $0xFFFFE0C0  }
0x2c: {  	[bflag:$0x0] =	sbarrier.arrive $0xFFFF  }
0x2d: {  	s31 =	simm.s32 $0x0  }
.LBB2_6:
0x2e: {  	s31 =	sadd.s32 $0x1, s31  }
0x2f: {  	p1 =	sne.s32 s31, $0x9D  }
.Ltmp3:
0x30: {  	_ = 	snop;
	(pc) =	sbr.rel @!p1 .LBB2_7-.Ltmp3, $1  }
0x31: {  	_ =	sdelay $0x3  }
.LBB2_2:
0x32: {  	s0 =	sshll.u32 s31, $0x4  }
0x33: {  	s0 =	sor.u32 s4, s0  }
0x34: {  	p1 =	sgt.u32 s0, $0x9C3  }
.Ltmp4:
0x35: {  	_ = 	snop;
	(pc) =	sbr.rel @p1 .LBB2_6-.Ltmp4, $1  }
0x36: {  	_ =	sdelay $0x3  }
0x37: {  	s15 =	sshll.u32 s0, $0x4  }
0x38: {  	s14 =	simm.s32 $0x0;
	s16 =	sadd.s32 s5, s15  }
0x39: {  	[tilespmem:s14], [sflag:$0x3] =	stream.linear.gather [hbm4b:s16+s14], $0x80, $0x38;
	[tilespmem:$0x1BA00] =	vst v63  }
0x3a: {  	_ =	swait.ge [sflag:s20], $0x80  }
0x3b: {  	[sflag:s20] =	ssyncset.done $0x0  }
0x3c: {  	s15 =	sadd.s32 s6, s15;
	[sflag:s20] =	ssyncadd.s32 $0xFFFFFF80  }
0x3d: {  	[tilespmem:s21], [sflag:$0x3] =	stream.linear.gather [hbm4b:s15+s14], $0x80, $0x38;
	[tilespmem:$0x1BA00] =	vst v63  }
0x3e: {  	_ =	swait.ge [sflag:s20], $0x80  }
0x3f: {  	[sflag:s20] =	ssyncset.done $0x0  }
0x40: {  	[sflag:s20] =	ssyncadd.s32 $0xFFFFFF80  }
0x41: {  	v1 =	vld [tilespmem:$0x0]  }
0x42: {  	v2 =	vld [tilespmem:$0x80]  }
0x43: {  	v3 =	vld [tilespmem:$0x10]  }
0x44: {  	v4 =	vld [tilespmem:$0x90]  }
0x45: {  	v5 =	vld [tilespmem:$0x20]  }
0x46: {  	v6 =	vld [tilespmem:$0xA0];
	v1 =	vadd.s32 v0, v1  }
0x47: {  	[tilespmem:$0x0] =	vst v1;
	v1 =	vadd.s32 v0, v2;
	v2 =	vld [tilespmem:$0x30]  }
0x48: {  	[tilespmem:$0x100] =	vst v1;
	v1 =	vadd.s32 v0, v3;
	v3 =	vld [tilespmem:$0xB0]  }
0x49: {  	[tilespmem:$0x10] =	vst v1;
	v1 =	vadd.s32 v0, v4;
	v4 =	vld [tilespmem:$0x40]  }
0x4a: {  	[tilespmem:$0x110] =	vst v1;
	v1 =	vadd.s32 v0, v5;
	v5 =	vld [tilespmem:$0xC0]  }
0x4b: {  	[tilespmem:$0x20] =	vst v1;
	v1 =	vadd.s32 v0, v6;
	v6 =	vld [tilespmem:$0x50]  }
0x4c: {  	[tilespmem:$0x120] =	vst v1;
	v1 =	vadd.s32 v0, v2;
	v2 =	vld [tilespmem:$0xD0]  }
0x4d: {  	[tilespmem:$0x30] =	vst v1;
	v1 =	vadd.s32 v0, v3;
	v3 =	vld [tilespmem:$0x60]  }
0x4e: {  	[tilespmem:$0x130] =	vst v1;
	v1 =	vadd.s32 v0, v4;
	v4 =	vld [tilespmem:$0xE0]  }
0x4f: {  	[tilespmem:$0x40] =	vst v1;
	v1 =	vadd.s32 v0, v5;
	v5 =	vld [tilespmem:$0x70]  }
0x50: {  	[tilespmem:$0x140] =	vst v1;
	v1 =	vadd.s32 v0, v6;
	v6 =	vld [tilespmem:$0xF0]  }
0x51: {  	[tilespmem:$0x50] =	vst v1;
	v1 =	vadd.s32 v0, v2  }
0x52: {  	[tilespmem:$0x150] =	vst v1;
	v1 =	vadd.s32 v0, v3  }
0x53: {  	[tilespmem:$0x60] =	vst v1;
	v1 =	vadd.s32 v0, v4  }
0x54: {  	[tilespmem:$0x160] =	vst v1;
	v1 =	vadd.s32 v0, v5  }
0x55: {  	[tilespmem:$0x70] =	vst v1;
	v1 =	vadd.s32 v0, v6  }
0x56: {  	s15 =	sshll.u32 s0, $0xD;
	[tilespmem:$0x170] =	vst v1  }
0x57: {  	[tilespmem:s22], [sflag:$0x1] =	stream.indirect.gather [hbm4b:s8+s21], $0x40, s14, s21, $0xb8;
	[tilespmem:$0x1BA00] =	vst v63  }
0x58: {  	s0 =	sadd.s32 s13, s15  }
0x59: {  	[tilespmem:s24], [sflag:$0x1] =	stream.indirect.gather [hbm4b:s9+s21], $0x40, s23, s21, $0xb8;
	[tilespmem:$0x1BA00] =	vst v63  }
0x5a: {  	s0 =	sshrl.u32 s0, $0x3  }
0x5b: {  	[tilespmem:s25], [sflag:$0x1] =	stream.indirect.gather [hbm4b:s10+s21], $0x40, s14, s21, $0xb8;
	[tilespmem:$0x1BA00] =	vst v63  }
0x5c: {  	s16 =	sadd.s32 s7, s0  }
0x5d: {  	[tilespmem:s26], [sflag:$0x3] =	stream.linear.gather [hbm4b:s16+s14], $0x2000, $0x38;
	[tilespmem:$0x1BA00] =	vst v63  }
0x5e: {  	_ =	swait.ge [sflag:s20], $0x2000  }
0x5f: {  	[sflag:s20] =	ssyncset.done $0x0  }
0x60: {  	[sflag:s20] =	ssyncadd.s32 $0xFFFFE000  }
0x61: {  	_ =	swait.ge [sflag:s28], $0x2000  }
0x62: {  	[sflag:s28] =	ssyncset.done $0x0  }
0x63: {  	[sflag:s28] =	ssyncadd.s32 $0xFFFFE000  }
0x64: {  	_ =	swait.ge [sflag:s28], $0x2000  }
0x65: {  	[sflag:s28] =	ssyncset.done $0x0  }
0x66: {  	[sflag:s28] =	ssyncadd.s32 $0xFFFFE000  }
0x67: {  	_ =	swait.ge [sflag:s28], $0x2000  }
0x68: {  	[sflag:s28] =	ssyncset.done $0x0  }
0x69: {  	s14 =	simm.s32 $0x0;
	[sflag:s28] =	ssyncadd.s32 $0xFFFFE000  }
0x6a: {  	v1 =	vld [tilespmem:s14+$0x6180]  }
0x6b: {  	v2 =	vld [tilespmem:s14+$0x180]  }
0x6c: {  	v3 =	vld [tilespmem:s14+$0x190]  }
0x6d: {  	v4 =	vld [tilespmem:s14+$0x2180]  }
0x6e: {  	v5 =	vld [tilespmem:s14+$0x1A0]  }
0x6f: {  	v6 =	vld [tilespmem:s14+$0x2190]  }
0x70: {  	v7 =	vld [tilespmem:s14+$0x21A0]  }
0x71: {  	v8 =	vld [tilespmem:s14+$0x6190]  }
0x72: {  	v9 =	vld [tilespmem:s14+$0x61A0];
	v2 =	vadd.f32 v4, v2;
	_ =	sdelay $0x1  }
0x73: {  	v3 =	vadd.f32 v6, v3;
	v1 =	vadd.f32 v1, v2  }
0x74: {  	v6 =	vld [tilespmem:s14+$0x21B0];
	v2 =	vadd.f32 v7, v5  }
0x75: {  	v3 =	vadd.f32 v8, v3;
	v5 =	vld [tilespmem:s14+$0x1B0];
	v4 =	vsub.f32 $0.0e+00, v1  }
0x76: {  	v2 =	vadd.f32 v9, v2  }
0x77: {  	v7 =	vsub.f32 $0.0e+00, v3;
	v9 =	vld [tilespmem:s14+$0x61B0];
	v4 =	vmul.f32 $1.442695020e+00, v4  }
0x78: {  	v8 =	vsub.f32 $0.0e+00, v2  }
0x79: {  	v7 =	vmul.f32 $1.442695020e+00, v7;
	(erf) = vpow2.f32 v4  }
0x7a: {  	v5 =	vadd.f32 v6, v5;
	v4 =	vmul.f32 $1.442695020e+00, v8  }
0x7b: {  	(erf) = vpow2.f32 v7  }
0x7c: {  	(erf) = vpow2.f32 v4;
	v4 =	vadd.f32 v9, v5;
	_ =	sdelay $0x1  }
0x7d: {  	v1 =	vmax.f32 v1, $0.0e+00;
	v5 =	vsub.f32 $0.0e+00, v4  }
0x7e: {  	[tilespmem:s14+$0x180] =	vst v1;
	v1 =	vmax.f32 v3, $0.0e+00  }
0x7f: {  	[tilespmem:s14+$0x190] =	vst v1;
	v1 =	vmax.f32 v2, $0.0e+00;
	v2 =	vmul.f32 $1.442695020e+00, v5;
	_ =	sdelay $0x1  }
0x80: {  	[tilespmem:s14+$0x1A0] =	vst v1;
	v1 =	vmax.f32 v4, $0.0e+00;
	v3 =	vpop (erf);
	(erf) = vpow2.f32 v2;
	_ =	sdelay $0x2  }
0x81: {  	[tilespmem:s14+$0x1B0] =	vst v1;
	v3 =	vadd.f32 $1.000000000e+00, v3;
	v1 =	vpop (erf)  }
0x82: {  	v2 =	vpop (erf)  }
0x83: {  	(erf) = vrcp.f32 v3;
	v3 =	vadd.f32 $1.000000000e+00, v2  }
0x84: {  	v4 =	vadd.f32 $1.000000000e+00, v1;
	_ =	sdelay $0x1  }
0x85: {  	(erf) = vrcp.f32 v4  }
0x86: {  	(erf) = vrcp.f32 v3;
	v3 =	vpop (erf)  }
0x87: {  	v12 =	vld [tilespmem:s14+$0x4190];
	v3 =	vadd.f32 $1.000000000e+00, v3  }
0x88: {  	v10 =	vld [tilespmem:s14+$0x41A0]  }
0x89: {  	v8 =	vld [tilespmem:s14+$0x4180];
	(erf) = vrcp.f32 v3  }
0x8a: {  	s15 =	simm.s32 $0x40;
	v9 =	vld [tilespmem:s14+$0x41B0]  }
0x8b: {  	v7 =	vld [tilespmem:s15+$0x180]  }
0x8c: {  	v6 =	vld [tilespmem:s15+$0x190]  }
0x8d: {  	v5 =	vld [tilespmem:s15+$0x1B0]  }
0x8e: {  	v1 =	vld [tilespmem:s15+$0x6180]  }
0x8f: {  	v2 =	vld [tilespmem:s15+$0x6190];
	v13 =	vpop (erf)  }
0x90: {  	v4 =	vld [tilespmem:s15+$0x1A0];
	[tilespmem:s14+$0x2180] =	vst v13;
	v14 =	vpop (erf)  }
0x91: {  	s16 =	simm.s32 $0x200;
	v3 =	vmul.f32 v13, v8;
	v11 =	vld [tilespmem:s15+$0x2180];
	[tilespmem:s14+$0x2190] =	vst v14;
	v8 =	vmul.f32 v14, v12;
	v12 =	vpop (erf)  }
.LBB2_4:
0x92: {  	p1 =	sne.s32 s16, $0x7F00;
	v13 =	vld [tilespmem:s15+$0x2190];
	[tilespmem:s14+$0x21A0] =	vst v12;
	v10 =	vmul.f32 v12, v10;
	v12 =	vpop (erf)  }
0x93: {  	v14 =	vld [tilespmem:s15+$0x21A0];
	[tilespmem:s14+$0x21B0] =	vst v12;
	v9 =	vmul.f32 v12, v9  }
0x94: {  	v12 =	vld [tilespmem:s15+$0x21B0];
	[tilespmem:s14+$0x41A0] =	vst v10  }
0x95: {  	v10 =	vld [tilespmem:s15+$0x61A0];
	[tilespmem:s14+$0x41B0] =	vst v9  }
0x96: {  	v7 =	vadd.f32 v11, v7;
	v9 =	vld [tilespmem:s15+$0x61B0];
	[tilespmem:s14+$0x4190] =	vst v8  }
0x97: {  	v6 =	vadd.f32 v13, v6;
	[tilespmem:s14+$0x4180] =	vst v3;
	s14 =	smov.u32 s15  }
0x98: {  	v1 =	vadd.f32 v1, v7;
	v3 =	vadd.f32 v14, v4  }
0x99: {  	v2 =	vadd.f32 v2, v6;
	v4 =	vadd.f32 v12, v5  }
0x9a: {  	v5 =	vmax.f32 v1, $0.0e+00;
	v1 =	vsub.f32 $0.0e+00, v1;
	v3 =	vadd.f32 v10, v3  }
0x9b: {  	[tilespmem:s14+$0x180] =	vst v5;
	v5 =	vmax.f32 v2, $0.0e+00;
	v2 =	vsub.f32 $0.0e+00, v2;
	v4 =	vadd.f32 v9, v4  }
0x9c: {  	v1 =	vmul.f32 $1.442695020e+00, v1;
	[tilespmem:s14+$0x190] =	vst v5;
	v5 =	vmax.f32 v3, $0.0e+00;
	v3 =	vsub.f32 $0.0e+00, v3  }
0x9d: {  	v2 =	vmul.f32 $1.442695020e+00, v2;
	[tilespmem:s14+$0x1A0] =	vst v5;
	v5 =	vmax.f32 v4, $0.0e+00;
	v4 =	vsub.f32 $0.0e+00, v4  }
0x9e: {  	v3 =	vmul.f32 $1.442695020e+00, v3;
	[tilespmem:s14+$0x1B0] =	vst v5;
	(erf) = vpow2.f32 v1  }
0x9f: {  	v1 =	vmul.f32 $1.442695020e+00, v4;
	(erf) = vpow2.f32 v2  }
0xa0: {  	(erf) = vpow2.f32 v3  }
0xa1: {  	(erf) = vpow2.f32 v1;
	_ =	sdelay $0x5  }
0xa2: {  	v1 =	vpop (erf)  }
0xa3: {  	v1 =	vadd.f32 $1.000000000e+00, v1;
	v2 =	vpop (erf)  }
0xa4: {  	v2 =	vadd.f32 $1.000000000e+00, v2;
	v3 =	vpop (erf)  }
0xa5: {  	s15 =	sshra.s32 s16, $0x2;
	v3 =	vadd.f32 $1.000000000e+00, v3;
	(erf) = vrcp.f32 v1;
	v4 =	vpop (erf)  }
0xa6: {  	v1 =	vld [tilespmem:s15+$0x6180];
	v4 =	vadd.f32 $1.000000000e+00, v4;
	(erf) = vrcp.f32 v2  }
0xa7: {  	v2 =	vld [tilespmem:s15+$0x6190];
	(erf) = vrcp.f32 v3  }
0xa8: {  	v3 =	vld [tilespmem:s14+$0x4180];
	(erf) = vrcp.f32 v4  }
0xa9: {  	v8 =	vld [tilespmem:s14+$0x4190]  }
0xaa: {  	v10 =	vld [tilespmem:s14+$0x41A0]  }
0xab: {  	v9 =	vld [tilespmem:s14+$0x41B0]  }
.Ltmp5:
0xac: {  	v7 =	vld [tilespmem:s15+$0x180];
	(pc) =	sbr.rel @p1 .LBB2_4-.Ltmp5, $4  }
0xad: {  	v6 =	vld [tilespmem:s15+$0x190]  }
0xae: {  	v4 =	vld [tilespmem:s15+$0x1A0];
	v11 =	vpop (erf)  }
0xaf: {  	v5 =	vld [tilespmem:s15+$0x1B0];
	[tilespmem:s14+$0x2180] =	vst v11;
	v3 =	vmul.f32 v11, v3;
	v12 =	vpop (erf)  }
0xb0: {  	s16 =	sadd.s32 $0x100, s16;
	v11 =	vld [tilespmem:s15+$0x2180];
	[tilespmem:s14+$0x2190] =	vst v12;
	v8 =	vmul.f32 v12, v8;
	v12 =	vpop (erf)  }
0xb1: {  	v13 =	vld [tilespmem:s15+$0x2190];
	[tilespmem:s14+$0x21A0] =	vst v12;
	v14 =	vpop (erf);
	v10 =	vmul.f32 v12, v10  }
0xb2: {  	v15 =	vld [tilespmem:s15+$0x21A0];
	[tilespmem:s14+$0x21B0] =	vst v14  }
0xb3: {  	v9 =	vmul.f32 v14, v9;
	v50 =	vld [tilespmem:s15+$0x21B0];
	[tilespmem:s14+$0x41A0] =	vst v10  }
0xb4: {  	v10 =	vld [tilespmem:s15+$0x61A0]  }
0xb5: {  	[tilespmem:s14+$0x41B0] =	vst v9;
	v7 =	vadd.f32 v11, v7  }
0xb6: {  	v9 =	vld [tilespmem:s15+$0x61B0];
	v6 =	vadd.f32 v13, v6  }
0xb7: {  	v1 =	vadd.f32 v1, v7;
	v4 =	vadd.f32 v15, v4  }
0xb8: {  	v2 =	vadd.f32 v2, v6;
	v5 =	vadd.f32 v50, v5  }
0xb9: {  	v51 =	vsub.f32 $0.0e+00, v1;
	v4 =	vadd.f32 v10, v4  }
0xba: {  	v52 =	vsub.f32 $0.0e+00, v2  }
0xbb: {  	v5 =	vadd.f32 v9, v5;
	v6 =	vmul.f32 $1.442695020e+00, v51;
	v53 =	vsub.f32 $0.0e+00, v4  }
0xbc: {  	v7 =	vmul.f32 $1.442695020e+00, v52  }
0xbd: {  	v54 =	vsub.f32 $0.0e+00, v5;
	v9 =	vmul.f32 $1.442695020e+00, v53;
	(erf) = vpow2.f32 v6  }
0xbe: {  	(erf) = vpow2.f32 v7  }
0xbf: {  	v55 =	vmul.f32 $1.442695020e+00, v54;
	(erf) = vpow2.f32 v9;
	_ =	sdelay $0x1  }
0xc0: {  	(erf) = vpow2.f32 v55;
	_ =	sdelay $0x4  }
0xc1: {  	v56 =	vpop (erf)  }
0xc2: {  	v6 =	vadd.f32 $1.000000000e+00, v56;
	v7 =	vpop (erf)  }
0xc3: {  	v7 =	vadd.f32 $1.000000000e+00, v7;
	v9 =	vpop (erf)  }
0xc4: {  	v57 =	vadd.f32 $1.000000000e+00, v9;
	(erf) = vrcp.f32 v6  }
0xc5: {  	[tilespmem:s14+$0x4190] =	vst v8;
	v58 =	vpop (erf);
	(erf) = vrcp.f32 v7  }
0xc6: {  	[tilespmem:s14+$0x4180] =	vst v3;
	v1 =	vmax.f32 v1, $0.0e+00;
	v3 =	vadd.f32 $1.000000000e+00, v58;
	(erf) = vrcp.f32 v57  }
0xc7: {  	[tilespmem:s15+$0x180] =	vst v1;
	v1 =	vmax.f32 v2, $0.0e+00  }
0xc8: {  	[tilespmem:s15+$0x190] =	vst v1;
	v1 =	vmax.f32 v4, $0.0e+00;
	(erf) = vrcp.f32 v3  }
0xc9: {  	[tilespmem:s15+$0x1A0] =	vst v1;
	v1 =	vmax.f32 v5, $0.0e+00  }
0xca: {  	[tilespmem:s15+$0x1B0] =	vst v1;
	v1 =	vld [tilespmem:s15+$0x4180];
	_ =	sdelay $0x1  }
0xcb: {  	v59 =	vld [tilespmem:s15+$0x4190]  }
0xcc: {  	v2 =	vld [tilespmem:s15+$0x41A0];
	v60 =	vpop (erf)  }
0xcd: {  	v3 =	vld [tilespmem:s15+$0x41B0];
	[tilespmem:s15+$0x2180] =	vst v60;
	v61 =	vpop (erf)  }
0xce: {  	v1 =	vmul.f32 v60, v1;
	[tilespmem:s15+$0x2190] =	vst v61;
	v62 =	vpop (erf)  }
0xcf: {  	[tilespmem:s15+$0x21A0] =	vst v62  }
0xd0: {  	v4 =	vmul.f32 v61, v59;
	v63 =	vpop (erf);
	[tilespmem:s15+$0x4180] =	vst v1  }
0xd1: {  	v2 =	vmul.f32 v62, v2;
	[tilespmem:s15+$0x21B0] =	vst v63  }
0xd2: {  	v3 =	vmul.f32 v63, v3;
	[tilespmem:s15+$0x4190] =	vst v4  }
0xd3: {  	[tilespmem:s15+$0x41A0] =	vst v2  }
0xd4: {  	s0 =	sadd.s32 s12, s0;
	[tilespmem:s15+$0x41B0] =	vst v3  }
0xd5: {  	[hbm4b:s0+s3] =	stream.linear.scatter [tilespmem:s22], [sflag:$0x3], $0x2000, $0x38;
	[tilespmem:$0x1BA00] =	vst v63  }
0xd6: {  	_ =	swait.ge [sflag:s20], $0x2000  }
0xd7: {  	[sflag:s20] =	ssyncset.done $0x0  }
0xd8: {  	[sflag:s20] =	ssyncadd.s32 $0xFFFFE000  }
0xd9: {  	[spmem:s1] =	stream.indirect.scatter.add.f32 [tilespmem:s25], [sflag:$0x3], $0x40, s21, s21, $0xb8;
	[tilespmem:$0x1BA00] =	vst v63  }
0xda: {  	_ =	swait.ge [sflag:s20], $0x2000  }
0xdb: {  	[sflag:s20] =	ssyncset.done $0x0  }
.Ltmp6:
0xdc: {  	[sflag:s20] =	ssyncadd.s32 $0xFFFFE000;
	(pc) =	sbr.rel .LBB2_6-.Ltmp6, $4  }
0xdd: {  	[spmem:s2] =	stream.indirect.scatter.add.f32 [tilespmem:s24], [sflag:$0x2], $0x40, s21, s21, $0xb8;
	[tilespmem:$0x1BA00] =	vst v63  }
0xde: {  	_ =	swait.ge [sflag:s29], $0x2000  }
0xdf: {  	[sflag:s29] =	ssyncset.done $0x0  }
0xe0: {  	[sflag:s29] =	ssyncadd.s32 $0xFFFFE000  }
.LBB2_8:
0xe1: {  	_ =	sfence.sel $0x180000  }
0xe2: {  	[bflag:$0x0] =	sbarrier.arrive $0xFFFF  }
0xe3: {  	_ =	strace $0x9000004A  }
0xe4: {  	[bflag:$0x2] =	sbarrier.arrive $0xFFFF  }
0xe5: {  	p0 =	sne.s32 s4, $0x0;
	s0 =	rddreg [dreg:$0x3]  }
0xe6: {  	s0 =	sadd.s32 @!p0 $0x100000, s0  }
0xe7: {  	[sflag:s0] =	ssyncadd.tile.s32 @!p0 $0x1;
	_ =	shalt  }
.Lfunc_end2:
_tile_overlayer_lowered:
.L_overlay_start_2:
0xe8: {  	(tag) =	ssettag $0x2  }
0xe9: {  	s0 =	rddreg [dreg:$0x0];
	s2 =	stileid.u32  }
0xea: {  	s1 =	rddreg [dreg:$0x1];
	p0 =	sne.s32 s2, $0x0  }
0xeb: {  	s3 =	rddreg [dreg:$0x2];
	[bflag:$0x3] =	sbarrier.arrive $0xFFFF;
	s2 =	simm.s32 @!p0 $0x1C02  }
0xec: {  	[timem:s3], [sflag:s2] =	dma.local @!p0 [hbm:s0], s1  }
0xed: {  	s0 =	simm.s32 @!p0 $0x2  }
0xee: {  	_ =	swait.ge @!p0 [sflag:s0], s1  }
0xef: {  	s1 =	ssub.s32 @!p0 $0x0, s1;
	[sflag:s0] =	ssyncset.done @!p0 $0x0  }
0xf0: {  	[sflag:s0] =	ssyncadd.s32 @!p0 s1  }
0xf1: {  	[bflag:$0x3] =	sbarrier.arrive $0xFFFF  }
0xf2: {  	_ =	shalt  }

// kernel: kernel.21.cloned.1.call-start
scs
__scs_entry_jumppad:
0x0: {  	(pc) =	sbr.rel $0x88, $3  }
0x1: {  	(tag) =	ssettag $0x0;
	lr =	simm.s32 $0x1  }
0x2: {  	[smem:$0x3F8F] =	sst lr;
	_ =	strace $0xD0000000  }
0x3: {  	_ = 	snop  }
0x4: {  	_ = 	snop  }
0x5: {  	_ = 	snop  }
0x6: {  	_ = 	snop  }
0x7: {  	_ = 	snop  }
__scs_overlays_trampoline_lowered:
0x8: {  	[smem:$0x3F9E] =	sst s0  }
0x9: {  	[smem:$0x3F9F] =	sst s1  }
0xa: {  	[smem:$0x3FA0] =	sst s2  }
0xb: {  	[smem:$0x3FA1] =	sst s3  }
0xc: {  	[smem:$0x3FA2] =	sst s4  }
0xd: {  	[smem:$0x3FA3] =	sst s5  }
0xe: {  	[smem:$0x3FA4] =	sst s6  }
0xf: {  	[smem:$0x3FA5] =	sst s7  }
0x10: {  	[smem:$0x3FA6] =	sst s8  }
0x11: {  	[smem:$0x3FA7] =	sst s9;
	s0 =	simm.s32 @!p0 $0x0  }
0x12: {  	s1 =	sld [smem:$0x3F8D];
	s0 =	simm.s32 @p0 $0x1  }
0x13: {  	[smem:$0x3FA8] =	sst s0;
	s0 =	simm.s32 @!p1 $0x0  }
0x14: {  	s2 =	sld [smem:$0x3F8C];
	s0 =	simm.s32 @p1 $0x1  }
0x15: {  	[smem:$0x3FA9] =	sst s0;
	s0 =	simm.s32 @!p2 $0x0  }
0x16: {  	s3 =	sld [smem:$0x3FDB];
	s0 =	simm.s32 @p2 $0x1  }
0x17: {  	s4 =	simm.s32 $0x1BF5;
	[smem:$0x3FAB] =	sst s0  }
0x18: {  	s0 =	sld [smem:$0x3F8E];
	_ =	swait.ge [sflag:s4], $0x0  }
0x19: {  	s7 =	sld [smem:$0x3F8F]  }
0x1a: {  	s8 =	sadd.s32 $0xFFFFE003, lr  }
0x1b: {  	s9 =	sadd.s32 $0xFFFFFEF7, lr;
	s5 =	simm.s32 $0xFFFFFFFF;
	p2 =	slt.u32 s8, $0xFFFFF086  }
0x1c: {  	p1 =	slt.u32 s9, $0xF7A;
	s5 =	simm.s32 @!p2 $0x0  }
0x1d: {  	s5 =	simm.s32 @p1 $0x1;
	p0 =	seq.s32 s7, s2  }
0x1e: {  	s7 =	smul.u32 @!p0 $0xF7A, s2;
	p2 =	seq.s32 @!p0 s5, $0x0  }
0x1f: {  	s9 =	smul.u32 $0xF7A, s1;
	s8 =	simm.s32 @!p0 $0x1BF5;
	p2 =	por !p2, p0  }
0x20: {  	[sflag:s8] =	ssyncset.s32 @!p0 $0xFFFFF086;
	s6 =	sadd.s32 @!p0 s3, s7;
	s7 =	simm.s32 @!p0 $0x108  }
0x21: {  	s3 =	sadd.s32 s3, s9;
	s6 =	sadd.s32 @!p0 $0x88, s6;
	s7 =	simm.s32 @p2 $0x1082  }
0x22: {  	[simem:s7], [sflag:s8] =	dma.local @!p0 [hbm:s6], $0xF7A  }
0x23: {  	s9 =	sor.u32 $0xD0000000, s2;
	s6 =	simm.s32 $0x108;
	_ =	swait.ge @!p0 [sflag:s8], $0x0  }
0x24: {  	s3 =	sadd.s32 $0x88, s3;
	s6 =	simm.s32 @!p1 $0x1082;
	[sflag:s4] =	ssyncset.s32 $0xFFFFF086  }
0x25: {  	[simem:s6], [sflag:s4] =	dma.local [hbm:s3], $0xF7A  }
0x26: {  	[smem:$0x3F8F] =	sst s1;
	(tag) =	ssettag s2;
	_ =	strace s9  }
0x27: {  	s1 =	sld [smem:$0x3F9F]  }
0x28: {  	s2 =	sld [smem:$0x3FA0]  }
0x29: {  	s4 =	sld [smem:$0x3FA2]  }
0x2a: {  	p0 =	seq.s32 s5, $0x0;
	s5 =	sld [smem:$0x3FA3]  }
0x2b: {  	s6 =	sld [smem:$0x3FA4]  }
0x2c: {  	s7 =	sld [smem:$0x3FA5]  }
0x2d: {  	s3 =	simm.s32 $0x108;
	s8 =	sld [smem:$0x3FA6]  }
0x2e: {  	s3 =	simm.s32 @!p0 $0x1082;
	s9 =	sld [smem:$0x3FA7]  }
0x2f: {  	lr =	sadd.s32 s0, s3;
	s0 =	sld [smem:$0x3F9E]  }
0x30: {  	s3 =	sld [smem:$0x3FA1]  }
0x31: {  	[smem:$0x3FAA] =	sst s10  }
0x32: {  	s10 =	sld [smem:$0x3FA8];
	_ =	sdelay $0x3  }
0x33: {  	p0 =	seq.s32 s10, $0x1;
	s10 =	sld [smem:$0x3FAA];
	_ =	sdelay $0x3  }
0x34: {  	[smem:$0x3FAA] =	sst s10  }
0x35: {  	s10 =	sld [smem:$0x3FA9];
	_ =	sdelay $0x3  }
0x36: {  	p1 =	seq.s32 s10, $0x1;
	s10 =	sld [smem:$0x3FAA];
	_ =	sdelay $0x3  }
0x37: {  	[smem:$0x3FAA] =	sst s10  }
0x38: {  	s10 =	sld [smem:$0x3FAB]  }
0x39: {  	_ = 	snop;
	(pc) =	sbr.ind lr, $3  }
0x3a: {  	_ = 	snop  }
0x3b: {  	_ = 	snop  }
0x3c: {  	p2 =	seq.s32 s10, $0x1;
	s10 =	sld [smem:$0x3FAA]  }
0x3d: {  	_ =	shalt  }
0x3e: {  	_ =	shalt  }
0x3f: {  	_ =	shalt  }
0x40: {  	_ =	shalt  }
0x41: {  	_ =	shalt  }
0x42: {  	_ =	shalt  }
0x43: {  	_ =	shalt  }
0x44: {  	_ =	shalt  }
0x45: {  	_ =	shalt  }
0x46: {  	_ =	shalt  }
0x47: {  	_ =	shalt  }
0x48: {  	_ =	shalt  }
0x49: {  	_ =	shalt  }
0x4a: {  	_ =	shalt  }
0x4b: {  	_ =	shalt  }
0x4c: {  	_ =	shalt  }
0x4d: {  	_ =	shalt  }
0x4e: {  	_ =	shalt  }
0x4f: {  	_ =	shalt  }
0x50: {  	_ =	shalt  }
0x51: {  	_ =	shalt  }
0x52: {  	_ =	shalt  }
0x53: {  	_ =	shalt  }
0x54: {  	_ =	shalt  }
0x55: {  	_ =	shalt  }
0x56: {  	_ =	shalt  }
0x57: {  	_ =	shalt  }
0x58: {  	_ =	shalt  }
0x59: {  	_ =	shalt  }
0x5a: {  	_ =	shalt  }
0x5b: {  	_ =	shalt  }
0x5c: {  	_ =	shalt  }
0x5d: {  	_ =	shalt  }
0x5e: {  	_ =	shalt  }
0x5f: {  	_ =	shalt  }
0x60: {  	_ =	shalt  }
0x61: {  	_ =	shalt  }
0x62: {  	_ =	shalt  }
0x63: {  	_ =	shalt  }
0x64: {  	_ =	shalt  }
0x65: {  	_ =	shalt  }
0x66: {  	_ =	shalt  }
0x67: {  	_ =	shalt  }
0x68: {  	_ =	shalt  }
0x69: {  	_ =	shalt  }
0x6a: {  	_ =	shalt  }
0x6b: {  	_ =	shalt  }
0x6c: {  	_ =	shalt  }
0x6d: {  	_ =	shalt  }
0x6e: {  	_ =	shalt  }
0x6f: {  	_ =	shalt  }
0x70: {  	_ =	shalt  }
0x71: {  	_ =	shalt  }
0x72: {  	_ =	shalt  }
0x73: {  	_ =	shalt  }
0x74: {  	_ =	shalt  }
0x75: {  	_ =	shalt  }
0x76: {  	_ =	shalt  }
0x77: {  	_ =	shalt  }
0x78: {  	_ =	shalt  }
0x79: {  	_ =	shalt  }
0x7a: {  	_ =	shalt  }
0x7b: {  	_ =	shalt  }
0x7c: {  	_ =	shalt  }
0x7d: {  	_ =	shalt  }
0x7e: {  	_ =	shalt  }
0x7f: {  	_ =	shalt  }
0x80: {  	_ =	shalt  }
0x81: {  	_ =	shalt  }
0x82: {  	_ =	shalt  }
0x83: {  	_ =	shalt  }
0x84: {  	_ =	shalt  }
0x85: {  	_ =	shalt  }
0x86: {  	_ =	shalt  }
0x87: {  	_ =	shalt  }
.Lfunc_end0:
.L_simem_size_0:
called_computation.2_lowered:
.L_overlay_start_0:
0x88: {  	s2 =	sld [smem:$0x3FD9]  }
0x89: {  	s3 =	sld [smem:$0x3FFE];
	_ =	sdelay $0x1  }
0x8a: {  	s1 =	srdreg.scid  }
0x8b: {  	s0 =	sand.u32 $0x1, s1  }
0x8c: {  	s16 =	sshll.u32 s0, $0xA;
	s2 =	sadd.s32 s3, s2  }
0x8d: {  	s2 =	sadd.s32 s2, s16  }
0x8e: {  	[smem:$0x3FB6] =	sst s2  }
0x8f: {  	_ = 	snop  }
0x90: {  	(tm) =	ssettm $0x1  }
0x91: {  	s17 =	sld [smem:$0x3FFB];
	_ =	sdelay $0x3  }
0x92: {  	_ =	strace s17  }
0x93: {  	s2 =	sld [smem:$0x3FFC];
	_ =	sdelay $0x3  }
0x94: {  	_ =	strace s2  }
0x95: {  	s2 =	sld [smem:$0x3FFD];
	_ =	sdelay $0x3  }
0x96: {  	_ =	strace s2  }
0x97: {  	_ =	strace $0x8FFFFFFF  }
0x98: {  	s18 =	sld [smem:$0x3FDB];
	_ =	sdelay $0x1  }
0x99: {  	s19 =	simm.s32 $_scs_section_size  }
0x9a: {  	s4 =	simm.s32 $_size__tile_overlayer_lowered;
	s5 =	simm.s32 $_tile_overlayer_lowered  }
0x9b: {  	s22 =	simm.s32 $0x1BFF;
	s21 =	sshll.u32 s5, $0x1;
	s2 =	sadd.s32 s19, s18  }
0x9c: {  	s6 =	simm.s32 $0x0;
	s20 =	sshll.u32 s4, $0x1;
	s4 =	sadd.s32 s21, s2  }
0x9d: {  	[timem:s6], [sflag:s22] =	dma.local [hbm:s4], s20  }
0x9e: {  	_ =	swait.ge [sflag:s22], s20  }
0x9f: {  	s3 =	ssub.s32 $0x0, s20;
	[sflag:s22] =	ssyncset.done $0x0  }
0xa0: {  	[sflag:s22] =	ssyncadd.s32 s3;
	_ =	sdelay $0x1  }
0xa1: {  	s23 =	simm.s32 $0x1B8B  }
0xa2: {  	_ =	swait.ge [sflag:s23], $0x1  }
0xa3: {  	[sflag:s23] =	ssyncset.done $0x0  }
0xa4: {  	s25 =	simm.s32 $0x1B8E;
	s24 =	sld [smem:$0x3FFE];
	[sflag:s23] =	ssyncadd.s32 $0xFFFFFFFF  }
0xa5: {  	s26 =	simm.s32 $execute0_lowered;
	[smem:$0x3FD2] =	sst s25  }
0xa6: {  	s4 =	sshll.u32 s26, $0x1;
	_ =	strace $0x8000004C;
	[dreg:$0x1] =	wrdreg $0xFFFFFFFF  }
0xa7: {  	s28 =	simm.s32 $_size_execute0_lowered;
	s2 =	sadd.s32 s2, s4;
	[dreg:$0x0] =	wrdreg $0x0  }
0xa8: {  	s4 =	sshll.u32 s28, $0x1;
	[dreg:$0x2] =	wrdreg s2  }
0xa9: {  	[dreg:$0x3] =	wrdreg s4  }
0xaa: {  	[dreg:$0x4] =	wrdreg $0xC0  }
0xab: {  	_ =	task [dreg:s6], $0x5FFFF  }
0xac: {  	[dreg:$0x1] =	wrdreg $0xFFFFFFFF  }
0xad: {  	[dreg:$0x0] =	wrdreg $0x60  }
0xae: {  	[dreg:$0x2] =	wrdreg s24  }
0xaf: {  	[dreg:$0x3] =	wrdreg $0x81800  }
0xb0: {  	[dreg:$0x4] =	wrdreg $0x11DC00  }
0xb1: {  	[dreg:$0x5] =	wrdreg $0x9  }
0xb2: {  	_ =	task.clear_ibuf [dreg:s6], $0x6FFFF;
	_ =	strace $0x9000004C  }
0xb3: {  	s29 =	simm.s32 $0x9;
	_ =	strace $0x8000004E  }
0xb4: {  	_ =	swait.ge [sflag:s29], $0x1  }
0xb5: {  	[sflag:s29] =	ssyncadd.s32 $0xFFFFFFFF  }
0xb6: {  	_ =	strace $0x9000004E  }
0xb7: {  	_ =	sfence  }
0xb8: {  	s30 =	sld [smem:$0x0];
	_ =	sdelay $0x2  }
0xb9: {  	s31 =	sshll.u32 s1, $0xD;
	s1 =	sshrl.u32 s1, $0x2  }
0xba: {  	s3 =	sand.u32 $0x4000, s31;
	s1 =	sadd.s32 s1, s30  }
0xbb: {  	s0 =	sor.u32 s3, s0;
	s1 =	sshll.u32 s1, $0x11  }
0xbc: {  	s0 =	sor.u32 s1, s0  }
0xbd: {  	s0 =	sadd.s32 $0x8F2B, s0  }
0xbe: {  	[sflag:s0] =	ssyncadd.remote.s32 $0x1  }
0xbf: {  	_ =	sfence.sel $0xFFFF  }
0xc0: {  	[dreg:$0x0] =	wrdreg $0xFFFFFFFF;
	(pc) =	sbr.abs _section_cstart, $3  }
0xc1: {  	[dreg:$0x1] =	wrdreg $0xFFFFFFFF  }
0xc2: {  	_ =	task.clear_ibuf [dreg:s6], $0x2FFFF;
	_ =	strace $0x9FFFFFFF  }
0xc3: {  	(tm) =	ssettm $0x7FFFFFFF  }
tec
execute0_lowered:
.L_overlay_start_1:
0x0: {  	(tag) =	ssettag $0x1  }
0x1: {  	s0 =	rddreg [dreg:$0x0]  }
0x2: {  	s1 =	rddreg [dreg:$0x1]  }
0x3: {  	s2 =	rddreg [dreg:$0x2];
	s4 =	simm.s32 $0x0;
	s6 =	srdreg.scid  }
0x4: {  	s3 =	stileid.u32;
	s19 =	simm.s32 $0x3;
	s20 =	simm.s32 $0x80  }
0x5: {  	s21 =	simm.s32 $0x180;
	s22 =	simm.s32 $0x100;
	s23 =	simm.s32 $0x2180  }
0x6: {  	s24 =	simm.s32 $0x4180;
	s26 =	simm.s32 $0x1;
	s5 =	sadd.s32 $0x5CA600, s0  }
0x7: {  	s12 =	sand.u32 $0x1, s6;
	s13 =	smul.u32 $0xFA00, s3;
	s6 =	sadd.s32 $0x4F7800, s0  }
0x8: {  	s28 =	simm.s32 $0x2;
	s7 =	sadd.s32 $0x4EDA00, s0;
	s8 =	sadd.s32 $0x501C00, s0  }
0x9: {  	[smem:$0x7FF] =	sst s4;
	s9 =	sadd.s32 $0x57C400, s0;
	s10 =	smul.u32 $0x9C400, s12  }
0xa: {  	p0 =	sgt.u32 s3, $0x9;
	s14 =	ssub.s32 $0x2, s12;
	s25 =	smul.u32 $0x2710, s12  }
0xb: {  	_ =	strace $0x8000004D;
	s12 =	smul.u32 $0x1388000, s12;
	s16 =	sshrl.u32 s14, $0x1  }
0xc: {  	s17 =	sadd.s32 s13, s1;
	s18 =	sadd.s32 s13, s2;
	s11 =	sadd.s32 s13, s10  }
.Ltmp0:
0xd: {  	s10 =	sadd.s32 $0x528E00, s0;
	s30 =	ssub.s32 s14, s16;
	(pc) =	sbr.rel .LBB2_1-.Ltmp0, $4  }
0xe: {  	s17 =	sshrl.u32 @!p0 s17, $0x3;
	s18 =	sshrl.u32 @!p0 s18, $0x3;
	s15 =	sshrl.u32 s11, $0x3  }
0xf: {  	v0 =	vmov s25;
	s25 =	simm.s32 $0x6180;
	s11 =	sadd.s32 $0x57A400, s0;
	s0 =	sadd.s32 s15, s0  }
0x10: {  	s31 =	sadd.s32 $0x550000, s0;
	s14 =	sadd.s32 $0xA600, s0;
	s0 =	sshll.u32 @!p0 s3, $0x6  }
0x11: {  	s15 =	smax.u32 s30, $0x1;
	[dreg:$0x4] =	wrdreg s31;
	s16 =	sor.u32 @!p0 $0x1C02, s0  }
.LBB2_7:
0x12: {  	[bflag:$0x0] =	sbarrier.arrive $0xFFFF  }
0x13: {  	s0 =	rddreg [dreg:$0x4]  }
0x14: {  	[hbm:s0], [sflag:s16] =	dma.local @!p0 [spmem:s17], $0x1F40  }
0x15: {  	s0 =	simm.s32 @!p0 $0x2  }
0x16: {  	s4 =	sadd.s32 $0x1, s4;
	_ =	swait.ge @!p0 [sflag:s0], $0x1F40  }
0x17: {  	p1 =	sne.s32 s4, s15;
	[sflag:s0] =	ssyncset.done @!p0 $0x0  }
.Ltmp1:
0x18: {  	[sflag:s0] =	ssyncadd.s32 @!p0 $0xFFFFE0C0;
	(pc) =	sbr.rel @!p1 .LBB2_8-.Ltmp1, $4  }
0x19: {  	[hbm:s14], [sflag:s16] =	dma.local @!p0 [spmem:s18], $0x1F40  }
0x1a: {  	_ =	swait.ge @!p0 [sflag:s0], $0x1F40  }
0x1b: {  	[sflag:s0] =	ssyncset.done @!p0 $0x0  }
0x1c: {  	[sflag:s0] =	ssyncadd.s32 @!p0 $0xFFFFE0C0  }
.LBB2_1:
0x1d: {  	[spmem:s17], [sflag:s16] =	dma.local @!p0 [hbm:s11], $0x1F40  }
0x1e: {  	s0 =	simm.s32 @!p0 $0x2  }
0x1f: {  	_ =	swait.ge @!p0 [sflag:s0], $0x1F40  }
0x20: {  	[sflag:s0] =	ssyncset.done @!p0 $0x0  }
0x21: {  	[sflag:s0] =	ssyncadd.s32 @!p0 $0xFFFFE0C0  }
0x22: {  	[spmem:s18], [sflag:s16] =	dma.local @!p0 [hbm:s11], $0x1F40  }
.Ltmp2:
0x23: {  	_ =	swait.ge @!p0 [sflag:s0], $0x1F40;
	(pc) =	sbr.rel .LBB2_2-.Ltmp2, $4  }
0x24: {  	[sflag:s0] =	ssyncset.done @!p0 $0x0  }
0x25: {  	[sflag:s0] =	ssyncadd.s32 @!p0 $0xFFFFE0C0  }
0x26: {  	[bflag:$0x0] =	sbarrier.arrive $0xFFFF  }
0x27: {  	s29 =	simm.s32 $0x0  }
.LBB2_6:
0x28: {  	s29 =	sadd.s32 $0x1, s29  }
0x29: {  	p1 =	sne.s32 s29, $0x9D  }
.Ltmp3:
0x2a: {  	_ = 	snop;
	(pc) =	sbr.rel @!p1 .LBB2_7-.Ltmp3, $1  }
0x2b: {  	_ =	sdelay $0x3  }
.LBB2_2:
0x2c: {  	s0 =	sshll.u32 s29, $0x4  }
0x2d: {  	s0 =	sor.u32 s3, s0  }
0x2e: {  	p1 =	sgt.u32 s0, $0x9C3  }
.Ltmp4:
0x2f: {  	_ = 	snop;
	(pc) =	sbr.rel @p1 .LBB2_6-.Ltmp4, $1  }
0x30: {  	_ =	sdelay $0x3  }
0x31: {  	s31 =	sshll.u32 s0, $0x4  }
0x32: {  	s30 =	simm.s32 $0x0;
	s13 =	sadd.s32 s6, s31  }
0x33: {  	[tilespmem:s30], [sflag:$0x3] =	stream.linear.gather [hbm4b:s13+s30], $0x80, $0x38;
	[tilespmem:$0x1BA00] =	vst v63  }
0x34: {  	_ =	swait.ge [sflag:s19], $0x80  }
0x35: {  	[sflag:s19] =	ssyncset.done $0x0  }
0x36: {  	s13 =	sadd.s32 s7, s31;
	[sflag:s19] =	ssyncadd.s32 $0xFFFFFF80  }
0x37: {  	[tilespmem:s20], [sflag:$0x3] =	stream.linear.gather [hbm4b:s13+s30], $0x80, $0x38;
	[tilespmem:$0x1BA00] =	vst v63  }
0x38: {  	_ =	swait.ge [sflag:s19], $0x80  }
0x39: {  	[sflag:s19] =	ssyncset.done $0x0  }
0x3a: {  	[sflag:s19] =	ssyncadd.s32 $0xFFFFFF80  }
0x3b: {  	v1 =	vld [tilespmem:$0x0]  }
0x3c: {  	v2 =	vld [tilespmem:$0x80]  }
0x3d: {  	v3 =	vld [tilespmem:$0x10]  }
0x3e: {  	v4 =	vld [tilespmem:$0x90]  }
0x3f: {  	v5 =	vld [tilespmem:$0x20]  }
0x40: {  	v6 =	vld [tilespmem:$0xA0];
	v1 =	vadd.s32 v0, v1  }
0x41: {  	[tilespmem:$0x0] =	vst v1;
	v1 =	vadd.s32 v0, v2;
	v2 =	vld [tilespmem:$0x30]  }
0x42: {  	[tilespmem:$0x100] =	vst v1;
	v1 =	vadd.s32 v0, v3;
	v3 =	vld [tilespmem:$0xB0]  }
0x43: {  	[tilespmem:$0x10] =	vst v1;
	v1 =	vadd.s32 v0, v4;
	v4 =	vld [tilespmem:$0x40]  }
0x44: {  	[tilespmem:$0x110] =	vst v1;
	v1 =	vadd.s32 v0, v5;
	v5 =	vld [tilespmem:$0xC0]  }
0x45: {  	[tilespmem:$0x20] =	vst v1;
	v1 =	vadd.s32 v0, v6;
	v6 =	vld [tilespmem:$0x50]  }
0x46: {  	[tilespmem:$0x120] =	vst v1;
	v1 =	vadd.s32 v0, v2;
	v2 =	vld [tilespmem:$0xD0]  }
0x47: {  	[tilespmem:$0x30] =	vst v1;
	v1 =	vadd.s32 v0, v3;
	v3 =	vld [tilespmem:$0x60]  }
0x48: {  	[tilespmem:$0x130] =	vst v1;
	v1 =	vadd.s32 v0, v4;
	v4 =	vld [tilespmem:$0xE0]  }
0x49: {  	[tilespmem:$0x40] =	vst v1;
	v1 =	vadd.s32 v0, v5;
	v5 =	vld [tilespmem:$0x70]  }
0x4a: {  	[tilespmem:$0x140] =	vst v1;
	v1 =	vadd.s32 v0, v6;
	v6 =	vld [tilespmem:$0xF0]  }
0x4b: {  	[tilespmem:$0x50] =	vst v1;
	v1 =	vadd.s32 v0, v2  }
0x4c: {  	[tilespmem:$0x150] =	vst v1;
	v1 =	vadd.s32 v0, v3  }
0x4d: {  	[tilespmem:$0x60] =	vst v1;
	v1 =	vadd.s32 v0, v4  }
0x4e: {  	[tilespmem:$0x160] =	vst v1;
	v1 =	vadd.s32 v0, v5  }
0x4f: {  	[tilespmem:$0x70] =	vst v1;
	v1 =	vadd.s32 v0, v6  }
0x50: {  	s13 =	sshll.u32 s0, $0xD;
	[tilespmem:$0x170] =	vst v1  }
0x51: {  	[tilespmem:s21], [sflag:$0x1] =	stream.indirect.gather [hbm4b:s8+s20], $0x40, s30, s20, $0xb8;
	[tilespmem:$0x1BA00] =	vst v63  }
0x52: {  	s0 =	sadd.s32 s12, s13  }
0x53: {  	[tilespmem:s23], [sflag:$0x1] =	stream.indirect.gather [hbm4b:s9+s20], $0x40, s22, s20, $0xb8;
	[tilespmem:$0x1BA00] =	vst v63  }
0x54: {  	s0 =	sshrl.u32 s0, $0x3  }
0x55: {  	[tilespmem:s24], [sflag:$0x1] =	stream.indirect.gather [hbm4b:s10+s20], $0x40, s30, s20, $0xb8;
	[tilespmem:$0x1BA00] =	vst v63  }
0x56: {  	s0 =	sadd.s32 s5, s0  }
0x57: {  	[tilespmem:s25], [sflag:$0x3] =	stream.linear.gather [hbm4b:s0+s30], $0x2000, $0x38;
	[tilespmem:$0x1BA00] =	vst v63  }
0x58: {  	_ =	swait.ge [sflag:s19], $0x2000  }
0x59: {  	[sflag:s19] =	ssyncset.done $0x0  }
0x5a: {  	[sflag:s19] =	ssyncadd.s32 $0xFFFFE000  }
0x5b: {  	_ =	swait.ge [sflag:s26], $0x2000  }
0x5c: {  	[sflag:s26] =	ssyncset.done $0x0  }
0x5d: {  	[sflag:s26] =	ssyncadd.s32 $0xFFFFE000  }
0x5e: {  	_ =	swait.ge [sflag:s26], $0x2000  }
0x5f: {  	[sflag:s26] =	ssyncset.done $0x0  }
0x60: {  	[sflag:s26] =	ssyncadd.s32 $0xFFFFE000  }
0x61: {  	_ =	swait.ge [sflag:s26], $0x2000  }
0x62: {  	[sflag:s26] =	ssyncset.done $0x0  }
0x63: {  	s30 =	simm.s32 $0x0;
	[sflag:s26] =	ssyncadd.s32 $0xFFFFE000  }
0x64: {  	v1 =	vld [tilespmem:s30+$0x6180]  }
0x65: {  	v2 =	vld [tilespmem:s30+$0x180]  }
0x66: {  	v3 =	vld [tilespmem:s30+$0x190]  }
0x67: {  	v4 =	vld [tilespmem:s30+$0x2180]  }
0x68: {  	v5 =	vld [tilespmem:s30+$0x1A0]  }
0x69: {  	v6 =	vld [tilespmem:s30+$0x2190]  }
0x6a: {  	v7 =	vld [tilespmem:s30+$0x21A0]  }
0x6b: {  	v8 =	vld [tilespmem:s30+$0x6190]  }
0x6c: {  	v9 =	vld [tilespmem:s30+$0x61A0];
	v2 =	vadd.f32 v4, v2;
	_ =	sdelay $0x1  }
0x6d: {  	v3 =	vadd.f32 v6, v3;
	v1 =	vadd.f32 v1, v2  }
0x6e: {  	v6 =	vld [tilespmem:s30+$0x21B0];
	v2 =	vadd.f32 v7, v5  }
0x6f: {  	v3 =	vadd.f32 v8, v3;
	v5 =	vld [tilespmem:s30+$0x1B0];
	v4 =	vsub.f32 $0.0e+00, v1  }
0x70: {  	v2 =	vadd.f32 v9, v2  }
0x71: {  	v7 =	vsub.f32 $0.0e+00, v3;
	v9 =	vld [tilespmem:s30+$0x61B0];
	v4 =	vmul.f32 $1.442695020e+00, v4  }
0x72: {  	v8 =	vsub.f32 $0.0e+00, v2  }
0x73: {  	v7 =	vmul.f32 $1.442695020e+00, v7;
	(erf) = vpow2.f32 v4  }
0x74: {  	v5 =	vadd.f32 v6, v5;
	v4 =	vmul.f32 $1.442695020e+00, v8  }
0x75: {  	(erf) = vpow2.f32 v7  }
0x76: {  	(erf) = vpow2.f32 v4;
	v4 =	vadd.f32 v9, v5;
	_ =	sdelay $0x1  }
0x77: {  	v1 =	vmax.f32 v1, $0.0e+00;
	v5 =	vsub.f32 $0.0e+00, v4  }
0x78: {  	[tilespmem:s30+$0x180] =	vst v1;
	v1 =	vmax.f32 v3, $0.0e+00  }
0x79: {  	[tilespmem:s30+$0x190] =	vst v1;
	v1 =	vmax.f32 v2, $0.0e+00;
	v2 =	vmul.f32 $1.442695020e+00, v5;
	_ =	sdelay $0x1  }
0x7a: {  	[tilespmem:s30+$0x1A0] =	vst v1;
	v1 =	vmax.f32 v4, $0.0e+00;
	v3 =	vpop (erf);
	(erf) = vpow2.f32 v2;
	_ =	sdelay $0x2  }
0x7b: {  	[tilespmem:s30+$0x1B0] =	vst v1;
	v3 =	vadd.f32 $1.000000000e+00, v3;
	v1 =	vpop (erf)  }
0x7c: {  	v2 =	vpop (erf)  }
0x7d: {  	(erf) = vrcp.f32 v3;
	v3 =	vadd.f32 $1.000000000e+00, v2  }
0x7e: {  	v4 =	vadd.f32 $1.000000000e+00, v1;
	_ =	sdelay $0x1  }
0x7f: {  	(erf) = vrcp.f32 v4  }
0x80: {  	(erf) = vrcp.f32 v3;
	v3 =	vpop (erf)  }
0x81: {  	v12 =	vld [tilespmem:s30+$0x4190];
	v3 =	vadd.f32 $1.000000000e+00, v3  }
0x82: {  	v10 =	vld [tilespmem:s30+$0x41A0]  }
0x83: {  	v8 =	vld [tilespmem:s30+$0x4180];
	(erf) = vrcp.f32 v3  }
0x84: {  	s31 =	simm.s32 $0x40;
	v9 =	vld [tilespmem:s30+$0x41B0]  }
0x85: {  	v7 =	vld [tilespmem:s31+$0x180]  }
0x86: {  	v6 =	vld [tilespmem:s31+$0x190]  }
0x87: {  	v5 =	vld [tilespmem:s31+$0x1B0]  }
0x88: {  	v1 =	vld [tilespmem:s31+$0x6180]  }
0x89: {  	v2 =	vld [tilespmem:s31+$0x6190];
	v13 =	vpop (erf)  }
0x8a: {  	v4 =	vld [tilespmem:s31+$0x1A0];
	[tilespmem:s30+$0x2180] =	vst v13;
	v14 =	vpop (erf)  }
0x8b: {  	s0 =	simm.s32 $0x200;
	v3 =	vmul.f32 v13, v8;
	v11 =	vld [tilespmem:s31+$0x2180];
	[tilespmem:s30+$0x2190] =	vst v14;
	v8 =	vmul.f32 v14, v12;
	v12 =	vpop (erf)  }
.LBB2_4:
0x8c: {  	p1 =	sne.s32 s0, $0x7F00;
	v13 =	vld [tilespmem:s31+$0x2190];
	[tilespmem:s30+$0x21A0] =	vst v12;
	v10 =	vmul.f32 v12, v10;
	v12 =	vpop (erf)  }
0x8d: {  	v14 =	vld [tilespmem:s31+$0x21A0];
	[tilespmem:s30+$0x21B0] =	vst v12;
	v9 =	vmul.f32 v12, v9  }
0x8e: {  	v12 =	vld [tilespmem:s31+$0x21B0];
	[tilespmem:s30+$0x41A0] =	vst v10  }
0x8f: {  	v10 =	vld [tilespmem:s31+$0x61A0];
	[tilespmem:s30+$0x41B0] =	vst v9  }
0x90: {  	v7 =	vadd.f32 v11, v7;
	v9 =	vld [tilespmem:s31+$0x61B0];
	[tilespmem:s30+$0x4190] =	vst v8  }
0x91: {  	v6 =	vadd.f32 v13, v6;
	[tilespmem:s30+$0x4180] =	vst v3;
	s30 =	smov.u32 s31  }
0x92: {  	v1 =	vadd.f32 v1, v7;
	v3 =	vadd.f32 v14, v4  }
0x93: {  	v2 =	vadd.f32 v2, v6;
	v4 =	vadd.f32 v12, v5  }
0x94: {  	v5 =	vmax.f32 v1, $0.0e+00;
	v1 =	vsub.f32 $0.0e+00, v1;
	v3 =	vadd.f32 v10, v3  }
0x95: {  	[tilespmem:s30+$0x180] =	vst v5;
	v5 =	vmax.f32 v2, $0.0e+00;
	v2 =	vsub.f32 $0.0e+00, v2;
	v4 =	vadd.f32 v9, v4  }
0x96: {  	v1 =	vmul.f32 $1.442695020e+00, v1;
	[tilespmem:s30+$0x190] =	vst v5;
	v5 =	vmax.f32 v3, $0.0e+00;
	v3 =	vsub.f32 $0.0e+00, v3  }
0x97: {  	v2 =	vmul.f32 $1.442695020e+00, v2;
	[tilespmem:s30+$0x1A0] =	vst v5;
	v5 =	vmax.f32 v4, $0.0e+00;
	v4 =	vsub.f32 $0.0e+00, v4  }
0x98: {  	v3 =	vmul.f32 $1.442695020e+00, v3;
	[tilespmem:s30+$0x1B0] =	vst v5;
	(erf) = vpow2.f32 v1  }
0x99: {  	v1 =	vmul.f32 $1.442695020e+00, v4;
	(erf) = vpow2.f32 v2  }
0x9a: {  	(erf) = vpow2.f32 v3  }
0x9b: {  	(erf) = vpow2.f32 v1;
	_ =	sdelay $0x5  }
0x9c: {  	v1 =	vpop (erf)  }
0x9d: {  	v1 =	vadd.f32 $1.000000000e+00, v1;
	v2 =	vpop (erf)  }
0x9e: {  	v2 =	vadd.f32 $1.000000000e+00, v2;
	v3 =	vpop (erf)  }
0x9f: {  	s31 =	sshra.s32 s0, $0x2;
	v3 =	vadd.f32 $1.000000000e+00, v3;
	(erf) = vrcp.f32 v1;
	v4 =	vpop (erf)  }
0xa0: {  	v1 =	vld [tilespmem:s31+$0x6180];
	v4 =	vadd.f32 $1.000000000e+00, v4;
	(erf) = vrcp.f32 v2  }
0xa1: {  	v2 =	vld [tilespmem:s31+$0x6190];
	(erf) = vrcp.f32 v3  }
0xa2: {  	v3 =	vld [tilespmem:s30+$0x4180];
	(erf) = vrcp.f32 v4  }
0xa3: {  	v8 =	vld [tilespmem:s30+$0x4190]  }
0xa4: {  	v10 =	vld [tilespmem:s30+$0x41A0]  }
0xa5: {  	v9 =	vld [tilespmem:s30+$0x41B0]  }
.Ltmp5:
0xa6: {  	v7 =	vld [tilespmem:s31+$0x180];
	(pc) =	sbr.rel @p1 .LBB2_4-.Ltmp5, $4  }
0xa7: {  	v6 =	vld [tilespmem:s31+$0x190]  }
0xa8: {  	v4 =	vld [tilespmem:s31+$0x1A0];
	v11 =	vpop (erf)  }
0xa9: {  	v5 =	vld [tilespmem:s31+$0x1B0];
	[tilespmem:s30+$0x2180] =	vst v11;
	v3 =	vmul.f32 v11, v3;
	v12 =	vpop (erf)  }
0xaa: {  	s0 =	sadd.s32 $0x100, s0;
	v11 =	vld [tilespmem:s31+$0x2180];
	[tilespmem:s30+$0x2190] =	vst v12;
	v8 =	vmul.f32 v12, v8;
	v12 =	vpop (erf)  }
0xab: {  	v13 =	vld [tilespmem:s31+$0x2190];
	[tilespmem:s30+$0x21A0] =	vst v12;
	v14 =	vpop (erf);
	v10 =	vmul.f32 v12, v10  }
0xac: {  	v15 =	vld [tilespmem:s31+$0x21A0];
	[tilespmem:s30+$0x21B0] =	vst v14  }
0xad: {  	v9 =	vmul.f32 v14, v9;
	v50 =	vld [tilespmem:s31+$0x21B0];
	[tilespmem:s30+$0x41A0] =	vst v10  }
0xae: {  	v10 =	vld [tilespmem:s31+$0x61A0]  }
0xaf: {  	[tilespmem:s30+$0x41B0] =	vst v9;
	v7 =	vadd.f32 v11, v7  }
0xb0: {  	v9 =	vld [tilespmem:s31+$0x61B0];
	v6 =	vadd.f32 v13, v6  }
0xb1: {  	v1 =	vadd.f32 v1, v7;
	v4 =	vadd.f32 v15, v4  }
0xb2: {  	v2 =	vadd.f32 v2, v6;
	v5 =	vadd.f32 v50, v5  }
0xb3: {  	v51 =	vsub.f32 $0.0e+00, v1;
	v4 =	vadd.f32 v10, v4  }
0xb4: {  	v52 =	vsub.f32 $0.0e+00, v2  }
0xb5: {  	v5 =	vadd.f32 v9, v5;
	v6 =	vmul.f32 $1.442695020e+00, v51;
	v53 =	vsub.f32 $0.0e+00, v4  }
0xb6: {  	v7 =	vmul.f32 $1.442695020e+00, v52  }
0xb7: {  	v54 =	vsub.f32 $0.0e+00, v5;
	v9 =	vmul.f32 $1.442695020e+00, v53;
	(erf) = vpow2.f32 v6  }
0xb8: {  	(erf) = vpow2.f32 v7  }
0xb9: {  	v55 =	vmul.f32 $1.442695020e+00, v54;
	(erf) = vpow2.f32 v9;
	_ =	sdelay $0x1  }
0xba: {  	(erf) = vpow2.f32 v55;
	_ =	sdelay $0x4  }
0xbb: {  	v56 =	vpop (erf)  }
0xbc: {  	v6 =	vadd.f32 $1.000000000e+00, v56;
	v7 =	vpop (erf)  }
0xbd: {  	v7 =	vadd.f32 $1.000000000e+00, v7;
	v9 =	vpop (erf)  }
0xbe: {  	v57 =	vadd.f32 $1.000000000e+00, v9;
	(erf) = vrcp.f32 v6  }
0xbf: {  	[tilespmem:s30+$0x4190] =	vst v8;
	v58 =	vpop (erf);
	(erf) = vrcp.f32 v7  }
0xc0: {  	[tilespmem:s30+$0x4180] =	vst v3;
	v1 =	vmax.f32 v1, $0.0e+00;
	v3 =	vadd.f32 $1.000000000e+00, v58;
	(erf) = vrcp.f32 v57  }
0xc1: {  	[tilespmem:s31+$0x180] =	vst v1;
	v1 =	vmax.f32 v2, $0.0e+00  }
0xc2: {  	[tilespmem:s31+$0x190] =	vst v1;
	v1 =	vmax.f32 v4, $0.0e+00;
	(erf) = vrcp.f32 v3  }
0xc3: {  	[tilespmem:s31+$0x1A0] =	vst v1;
	v1 =	vmax.f32 v5, $0.0e+00  }
0xc4: {  	[tilespmem:s31+$0x1B0] =	vst v1;
	v1 =	vld [tilespmem:s31+$0x4180];
	_ =	sdelay $0x1  }
0xc5: {  	v59 =	vld [tilespmem:s31+$0x4190]  }
0xc6: {  	v2 =	vld [tilespmem:s31+$0x41A0];
	v60 =	vpop (erf)  }
0xc7: {  	v3 =	vld [tilespmem:s31+$0x41B0];
	[tilespmem:s31+$0x2180] =	vst v60;
	v61 =	vpop (erf)  }
0xc8: {  	v1 =	vmul.f32 v60, v1;
	[tilespmem:s31+$0x2190] =	vst v61;
	v62 =	vpop (erf)  }
0xc9: {  	[tilespmem:s31+$0x21A0] =	vst v62  }
0xca: {  	v4 =	vmul.f32 v61, v59;
	v63 =	vpop (erf);
	[tilespmem:s31+$0x4180] =	vst v1  }
0xcb: {  	v2 =	vmul.f32 v62, v2;
	[tilespmem:s31+$0x21B0] =	vst v63  }
0xcc: {  	v3 =	vmul.f32 v63, v3;
	[tilespmem:s31+$0x4190] =	vst v4  }
0xcd: {  	[tilespmem:s31+$0x41A0] =	vst v2  }
0xce: {  	[tilespmem:s31+$0x41B0] =	vst v3  }
0xcf: {  	[spmem:s1] =	stream.indirect.scatter.add.f32 [tilespmem:s24], [sflag:$0x3], $0x40, s20, s20, $0xb8;
	[tilespmem:$0x1BA00] =	vst v63  }
0xd0: {  	_ =	swait.ge [sflag:s19], $0x2000  }
0xd1: {  	[sflag:s19] =	ssyncset.done $0x0  }
.Ltmp6:
0xd2: {  	[sflag:s19] =	ssyncadd.s32 $0xFFFFE000;
	(pc) =	sbr.rel .LBB2_6-.Ltmp6, $4  }
0xd3: {  	[spmem:s2] =	stream.indirect.scatter.add.f32 [tilespmem:s23], [sflag:$0x2], $0x40, s20, s20, $0xb8;
	[tilespmem:$0x1BA00] =	vst v63  }
0xd4: {  	_ =	swait.ge [sflag:s28], $0x2000  }
0xd5: {  	[sflag:s28] =	ssyncset.done $0x0  }
0xd6: {  	[sflag:s28] =	ssyncadd.s32 $0xFFFFE000  }
.LBB2_8:
0xd7: {  	_ =	sfence.sel $0x180000  }
0xd8: {  	[bflag:$0x0] =	sbarrier.arrive $0xFFFF  }
0xd9: {  	_ =	strace $0x9000004D  }
0xda: {  	[bflag:$0x2] =	sbarrier.arrive $0xFFFF  }
0xdb: {  	p0 =	sne.s32 s3, $0x0;
	s0 =	rddreg [dreg:$0x3]  }
0xdc: {  	s0 =	sadd.s32 @!p0 $0x100000, s0  }
0xdd: {  	[sflag:s0] =	ssyncadd.tile.s32 @!p0 $0x1;
	_ =	shalt  }
.Lfunc_end2:
_tile_overlayer_lowered:
.L_overlay_start_2:
0xde: {  	(tag) =	ssettag $0x2  }
0xdf: {  	s0 =	rddreg [dreg:$0x0];
	s2 =	stileid.u32  }
0xe0: {  	s1 =	rddreg [dreg:$0x1];
	p0 =	sne.s32 s2, $0x0  }
0xe1: {  	s3 =	rddreg [dreg:$0x2];
	[bflag:$0x3] =	sbarrier.arrive $0xFFFF;
	s2 =	simm.s32 @!p0 $0x1C02  }
0xe2: {  	[timem:s3], [sflag:s2] =	dma.local @!p0 [hbm:s0], s1  }
0xe3: {  	s0 =	simm.s32 @!p0 $0x2  }
0xe4: {  	_ =	swait.ge @!p0 [sflag:s0], s1  }
0xe5: {  	s1 =	ssub.s32 @!p0 $0x0, s1;
	[sflag:s0] =	ssyncset.done @!p0 $0x0  }
0xe6: {  	[sflag:s0] =	ssyncadd.s32 @!p0 s1  }
0xe7: {  	[bflag:$0x3] =	sbarrier.arrive $0xFFFF  }
0xe8: {  	_ =	shalt  }

</sc_bundles>
